<compile_context>
chip_gen: v7x
topology: tpu7x:2x2x1
jax: 0.10.2.dev20260603
libtpu: 0.0.44.dev20260713+nightly
codegen_flags: <defaults>
</compile_context>

<pallas_src>
import jax
import jax.numpy as jnp
from jax import lax
from jax.experimental import pallas as pl
from jax.experimental.pallas import tpu as pltpu
from jax.experimental.pallas import tpu_sc as plsc

N = 10000
D = 128
H = 64
T = 28
Q = 3
K = 50

NC = 2
NS = 16
L = 16
NW = NC * NS

NP = 10240
HD = 64
DP2 = 80
F = 128
FS = 96
TP = 32
K2 = 56

EB = 128
NB = 128
BLK = 512

EBATS = 2500
EBS = EBATS // NS
EBR = EBATS - EBS * NS


def _edge_body(src_hbm, dst_hbm, x_hbm, valid_hbm, agg_hbm,
               sidx_v, didx_v, rows_v, x_sh, agg_sh, semi, semg, sems):
    cid = lax.axis_index("c")
    sid = lax.axis_index("s")
    nbat = EBS + jnp.where(sid < EBR, 1, 0)
    bat0 = sid * EBS + jnp.minimum(sid, EBR)
    zrows = NP // NS

    def zrow(i, _):
        for c in range(DP2 // L):
            rows_v[0, i, pl.ds(c * L, L)] = jnp.zeros((L,), jnp.float32)
        return 0
    lax.fori_loop(0, EB, zrow, 0)
    for z in range(zrows // EB):
        pltpu.sync_copy(rows_v.at[0],
                        agg_sh.at[pl.ds(sid * zrows + z * EB, EB)])
        pltpu.sync_copy(rows_v.at[0],
                        x_sh.at[pl.ds(sid * zrows + z * EB, EB)])
    r0 = sid * zrows

    @pl.when(cid == 0)
    def _():
        pltpu.sync_copy(x_hbm.at[pl.ds(r0, zrows), pl.ds(0, HD)],
                        x_sh.at[pl.ds(r0, zrows), pl.ds(0, HD)])

    @pl.when(cid == 1)
    def _():
        pltpu.sync_copy(x_hbm.at[pl.ds(r0, zrows), pl.ds(HD, HD)],
                        x_sh.at[pl.ds(r0, zrows), pl.ds(0, HD)])
    pltpu.sync_copy(valid_hbm.at[pl.ds(r0, zrows)],
                    x_sh.at[pl.ds(r0, zrows), pl.ds(HD, 8)])
    plsc.subcore_barrier()

    e0 = bat0 * EB
    pltpu.async_copy(src_hbm.at[pl.ds(e0, EB)], sidx_v.at[0], semi)
    pltpu.async_copy(dst_hbm.at[pl.ds(e0, EB)], didx_v.at[0], semi)

    def body(j, _):
        b = j % 2
        base = e0 + j * EB
        pltpu.make_async_copy(src_hbm.at[pl.ds(base, EB)],
                              sidx_v.at[b], semi).wait()
        pltpu.make_async_copy(dst_hbm.at[pl.ds(base, EB)],
                              didx_v.at[b], semi).wait()

        @pl.when(j + 1 < nbat)
        def _():
            pltpu.async_copy(src_hbm.at[pl.ds(base + EB, EB)],
                             sidx_v.at[1 - b], semi)
            pltpu.async_copy(dst_hbm.at[pl.ds(base + EB, EB)],
                             didx_v.at[1 - b], semi)

        @pl.when(j >= 2)
        def _():
            pltpu.make_async_copy(rows_v.at[b],
                                  agg_sh.at[pl.ds(0, EB)], sems).wait()
        pltpu.async_copy(x_sh.at[sidx_v.at[b]], rows_v.at[b], semg).wait()
        pltpu.async_copy(rows_v.at[b], agg_sh.at[didx_v.at[b]], sems,
                         add=True)
        return 0
    lax.fori_loop(0, nbat, body, 0)
    pltpu.make_async_copy(rows_v.at[0], agg_sh.at[pl.ds(0, EB)],
                          sems).wait()
    pltpu.make_async_copy(rows_v.at[1], agg_sh.at[pl.ds(0, EB)],
                          sems).wait()
    plsc.subcore_barrier()

    pltpu.sync_copy(agg_sh.at[pl.ds(r0, zrows)],
                    agg_hbm.at[cid, pl.ds(r0, zrows), pl.ds(0, DP2)])


def _dense_body(x_ref, agg_ref, sc_ref, msk_ref, valid_ref,
                ws0_ref, ws1_ref, wn0_ref, wn1_ref, wp_ref, b_ref, r_ref,
                wt_ref, base_ref, w_ref):
    a0 = agg_ref[0]
    a1 = agg_ref[1]
    deg = jnp.maximum(a0[:, HD:HD + 1], 1.0)
    aggm = (a0[:, :HD] / deg) @ wn0_ref[...] + (a1[:, :HD] / deg) @ wn1_ref[...]
    xb = x_ref[...]
    xs = xb[:, :HD] @ ws0_ref[...] + xb[:, HD:] @ ws1_ref[...]
    h = jnp.maximum(xs + aggm, 0.0)
    out96 = h @ wp_ref[...] + b_ref[...]
    sc = sc_ref[...]
    scb = sc @ r_ref[...]
    inv = (1.0 / sc) @ r_ref[...]
    m = msk_ref[...] > 0.0
    wt_ref[...] = out96 * scb * valid_ref[...]
    base_ref[...] = jnp.where(m, 0.0, out96)
    w_ref[...] = jnp.where(m, inv, 0.0)


def _kb_body(kbt_hbm, wt_hbm, base_hbm, w_hbm, out_hbm,
             kb_v, acc_v, bb_v, ww_v, wt_sh, sem, sem2):
    cid = lax.axis_index("c")
    sid = lax.axis_index("s")
    wid = sid * NC + cid
    nbat = jnp.where(wid < NW // 2, 3, 2)
    blk0 = wid * 2 + jnp.minimum(wid, NW // 2)

    srows = NP // NS
    pltpu.sync_copy(wt_hbm.at[pl.ds(sid * srows, srows), pl.ds(0, FS)],
                    wt_sh.at[pl.ds(sid * srows, srows)])
    plsc.subcore_barrier()

    def batch(j, _):
        bidx = blk0 + j
        nb = bidx * NB
        pltpu.sync_copy(kbt_hbm.at[bidx, pl.ds(0, K)], kb_v)
        cb = pltpu.async_copy(base_hbm.at[pl.ds(nb, NB), pl.ds(0, FS)],
                              bb_v, sem2)
        cw = pltpu.async_copy(w_hbm.at[pl.ds(nb, NB), pl.ds(0, FS)],
                              ww_v, sem2)
        pltpu.async_copy(wt_sh.at[kb_v.at[0]], acc_v, sem).wait()

        W = 8

        def kfire(k, _):
            pltpu.async_copy(wt_sh.at[kb_v.at[k]], acc_v, sem, add=True)

            @pl.when(k >= W + 1)
            def _():
                pltpu.make_async_copy(wt_sh.at[kb_v.at[0]], acc_v,
                                      sem).wait()
            return 0
        lax.fori_loop(1, K, kfire, 0)

        def kdrain(k, _):
            pltpu.make_async_copy(wt_sh.at[kb_v.at[0]], acc_v, sem).wait()
            return 0
        lax.fori_loop(0, W, kdrain, 0)
        cb.wait()
        cw.wait()

        def comb(i, _):
            for c in range(FS // L):
                s = pl.ds(c * L, L)
                acc_v[i, s] = bb_v[i, s] + acc_v[i, s] * ww_v[i, s]
            return 0
        lax.fori_loop(0, NB, comb, 0)
        pltpu.sync_copy(acc_v, out_hbm.at[pl.ds(nb, NB)])
        return 0
    lax.fori_loop(0, nbat, batch, 0)


def kernel(x, edge_index, keybom, scaler, key_aggregation_status,
           W_self, W_neigh, W_proj, b_proj):
    f32 = jnp.float32
    i32 = jnp.int32
    E = edge_index.shape[1]
    assert E == EBATS * EB

    src = edge_index[0]
    dst = edge_index[1]
    xpad = jnp.pad(x, ((0, NP - N), (0, 0)))
    kb = jnp.where(keybom < 0, N, keybom)
    kbt3 = (jnp.full((K2, NP), N, i32).at[:K, :N].set(kb.T)
            .reshape(K2, NP // NB, NB).transpose(1, 0, 2))
    scp = jnp.ones((NP, TP), f32).at[:N, :T].set(scaler)
    mskf = jnp.zeros((NP, 1), f32).at[:N].set(
        (key_aggregation_status > 0).astype(f32))
    validf = jnp.zeros((NP, 1), f32).at[:N, :].set(1.0)
    validf8 = jnp.zeros((NP, 8), f32).at[:N, 0].set(1.0)
    wp96 = jnp.zeros((H, F), f32).at[:, :T * Q].set(W_proj)
    b96 = jnp.zeros((1, F), f32).at[0, :T * Q].set(b_proj)
    rmat = ((jnp.arange(F)[None, :] // Q == jnp.arange(TP)[:, None])
            & (jnp.arange(F)[None, :] < T * Q)).astype(f32)

    mesh = plsc.VectorSubcoreMesh(core_axis_name="c", subcore_axis_name="s",
                                  num_cores=NC, num_subcores=NS)

    edge_fn = pl.kernel(
        _edge_body,
        out_type=jax.ShapeDtypeStruct((NC, NP, F), f32),
        mesh=mesh,
        compiler_params=pltpu.CompilerParams(use_tc_tiling_on_sc=False),
        scratch_types=[
            pltpu.VMEM((2, EB), i32),
            pltpu.VMEM((2, EB), i32),
            pltpu.VMEM((2, EB, DP2), f32),
            pltpu.VMEM_SHARED((NP, DP2), f32),
            pltpu.VMEM_SHARED((NP, DP2), f32),
            pltpu.SemaphoreType.DMA,
            pltpu.SemaphoreType.DMA,
            pltpu.SemaphoreType.DMA,
        ],
    )
    agg2 = edge_fn(src, dst, xpad, validf8)

    grid = NP // BLK
    wt, base, w = pl.pallas_call(
        _dense_body,
        grid=(grid,),
        in_specs=[
            pl.BlockSpec((BLK, D), lambda i: (i, 0)),
            pl.BlockSpec((NC, BLK, F), lambda i: (0, i, 0)),
            pl.BlockSpec((BLK, TP), lambda i: (i, 0)),
            pl.BlockSpec((BLK, 1), lambda i: (i, 0)),
            pl.BlockSpec((BLK, 1), lambda i: (i, 0)),
            pl.BlockSpec((HD, H), lambda i: (0, 0)),
            pl.BlockSpec((HD, H), lambda i: (0, 0)),
            pl.BlockSpec((HD, H), lambda i: (0, 0)),
            pl.BlockSpec((HD, H), lambda i: (0, 0)),
            pl.BlockSpec((H, F), lambda i: (0, 0)),
            pl.BlockSpec((1, F), lambda i: (0, 0)),
            pl.BlockSpec((TP, F), lambda i: (0, 0)),
        ],
        out_specs=[
            pl.BlockSpec((BLK, F), lambda i: (i, 0)),
            pl.BlockSpec((BLK, F), lambda i: (i, 0)),
            pl.BlockSpec((BLK, F), lambda i: (i, 0)),
        ],
        out_shape=[
            jax.ShapeDtypeStruct((NP, F), f32),
            jax.ShapeDtypeStruct((NP, F), f32),
            jax.ShapeDtypeStruct((NP, F), f32),
        ],
    )(xpad, agg2, scp, mskf, validf,
      W_self[:HD], W_self[HD:], W_neigh[:HD], W_neigh[HD:],
      wp96, b96, rmat)

    kb_fn = pl.kernel(
        _kb_body,
        out_type=jax.ShapeDtypeStruct((NP, FS), f32),
        mesh=mesh,
        compiler_params=pltpu.CompilerParams(use_tc_tiling_on_sc=False),
        scratch_types=[
            pltpu.VMEM((K, NB), i32),
            pltpu.VMEM((NB, FS), f32),
            pltpu.VMEM((NB, FS), f32),
            pltpu.VMEM((NB, FS), f32),
            pltpu.VMEM_SHARED((NP, FS), f32),
            pltpu.SemaphoreType.DMA,
            pltpu.SemaphoreType.DMA,
        ],
    )
    outp = kb_fn(kbt3, wt, base, w)

    return outp[:N, :T * Q].reshape(N, T, Q)

# --- scband reference (transcript-rebuilt; emitter-appended) ---
"""Pipeline reference for scband-stgnn-12438225289669 (READ-ONLY COPY).

The authoritative reference and input builder live on the scoring server;
editing this copy changes nothing except your own understanding.
"""

import jax, jax.numpy as jnp
import numpy as np

N = 10000
E = 320000
D = 128
H = 64
T = 28
Q = 3
K = 50

def setup_inputs(seed: int = 0) -> dict:
    key = jax.random.key(seed)
    ks = jax.random.split(key, 10)
    x = jax.random.normal(ks[0], (N, D), dtype=jnp.float32)
    edge_index = jax.random.randint(ks[1], (2, E), 0, N, dtype=jnp.int32)
    keybom = jax.random.randint(ks[2], (N, K), 0, N, dtype=jnp.int32)
    key_aggregation_status = jax.random.randint(ks[3], (N, 1), 0, 2, dtype=jnp.int32)
    scaler = jax.random.uniform(ks[4], (N, T), minval=0.5, maxval=1.5, dtype=jnp.float32)
    W_self = jax.random.normal(ks[5], (D, H), dtype=jnp.float32) * 0.05
    W_neigh = jax.random.normal(ks[6], (D, H), dtype=jnp.float32) * 0.05
    W_proj = jax.random.normal(ks[7], (H, T * Q), dtype=jnp.float32) * 0.05
    b_proj = jnp.zeros((T * Q,), dtype=jnp.float32)
    return {"x": x, "edge_index": edge_index, "keybom": keybom, "scaler": scaler,
            "key_aggregation_status": key_aggregation_status, "W_self": W_self,
            "W_neigh": W_neigh, "W_proj": W_proj, "b_proj": b_proj}


def reference(x, edge_index, keybom, scaler, key_aggregation_status, W_self, W_neigh, W_proj, b_proj):
    # --- GNN embedding (homogeneous GraphSAGE mean-aggregator layer) ---
    src = edge_index[0]
    dst = edge_index[1]
    msgs = jnp.take(x, src, axis=0)                                  # gather [E, D]
    agg = jax.ops.segment_sum(msgs, dst, num_segments=N)             # scatter-add [N, D]
    deg = jax.ops.segment_sum(jnp.ones((E,), x.dtype), dst, num_segments=N)
    agg = agg / jnp.maximum(deg, 1.0)[:, None]
    h = jax.nn.relu(x @ W_self + agg @ W_neigh)                      # [N, H]
    # --- projection to (time_steps, n_quantiles) ---
    out = (h @ W_proj + b_proj).reshape(N, T, Q)                     # [N, T, Q]
    # --- keybom aggregation (sum_over_index, vmapped over rows) ---
    out_ext = jnp.concatenate([out, jnp.zeros((1, T, Q), out.dtype)], axis=0)        # dummy row
    scaler_ext = jnp.concatenate([scaler[:, :, None], jnp.ones((1, T, 1), scaler.dtype)], axis=0)
    weighted = out_ext * scaler_ext                                  # [N+1, T, Q]
    kb = jnp.where(keybom < 0, N, keybom)                            # -1 padding -> dummy row
    gathered = jnp.take(weighted, kb, axis=0)                        # [N, K, T, Q] gather
    kl_out = gathered.sum(axis=1)                                    # segment-style reduce over fanout
    mask = (key_aggregation_status[:, 0] > 0)[:, None, None]         # key_level != 0
    out = jnp.where(mask, kl_out / scaler[:, :, None], out)
    return out

if __name__ == "__main__":
    import jax
    _d = setup_inputs()
    print(jax.jit(kernel)(*tuple(_d.values())))

</pallas_src>

<mosaic_0001>
#map = affine_map<(d0, d1) -> (0, 0, 0)>
#map1 = affine_map<(d0, d1) -> (0, 0)>
module attributes {stable_mosaic.version = 14 : i64} {
  func.func @_kb_body(%arg0: i32, %arg1: i32, %arg2: memref<80x56x128xi32, #tpu.memory_space<hbm>>, %arg3: memref<10240x128xf32, #tpu.memory_space<hbm>>, %arg4: memref<10240x128xf32, #tpu.memory_space<hbm>>, %arg5: memref<10240x128xf32, #tpu.memory_space<hbm>>, %arg6: memref<10240x96xf32, #tpu.memory_space<hbm>>, %arg7: memref<50x128xi32, #tpu.memory_space<vmem>>, %arg8: memref<128x96xf32, #tpu.memory_space<vmem>>, %arg9: memref<128x96xf32, #tpu.memory_space<vmem>>, %arg10: memref<128x96xf32, #tpu.memory_space<vmem>>, %arg11: memref<10240x96xf32, #tpu.memory_space<vmem_shared>>, %arg12: memref<!tpu.dma_semaphore, #tpu.memory_space<semaphore_mem>>, %arg13: memref<!tpu.dma_semaphore, #tpu.memory_space<semaphore_mem>>) attributes {dimension_semantics = [#tpu.dimension_semantics<core_parallel>, #tpu.dimension_semantics<subcore_parallel>], iteration_bounds = array<i64: 2, 16>, scalar_prefetch = 0 : i64, scratch_operands = 7 : i64, tpu.core_type = #tpu.core_type<sc_vector_subcore>, window_params = [{transform_indices = #map}, {transform_indices = #map1}, {transform_indices = #map1}, {transform_indices = #map1}, {transform_indices = #map1}]} {
    %mul3A = arith.constant 2 : i32
    %mul3A_0 = arith.muli %arg1, %mul3A : i32
    %add3A = arith.addi %mul3A_0, %arg0 : i32
    %lt3A = arith.constant 16 : i32
    %lt3A_1 = arith.cmpi slt, %add3A, %lt3A : i32
    %jit3A = arith.constant 3 : i32
    %jit3A_2 = arith.constant 2 : i32
    %select_n3A = arith.select %lt3A_1, %jit3A, %jit3A_2 : i32
    %mul3A_3 = arith.constant 2 : i32
    %mul3A_4 = arith.muli %add3A, %mul3A_3 : i32
    %min3A = arith.constant 16 : i32
    %min3A_5 = arith.minsi %add3A, %min3A : i32
    %add3A_6 = arith.addi %mul3A_4, %min3A_5 : i32
    %mul3A_7 = arith.constant 640 : i32
    %mul3A_8 = arith.muli %arg1, %mul3A_7 : i32
    %mul3A_9 = arith.constant 640 : i32
    %mul3A_10 = arith.muli %arg1, %mul3A_9 : i32
    "tpu.region"() ({
      %run_scoped3A = tpu.sem_alloc : memref<!tpu.dma_semaphore, #tpu.memory_space<semaphore_mem>>
      %dma_start3A = arith.constant 0 : i32
      %dma_start3A_22 = tpu.memref_slice %arg11[%mul3A_10, %dma_start3A] : memref<10240x96xf32, #tpu.memory_space<vmem_shared>> -> memref<640x96xf32, #tpu.memory_space<vmem_shared>>
      %dma_start3A_23 = arith.constant 0 : i32
      %dma_start3A_24 = tpu.memref_slice %arg3[%mul3A_8, %dma_start3A_23] : memref<10240x128xf32, #tpu.memory_space<hbm>> -> memref<640x96xf32, #tpu.memory_space<hbm>>
      tpu.enqueue_dma source(%dma_start3A_24 : memref<640x96xf32, #tpu.memory_space<hbm>>) target(%dma_start3A_22 : memref<640x96xf32, #tpu.memory_space<vmem_shared>>) target_semaphore(%run_scoped3A : memref<!tpu.dma_semaphore, #tpu.memory_space<semaphore_mem>>)
      %dma_wait3A = arith.constant 0 : i32
      %dma_wait3A_25 = tpu.memref_slice %arg11[%mul3A_10, %dma_wait3A] : memref<10240x96xf32, #tpu.memory_space<vmem_shared>> -> memref<640x96xf32, #tpu.memory_space<vmem_shared>>
      %dma_wait3A_26 = arith.constant 0 : i32
      %dma_wait3A_27 = tpu.memref_slice %arg3[%mul3A_8, %dma_wait3A_26] : memref<10240x128xf32, #tpu.memory_space<hbm>> -> memref<640x96xf32, #tpu.memory_space<hbm>>
      tpu.wait_dma2 semaphore(%run_scoped3A : memref<!tpu.dma_semaphore, #tpu.memory_space<semaphore_mem>>) src(%dma_wait3A_27 : memref<640x96xf32, #tpu.memory_space<hbm>>) dst(%dma_wait3A_25 : memref<640x96xf32, #tpu.memory_space<vmem_shared>>)
      tpu.yield
    }) : () -> ()
    %barrier3A = arith.constant 0 : index
    tpu.barrier barrier_id(%barrier3A)
    %while3A = arith.constant 0 : i32
    %while3A_11 = arith.constant 0 : i32
    %while3A_12 = arith.subi %select_n3A, %while3A : i32
    %while3A_13 = arith.addi %while3A, %while3A_12 : i32
    %while3A_14 = arith.constant 1 : i32
    %while3A_15 = arith.divsi %while3A_12, %while3A_14 : i32
    %while3A_16 = arith.muli %while3A_15, %while3A_14 : i32
    %while3A_17 = arith.addi %while3A, %while3A_16 : i32
    %while3A_18 = arith.constant 1 : i32
    %while3A_19 = scf.for %while3A_22 = %while3A to %while3A_17 step %while3A_18 iter_args(%while3A_23 = %while3A_11) -> (i32)  : i32 {
      %add3A_24 = arith.addi %add3A_6, %while3A_22 : i32
      %mul3A_25 = arith.constant 128 : i32
      %mul3A_26 = arith.muli %add3A_24, %mul3A_25 : i32
      "tpu.region"() ({
        %run_scoped3A = tpu.sem_alloc : memref<!tpu.dma_semaphore, #tpu.memory_space<semaphore_mem>>
        %dma_start3A_76 = arith.constant 0 : i32
        %dma_start3A_77 = arith.constant 0 : i32
        %dma_start3A_78 = tpu.memref_slice %arg2[%add3A_24, %dma_start3A_76, %dma_start3A_77] : memref<80x56x128xi32, #tpu.memory_space<hbm>> -> memref<1x50x128xi32, #tpu.memory_space<hbm>>
        %dma_start3A_79 = tpu.memref_squeeze %dma_start3A_78 : memref<1x50x128xi32, #tpu.memory_space<hbm>> -> memref<50x128xi32, #tpu.memory_space<hbm>>
        %dma_start3A_80 = arith.constant 0 : i32
        %dma_start3A_81 = arith.constant 0 : i32
        %dma_start3A_82 = tpu.memref_slice %arg2[%add3A_24, %dma_start3A_80, %dma_start3A_81] : memref<80x56x128xi32, #tpu.memory_space<hbm>> -> memref<1x50x128xi32, #tpu.memory_space<hbm>>
        %dma_start3A_83 = tpu.memref_squeeze %dma_start3A_82 : memref<1x50x128xi32, #tpu.memory_space<hbm>> -> memref<50x128xi32, #tpu.memory_space<hbm>>
        tpu.enqueue_dma source(%dma_start3A_83 : memref<50x128xi32, #tpu.memory_space<hbm>>) target(%arg7 : memref<50x128xi32, #tpu.memory_space<vmem>>) target_semaphore(%run_scoped3A : memref<!tpu.dma_semaphore, #tpu.memory_space<semaphore_mem>>)
        %dma_wait3A_84 = arith.constant 0 : i32
        %dma_wait3A_85 = arith.constant 0 : i32
        %dma_wait3A_86 = tpu.memref_slice %arg2[%add3A_24, %dma_wait3A_84, %dma_wait3A_85] : memref<80x56x128xi32, #tpu.memory_space<hbm>> -> memref<1x50x128xi32, #tpu.memory_space<hbm>>
        %dma_wait3A_87 = tpu.memref_squeeze %dma_wait3A_86 : memref<1x50x128xi32, #tpu.memory_space<hbm>> -> memref<50x128xi32, #tpu.memory_space<hbm>>
        %dma_wait3A_88 = arith.constant 0 : i32
        %dma_wait3A_89 = arith.constant 0 : i32
        %dma_wait3A_90 = tpu.memref_slice %arg2[%add3A_24, %dma_wait3A_88, %dma_wait3A_89] : memref<80x56x128xi32, #tpu.memory_space<hbm>> -> memref<1x50x128xi32, #tpu.memory_space<hbm>>
        %dma_wait3A_91 = tpu.memref_squeeze %dma_wait3A_90 : memref<1x50x128xi32, #tpu.memory_space<hbm>> -> memref<50x128xi32, #tpu.memory_space<hbm>>
        tpu.wait_dma2 semaphore(%run_scoped3A : memref<!tpu.dma_semaphore, #tpu.memory_space<semaphore_mem>>) src(%dma_wait3A_91 : memref<50x128xi32, #tpu.memory_space<hbm>>) dst(%arg7 : memref<50x128xi32, #tpu.memory_space<vmem>>)
        tpu.yield
      }) : () -> ()
      %dma_start3A = arith.constant 0 : i32
      %dma_start3A_27 = tpu.memref_slice %arg4[%mul3A_26, %dma_start3A] : memref<10240x128xf32, #tpu.memory_space<hbm>> -> memref<128x96xf32, #tpu.memory_space<hbm>>
      %dma_start3A_28 = arith.constant 0 : i32
      %dma_start3A_29 = tpu.memref_slice %arg4[%mul3A_26, %dma_start3A_28] : memref<10240x128xf32, #tpu.memory_space<hbm>> -> memref<128x96xf32, #tpu.memory_space<hbm>>
      tpu.enqueue_dma source(%dma_start3A_29 : memref<128x96xf32, #tpu.memory_space<hbm>>) target(%arg9 : memref<128x96xf32, #tpu.memory_space<vmem>>) target_semaphore(%arg13 : memref<!tpu.dma_semaphore, #tpu.memory_space<semaphore_mem>>)
      %dma_start3A_30 = arith.constant 0 : i32
      %dma_start3A_31 = tpu.memref_slice %arg5[%mul3A_26, %dma_start3A_30] : memref<10240x128xf32, #tpu.memory_space<hbm>> -> memref<128x96xf32, #tpu.memory_space<hbm>>
      %dma_start3A_32 = arith.constant 0 : i32
      %dma_start3A_33 = tpu.memref_slice %arg5[%mul3A_26, %dma_start3A_32] : memref<10240x128xf32, #tpu.memory_space<hbm>> -> memref<128x96xf32, #tpu.memory_space<hbm>>
      tpu.enqueue_dma source(%dma_start3A_33 : memref<128x96xf32, #tpu.memory_space<hbm>>) target(%arg10 : memref<128x96xf32, #tpu.memory_space<vmem>>) target_semaphore(%arg13 : memref<!tpu.dma_semaphore, #tpu.memory_space<semaphore_mem>>)
      %dma_start3A_34 = arith.constant 0 : i32
      %dma_start3A_35 = arith.constant 0 : i32
      %dma_start3A_36 = tpu.memref_slice %arg7[%dma_start3A_34, %dma_start3A_35] : memref<50x128xi32, #tpu.memory_space<vmem>> -> memref<1x128xi32, #tpu.memory_space<vmem>>
      %dma_start3A_37 = tpu.memref_squeeze %dma_start3A_36 : memref<1x128xi32, #tpu.memory_space<vmem>> -> memref<128xi32, #tpu.memory_space<vmem>>
      %dma_start3A_38 = arith.constant 0 : i32
      %dma_start3A_39 = arith.constant 0 : i32
      %dma_start3A_40 = tpu.memref_slice %arg11[%dma_start3A_38, %dma_start3A_39] : memref<10240x96xf32, #tpu.memory_space<vmem_shared>> -> memref<10240x96xf32, #tpu.memory_space<vmem_shared>>
      tpu.enqueue_indirect_dma source(%dma_start3A_40 : memref<10240x96xf32, #tpu.memory_space<vmem_shared>>) target(%arg8 : memref<128x96xf32, #tpu.memory_space<vmem>>) offsets(%dma_start3A_37 : memref<128xi32, #tpu.memory_space<vmem>>) semaphore(%arg12 : memref<!tpu.dma_semaphore, #tpu.memory_space<semaphore_mem>>)
      %dma_wait3A = arith.constant 0 : i32
      %dma_wait3A_41 = arith.constant 0 : i32
      %dma_wait3A_42 = tpu.memref_slice %arg7[%dma_wait3A, %dma_wait3A_41] : memref<50x128xi32, #tpu.memory_space<vmem>> -> memref<1x128xi32, #tpu.memory_space<vmem>>
      %dma_wait3A_43 = tpu.memref_squeeze %dma_wait3A_42 : memref<1x128xi32, #tpu.memory_space<vmem>> -> memref<128xi32, #tpu.memory_space<vmem>>
      %dma_wait3A_44 = arith.constant 0 : i32
      %dma_wait3A_45 = arith.constant 0 : i32
      %dma_wait3A_46 = tpu.memref_slice %arg11[%dma_wait3A_44, %dma_wait3A_45] : memref<10240x96xf32, #tpu.memory_space<vmem_shared>> -> memref<10240x96xf32, #tpu.memory_space<vmem_shared>>
      tpu.wait_indirect_dma semaphore(%arg12 : memref<!tpu.dma_semaphore, #tpu.memory_space<semaphore_mem>>) src(%dma_wait3A_46 : memref<10240x96xf32, #tpu.memory_space<vmem_shared>>) dst(%arg8 : memref<128x96xf32, #tpu.memory_space<vmem>>)
      %scan3A = arith.constant 0 : i32
      %scan3A_47 = arith.constant 1 : i32
      %scan3A_48 = arith.constant 49 : i32
      %scan3A_49 = arith.addi %scan3A_47, %scan3A_48 : i32
      %scan3A_50 = arith.constant 1 : i32
      %scan3A_51 = scf.for %scan3A_76 = %scan3A_47 to %scan3A_49 step %scan3A_50 iter_args(%scan3A_77 = %scan3A) -> (i32)  : i32 {
        %dma_start3A_78 = arith.constant 0 : i32
        %dma_start3A_79 = tpu.memref_slice %arg7[%scan3A_76, %dma_start3A_78] : memref<50x128xi32, #tpu.memory_space<vmem>> -> memref<1x128xi32, #tpu.memory_space<vmem>>
        %dma_start3A_80 = tpu.memref_squeeze %dma_start3A_79 : memref<1x128xi32, #tpu.memory_space<vmem>> -> memref<128xi32, #tpu.memory_space<vmem>>
        %dma_start3A_81 = arith.constant 0 : i32
        %dma_start3A_82 = arith.constant 0 : i32
        %dma_start3A_83 = tpu.memref_slice %arg11[%dma_start3A_81, %dma_start3A_82] : memref<10240x96xf32, #tpu.memory_space<vmem_shared>> -> memref<10240x96xf32, #tpu.memory_space<vmem_shared>>
        tpu.enqueue_indirect_dma source(%dma_start3A_83 : memref<10240x96xf32, #tpu.memory_space<vmem_shared>>) target(%arg8 : memref<128x96xf32, #tpu.memory_space<vmem>>) offsets(%dma_start3A_80 : memref<128xi32, #tpu.memory_space<vmem>>) semaphore(%arg12 : memref<!tpu.dma_semaphore, #tpu.memory_space<semaphore_mem>>) {add = true}
        %ge3A = arith.constant 9 : i32
        %ge3A_84 = arith.cmpi sge, %scan3A_76, %ge3A : i32
        %convert_element_type3A = arith.extui %ge3A_84 : i1 to i32
        %cond3A = arith.constant 0 : i32
        %cond3A_85 = arith.cmpi ne, %convert_element_type3A, %cond3A : i32
        scf.if %cond3A_85 {
          %dma_wait3A_87 = arith.constant 0 : i32
          %dma_wait3A_88 = arith.constant 0 : i32
          %dma_wait3A_89 = tpu.memref_slice %arg7[%dma_wait3A_87, %dma_wait3A_88] : memref<50x128xi32, #tpu.memory_space<vmem>> -> memref<1x128xi32, #tpu.memory_space<vmem>>
          %dma_wait3A_90 = tpu.memref_squeeze %dma_wait3A_89 : memref<1x128xi32, #tpu.memory_space<vmem>> -> memref<128xi32, #tpu.memory_space<vmem>>
          %dma_wait3A_91 = arith.constant 0 : i32
          %dma_wait3A_92 = arith.constant 0 : i32
          %dma_wait3A_93 = tpu.memref_slice %arg11[%dma_wait3A_91, %dma_wait3A_92] : memref<10240x96xf32, #tpu.memory_space<vmem_shared>> -> memref<10240x96xf32, #tpu.memory_space<vmem_shared>>
          tpu.wait_indirect_dma semaphore(%arg12 : memref<!tpu.dma_semaphore, #tpu.memory_space<semaphore_mem>>) src(%dma_wait3A_93 : memref<10240x96xf32, #tpu.memory_space<vmem_shared>>) dst(%arg8 : memref<128x96xf32, #tpu.memory_space<vmem>>)
        } else {
        }
        %scan3A_86 = arith.constant 0 : i32
        scf.yield %scan3A_86 : i32
      }
      %scan3A_52 = arith.constant 49 : i32
      %scan3A_53 = arith.constant 0 : i32
      %scan3A_54 = arith.constant 0 : i32
      %scan3A_55 = arith.constant 8 : i32
      %scan3A_56 = arith.addi %scan3A_54, %scan3A_55 : i32
      %scan3A_57 = arith.constant 1 : i32
      %scan3A_58 = scf.for %scan3A_76 = %scan3A_54 to %scan3A_56 step %scan3A_57 iter_args(%scan3A_77 = %scan3A_53) -> (i32)  : i32 {
        %dma_wait3A_78 = arith.constant 0 : i32
        %dma_wait3A_79 = arith.constant 0 : i32
        %dma_wait3A_80 = tpu.memref_slice %arg7[%dma_wait3A_78, %dma_wait3A_79] : memref<50x128xi32, #tpu.memory_space<vmem>> -> memref<1x128xi32, #tpu.memory_space<vmem>>
        %dma_wait3A_81 = tpu.memref_squeeze %dma_wait3A_80 : memref<1x128xi32, #tpu.memory_space<vmem>> -> memref<128xi32, #tpu.memory_space<vmem>>
        %dma_wait3A_82 = arith.constant 0 : i32
        %dma_wait3A_83 = arith.constant 0 : i32
        %dma_wait3A_84 = tpu.memref_slice %arg11[%dma_wait3A_82, %dma_wait3A_83] : memref<10240x96xf32, #tpu.memory_space<vmem_shared>> -> memref<10240x96xf32, #tpu.memory_space<vmem_shared>>
        tpu.wait_indirect_dma semaphore(%arg12 : memref<!tpu.dma_semaphore, #tpu.memory_space<semaphore_mem>>) src(%dma_wait3A_84 : memref<10240x96xf32, #tpu.memory_space<vmem_shared>>) dst(%arg8 : memref<128x96xf32, #tpu.memory_space<vmem>>)
        %scan3A_85 = arith.constant 0 : i32
        scf.yield %scan3A_85 : i32
      }
      %scan3A_59 = arith.constant 8 : i32
      %dma_wait3A_60 = arith.constant 0 : i32
      %dma_wait3A_61 = tpu.memref_slice %arg4[%mul3A_26, %dma_wait3A_60] : memref<10240x128xf32, #tpu.memory_space<hbm>> -> memref<128x96xf32, #tpu.memory_space<hbm>>
      %dma_wait3A_62 = arith.constant 0 : i32
      %dma_wait3A_63 = tpu.memref_slice %arg4[%mul3A_26, %dma_wait3A_62] : memref<10240x128xf32, #tpu.memory_space<hbm>> -> memref<128x96xf32, #tpu.memory_space<hbm>>
      tpu.wait_dma2 semaphore(%arg13 : memref<!tpu.dma_semaphore, #tpu.memory_space<semaphore_mem>>) src(%dma_wait3A_63 : memref<128x96xf32, #tpu.memory_space<hbm>>) dst(%arg9 : memref<128x96xf32, #tpu.memory_space<vmem>>)
      %dma_wait3A_64 = arith.constant 0 : i32
      %dma_wait3A_65 = tpu.memref_slice %arg5[%mul3A_26, %dma_wait3A_64] : memref<10240x128xf32, #tpu.memory_space<hbm>> -> memref<128x96xf32, #tpu.memory_space<hbm>>
      %dma_wait3A_66 = arith.constant 0 : i32
      %dma_wait3A_67 = tpu.memref_slice %arg5[%mul3A_26, %dma_wait3A_66] : memref<10240x128xf32, #tpu.memory_space<hbm>> -> memref<128x96xf32, #tpu.memory_space<hbm>>
      tpu.wait_dma2 semaphore(%arg13 : memref<!tpu.dma_semaphore, #tpu.memory_space<semaphore_mem>>) src(%dma_wait3A_67 : memref<128x96xf32, #tpu.memory_space<hbm>>) dst(%arg10 : memref<128x96xf32, #tpu.memory_space<vmem>>)
      %scan3A_68 = arith.constant 0 : i32
      %scan3A_69 = arith.constant 0 : i32
      %scan3A_70 = arith.constant 128 : i32
      %scan3A_71 = arith.addi %scan3A_69, %scan3A_70 : i32
      %scan3A_72 = arith.constant 1 : i32
      %scan3A_73 = scf.for %scan3A_76 = %scan3A_69 to %scan3A_71 step %scan3A_72 iter_args(%scan3A_77 = %scan3A_68) -> (i32)  : i32 {
        %get3A = arith.index_cast %scan3A_76 : i32 to index
        %get3A_78 = arith.constant 0 : index
        %get3A_79 = tpu.vector_load %arg9[%get3A, %get3A_78] {strides = array<i32>} : memref<128x96xf32, #tpu.memory_space<vmem>>, vector<1x16xf32>,
        %get3A_80 = vector.shape_cast %get3A_79 : vector<1x16xf32> to vector<16xf32>
        %get3A_81 = arith.index_cast %scan3A_76 : i32 to index
        %get3A_82 = arith.constant 0 : index
        %get3A_83 = tpu.vector_load %arg8[%get3A_81, %get3A_82] {strides = array<i32>} : memref<128x96xf32, #tpu.memory_space<vmem>>, vector<1x16xf32>,
        %get3A_84 = vector.shape_cast %get3A_83 : vector<1x16xf32> to vector<16xf32>
        %get3A_85 = arith.index_cast %scan3A_76 : i32 to index
        %get3A_86 = arith.constant 0 : index
        %get3A_87 = tpu.vector_load %arg10[%get3A_85, %get3A_86] {strides = array<i32>} : memref<128x96xf32, #tpu.memory_space<vmem>>, vector<1x16xf32>,
        %get3A_88 = vector.shape_cast %get3A_87 : vector<1x16xf32> to vector<16xf32>
        %mul3A_89 = arith.mulf %get3A_84, %get3A_88 : vector<16xf32>
        %add3A_90 = arith.addf %get3A_80, %mul3A_89 : vector<16xf32>
        %swap3A = arith.index_cast %scan3A_76 : i32 to index
        %swap3A_91 = arith.constant 0 : index
        %swap3A_92 = tpu.vector_load %arg8[%swap3A, %swap3A_91] {strides = array<i32>} : memref<128x96xf32, #tpu.memory_space<vmem>>, vector<1x16xf32>,
        %swap3A_93 = vector.shape_cast %swap3A_92 : vector<1x16xf32> to vector<16xf32>
        %swap3A_94 = vector.shape_cast %add3A_90 : vector<16xf32> to vector<1x16xf32>
        tpu.vector_store %arg8[%swap3A, %swap3A_91], %swap3A_94 {strides = array<i32>} : memref<128x96xf32, #tpu.memory_space<vmem>>, vector<1x16xf32>,
        %get3A_95 = arith.index_cast %scan3A_76 : i32 to index
        %get3A_96 = arith.constant 16 : index
        %get3A_97 = tpu.vector_load %arg9[%get3A_95, %get3A_96] {strides = array<i32>} : memref<128x96xf32, #tpu.memory_space<vmem>>, vector<1x16xf32>,
        %get3A_98 = vector.shape_cast %get3A_97 : vector<1x16xf32> to vector<16xf32>
        %get3A_99 = arith.index_cast %scan3A_76 : i32 to index
        %get3A_100 = arith.constant 16 : index
        %get3A_101 = tpu.vector_load %arg8[%get3A_99, %get3A_100] {strides = array<i32>} : memref<128x96xf32, #tpu.memory_space<vmem>>, vector<1x16xf32>,
        %get3A_102 = vector.shape_cast %get3A_101 : vector<1x16xf32> to vector<16xf32>
        %get3A_103 = arith.index_cast %scan3A_76 : i32 to index
        %get3A_104 = arith.constant 16 : index
        %get3A_105 = tpu.vector_load %arg10[%get3A_103, %get3A_104] {strides = array<i32>} : memref<128x96xf32, #tpu.memory_space<vmem>>, vector<1x16xf32>,
        %get3A_106 = vector.shape_cast %get3A_105 : vector<1x16xf32> to vector<16xf32>
        %mul3A_107 = arith.mulf %get3A_102, %get3A_106 : vector<16xf32>
        %add3A_108 = arith.addf %get3A_98, %mul3A_107 : vector<16xf32>
        %swap3A_109 = arith.index_cast %scan3A_76 : i32 to index
        %swap3A_110 = arith.constant 16 : index
        %swap3A_111 = tpu.vector_load %arg8[%swap3A_109, %swap3A_110] {strides = array<i32>} : memref<128x96xf32, #tpu.memory_space<vmem>>, vector<1x16xf32>,
        %swap3A_112 = vector.shape_cast %swap3A_111 : vector<1x16xf32> to vector<16xf32>
        %swap3A_113 = vector.shape_cast %add3A_108 : vector<16xf32> to vector<1x16xf32>
        tpu.vector_store %arg8[%swap3A_109, %swap3A_110], %swap3A_113 {strides = array<i32>} : memref<128x96xf32, #tpu.memory_space<vmem>>, vector<1x16xf32>,
        %get3A_114 = arith.index_cast %scan3A_76 : i32 to index
        %get3A_115 = arith.constant 32 : index
        %get3A_116 = tpu.vector_load %arg9[%get3A_114, %get3A_115] {strides = array<i32>} : memref<128x96xf32, #tpu.memory_space<vmem>>, vector<1x16xf32>,
        %get3A_117 = vector.shape_cast %get3A_116 : vector<1x16xf32> to vector<16xf32>
        %get3A_118 = arith.index_cast %scan3A_76 : i32 to index
        %get3A_119 = arith.constant 32 : index
        %get3A_120 = tpu.vector_load %arg8[%get3A_118, %get3A_119] {strides = array<i32>} : memref<128x96xf32, #tpu.memory_space<vmem>>, vector<1x16xf32>,
        %get3A_121 = vector.shape_cast %get3A_120 : vector<1x16xf32> to vector<16xf32>
        %get3A_122 = arith.index_cast %scan3A_76 : i32 to index
        %get3A_123 = arith.constant 32 : index
        %get3A_124 = tpu.vector_load %arg10[%get3A_122, %get3A_123] {strides = array<i32>} : memref<128x96xf32, #tpu.memory_space<vmem>>, vector<1x16xf32>,
        %get3A_125 = vector.shape_cast %get3A_124 : vector<1x16xf32> to vector<16xf32>
        %mul3A_126 = arith.mulf %get3A_121, %get3A_125 : vector<16xf32>
        %add3A_127 = arith.addf %get3A_117, %mul3A_126 : vector<16xf32>
        %swap3A_128 = arith.index_cast %scan3A_76 : i32 to index
        %swap3A_129 = arith.constant 32 : index
        %swap3A_130 = tpu.vector_load %arg8[%swap3A_128, %swap3A_129] {strides = array<i32>} : memref<128x96xf32, #tpu.memory_space<vmem>>, vector<1x16xf32>,
        %swap3A_131 = vector.shape_cast %swap3A_130 : vector<1x16xf32> to vector<16xf32>
        %swap3A_132 = vector.shape_cast %add3A_127 : vector<16xf32> to vector<1x16xf32>
        tpu.vector_store %arg8[%swap3A_128, %swap3A_129], %swap3A_132 {strides = array<i32>} : memref<128x96xf32, #tpu.memory_space<vmem>>, vector<1x16xf32>,
        %get3A_133 = arith.index_cast %scan3A_76 : i32 to index
        %get3A_134 = arith.constant 48 : index
        %get3A_135 = tpu.vector_load %arg9[%get3A_133, %get3A_134] {strides = array<i32>} : memref<128x96xf32, #tpu.memory_space<vmem>>, vector<1x16xf32>,
        %get3A_136 = vector.shape_cast %get3A_135 : vector<1x16xf32> to vector<16xf32>
        %get3A_137 = arith.index_cast %scan3A_76 : i32 to index
        %get3A_138 = arith.constant 48 : index
        %get3A_139 = tpu.vector_load %arg8[%get3A_137, %get3A_138] {strides = array<i32>} : memref<128x96xf32, #tpu.memory_space<vmem>>, vector<1x16xf32>,
        %get3A_140 = vector.shape_cast %get3A_139 : vector<1x16xf32> to vector<16xf32>
        %get3A_141 = arith.index_cast %scan3A_76 : i32 to index
        %get3A_142 = arith.constant 48 : index
        %get3A_143 = tpu.vector_load %arg10[%get3A_141, %get3A_142] {strides = array<i32>} : memref<128x96xf32, #tpu.memory_space<vmem>>, vector<1x16xf32>,
        %get3A_144 = vector.shape_cast %get3A_143 : vector<1x16xf32> to vector<16xf32>
        %mul3A_145 = arith.mulf %get3A_140, %get3A_144 : vector<16xf32>
        %add3A_146 = arith.addf %get3A_136, %mul3A_145 : vector<16xf32>
        %swap3A_147 = arith.index_cast %scan3A_76 : i32 to index
        %swap3A_148 = arith.constant 48 : index
        %swap3A_149 = tpu.vector_load %arg8[%swap3A_147, %swap3A_148] {strides = array<i32>} : memref<128x96xf32, #tpu.memory_space<vmem>>, vector<1x16xf32>,
        %swap3A_150 = vector.shape_cast %swap3A_149 : vector<1x16xf32> to vector<16xf32>
        %swap3A_151 = vector.shape_cast %add3A_146 : vector<16xf32> to vector<1x16xf32>
        tpu.vector_store %arg8[%swap3A_147, %swap3A_148], %swap3A_151 {strides = array<i32>} : memref<128x96xf32, #tpu.memory_space<vmem>>, vector<1x16xf32>,
        %get3A_152 = arith.index_cast %scan3A_76 : i32 to index
        %get3A_153 = arith.constant 64 : index
        %get3A_154 = tpu.vector_load %arg9[%get3A_152, %get3A_153] {strides = array<i32>} : memref<128x96xf32, #tpu.memory_space<vmem>>, vector<1x16xf32>,
        %get3A_155 = vector.shape_cast %get3A_154 : vector<1x16xf32> to vector<16xf32>
        %get3A_156 = arith.index_cast %scan3A_76 : i32 to index
        %get3A_157 = arith.constant 64 : index
        %get3A_158 = tpu.vector_load %arg8[%get3A_156, %get3A_157] {strides = array<i32>} : memref<128x96xf32, #tpu.memory_space<vmem>>, vector<1x16xf32>,
        %get3A_159 = vector.shape_cast %get3A_158 : vector<1x16xf32> to vector<16xf32>
        %get3A_160 = arith.index_cast %scan3A_76 : i32 to index
        %get3A_161 = arith.constant 64 : index
        %get3A_162 = tpu.vector_load %arg10[%get3A_160, %get3A_161] {strides = array<i32>} : memref<128x96xf32, #tpu.memory_space<vmem>>, vector<1x16xf32>,
        %get3A_163 = vector.shape_cast %get3A_162 : vector<1x16xf32> to vector<16xf32>
        %mul3A_164 = arith.mulf %get3A_159, %get3A_163 : vector<16xf32>
        %add3A_165 = arith.addf %get3A_155, %mul3A_164 : vector<16xf32>
        %swap3A_166 = arith.index_cast %scan3A_76 : i32 to index
        %swap3A_167 = arith.constant 64 : index
        %swap3A_168 = tpu.vector_load %arg8[%swap3A_166, %swap3A_167] {strides = array<i32>} : memref<128x96xf32, #tpu.memory_space<vmem>>, vector<1x16xf32>,
        %swap3A_169 = vector.shape_cast %swap3A_168 : vector<1x16xf32> to vector<16xf32>
        %swap3A_170 = vector.shape_cast %add3A_165 : vector<16xf32> to vector<1x16xf32>
        tpu.vector_store %arg8[%swap3A_166, %swap3A_167], %swap3A_170 {strides = array<i32>} : memref<128x96xf32, #tpu.memory_space<vmem>>, vector<1x16xf32>,
        %get3A_171 = arith.index_cast %scan3A_76 : i32 to index
        %get3A_172 = arith.constant 80 : index
        %get3A_173 = tpu.vector_load %arg9[%get3A_171, %get3A_172] {strides = array<i32>} : memref<128x96xf32, #tpu.memory_space<vmem>>, vector<1x16xf32>,
        %get3A_174 = vector.shape_cast %get3A_173 : vector<1x16xf32> to vector<16xf32>
        %get3A_175 = arith.index_cast %scan3A_76 : i32 to index
        %get3A_176 = arith.constant 80 : index
        %get3A_177 = tpu.vector_load %arg8[%get3A_175, %get3A_176] {strides = array<i32>} : memref<128x96xf32, #tpu.memory_space<vmem>>, vector<1x16xf32>,
        %get3A_178 = vector.shape_cast %get3A_177 : vector<1x16xf32> to vector<16xf32>
        %get3A_179 = arith.index_cast %scan3A_76 : i32 to index
        %get3A_180 = arith.constant 80 : index
        %get3A_181 = tpu.vector_load %arg10[%get3A_179, %get3A_180] {strides = array<i32>} : memref<128x96xf32, #tpu.memory_space<vmem>>, vector<1x16xf32>,
        %get3A_182 = vector.shape_cast %get3A_181 : vector<1x16xf32> to vector<16xf32>
        %mul3A_183 = arith.mulf %get3A_178, %get3A_182 : vector<16xf32>
        %add3A_184 = arith.addf %get3A_174, %mul3A_183 : vector<16xf32>
        %swap3A_185 = arith.index_cast %scan3A_76 : i32 to index
        %swap3A_186 = arith.constant 80 : index
        %swap3A_187 = tpu.vector_load %arg8[%swap3A_185, %swap3A_186] {strides = array<i32>} : memref<128x96xf32, #tpu.memory_space<vmem>>, vector<1x16xf32>,
        %swap3A_188 = vector.shape_cast %swap3A_187 : vector<1x16xf32> to vector<16xf32>
        %swap3A_189 = vector.shape_cast %add3A_184 : vector<16xf32> to vector<1x16xf32>
        tpu.vector_store %arg8[%swap3A_185, %swap3A_186], %swap3A_189 {strides = array<i32>} : memref<128x96xf32, #tpu.memory_space<vmem>>, vector<1x16xf32>,
        %scan3A_190 = arith.constant 0 : i32
        scf.yield %scan3A_190 : i32
      }
      %scan3A_74 = arith.constant 128 : i32
      "tpu.region"() ({
        %run_scoped3A = tpu.sem_alloc : memref<!tpu.dma_semaphore, #tpu.memory_space<semaphore_mem>>
        %dma_start3A_76 = arith.constant 0 : i32
        %dma_start3A_77 = tpu.memref_slice %arg6[%mul3A_26, %dma_start3A_76] : memref<10240x96xf32, #tpu.memory_space<hbm>> -> memref<128x96xf32, #tpu.memory_space<hbm>>
        %dma_start3A_78 = arith.constant 0 : i32
        %dma_start3A_79 = tpu.memref_slice %arg6[%mul3A_26, %dma_start3A_78] : memref<10240x96xf32, #tpu.memory_space<hbm>> -> memref<128x96xf32, #tpu.memory_space<hbm>>
        tpu.enqueue_dma source(%arg8 : memref<128x96xf32, #tpu.memory_space<vmem>>) target(%dma_start3A_79 : memref<128x96xf32, #tpu.memory_space<hbm>>) target_semaphore(%run_scoped3A : memref<!tpu.dma_semaphore, #tpu.memory_space<semaphore_mem>>)
        %dma_wait3A_80 = arith.constant 0 : i32
        %dma_wait3A_81 = tpu.memref_slice %arg6[%mul3A_26, %dma_wait3A_80] : memref<10240x96xf32, #tpu.memory_space<hbm>> -> memref<128x96xf32, #tpu.memory_space<hbm>>
        %dma_wait3A_82 = arith.constant 0 : i32
        %dma_wait3A_83 = tpu.memref_slice %arg6[%mul3A_26, %dma_wait3A_82] : memref<10240x96xf32, #tpu.memory_space<hbm>> -> memref<128x96xf32, #tpu.memory_space<hbm>>
        tpu.wait_dma2 semaphore(%run_scoped3A : memref<!tpu.dma_semaphore, #tpu.memory_space<semaphore_mem>>) src(%arg8 : memref<128x96xf32, #tpu.memory_space<vmem>>) dst(%dma_wait3A_83 : memref<128x96xf32, #tpu.memory_space<hbm>>)
        tpu.yield
      }) : () -> ()
      %while3A_75 = arith.constant 0 : i32
      scf.yield %while3A_75 : i32
    }
    %while3A_20 = arith.constant 1 : i32
    %while3A_21 = scf.for %while3A_22 = %while3A_17 to %while3A_13 step %while3A_20 iter_args(%while3A_23 = %while3A_19) -> (i32)  : i32 {
      %add3A_24 = arith.addi %add3A_6, %while3A_22 : i32
      %mul3A_25 = arith.constant 128 : i32
      %mul3A_26 = arith.muli %add3A_24, %mul3A_25 : i32
      "tpu.region"() ({
        %run_scoped3A = tpu.sem_alloc : memref<!tpu.dma_semaphore, #tpu.memory_space<semaphore_mem>>
        %dma_start3A_76 = arith.constant 0 : i32
        %dma_start3A_77 = arith.constant 0 : i32
        %dma_start3A_78 = tpu.memref_slice %arg2[%add3A_24, %dma_start3A_76, %dma_start3A_77] : memref<80x56x128xi32, #tpu.memory_space<hbm>> -> memref<1x50x128xi32, #tpu.memory_space<hbm>>
        %dma_start3A_79 = tpu.memref_squeeze %dma_start3A_78 : memref<1x50x128xi32, #tpu.memory_space<hbm>> -> memref<50x128xi32, #tpu.memory_space<hbm>>
        %dma_start3A_80 = arith.constant 0 : i32
        %dma_start3A_81 = arith.constant 0 : i32
        %dma_start3A_82 = tpu.memref_slice %arg2[%add3A_24, %dma_start3A_80, %dma_start3A_81] : memref<80x56x128xi32, #tpu.memory_space<hbm>> -> memref<1x50x128xi32, #tpu.memory_space<hbm>>
        %dma_start3A_83 = tpu.memref_squeeze %dma_start3A_82 : memref<1x50x128xi32, #tpu.memory_space<hbm>> -> memref<50x128xi32, #tpu.memory_space<hbm>>
        tpu.enqueue_dma source(%dma_start3A_83 : memref<50x128xi32, #tpu.memory_space<hbm>>) target(%arg7 : memref<50x128xi32, #tpu.memory_space<vmem>>) target_semaphore(%run_scoped3A : memref<!tpu.dma_semaphore, #tpu.memory_space<semaphore_mem>>)
        %dma_wait3A_84 = arith.constant 0 : i32
        %dma_wait3A_85 = arith.constant 0 : i32
        %dma_wait3A_86 = tpu.memref_slice %arg2[%add3A_24, %dma_wait3A_84, %dma_wait3A_85] : memref<80x56x128xi32, #tpu.memory_space<hbm>> -> memref<1x50x128xi32, #tpu.memory_space<hbm>>
        %dma_wait3A_87 = tpu.memref_squeeze %dma_wait3A_86 : memref<1x50x128xi32, #tpu.memory_space<hbm>> -> memref<50x128xi32, #tpu.memory_space<hbm>>
        %dma_wait3A_88 = arith.constant 0 : i32
        %dma_wait3A_89 = arith.constant 0 : i32
        %dma_wait3A_90 = tpu.memref_slice %arg2[%add3A_24, %dma_wait3A_88, %dma_wait3A_89] : memref<80x56x128xi32, #tpu.memory_space<hbm>> -> memref<1x50x128xi32, #tpu.memory_space<hbm>>
        %dma_wait3A_91 = tpu.memref_squeeze %dma_wait3A_90 : memref<1x50x128xi32, #tpu.memory_space<hbm>> -> memref<50x128xi32, #tpu.memory_space<hbm>>
        tpu.wait_dma2 semaphore(%run_scoped3A : memref<!tpu.dma_semaphore, #tpu.memory_space<semaphore_mem>>) src(%dma_wait3A_91 : memref<50x128xi32, #tpu.memory_space<hbm>>) dst(%arg7 : memref<50x128xi32, #tpu.memory_space<vmem>>)
        tpu.yield
      }) : () -> ()
      %dma_start3A = arith.constant 0 : i32
      %dma_start3A_27 = tpu.memref_slice %arg4[%mul3A_26, %dma_start3A] : memref<10240x128xf32, #tpu.memory_space<hbm>> -> memref<128x96xf32, #tpu.memory_space<hbm>>
      %dma_start3A_28 = arith.constant 0 : i32
      %dma_start3A_29 = tpu.memref_slice %arg4[%mul3A_26, %dma_start3A_28] : memref<10240x128xf32, #tpu.memory_space<hbm>> -> memref<128x96xf32, #tpu.memory_space<hbm>>
      tpu.enqueue_dma source(%dma_start3A_29 : memref<128x96xf32, #tpu.memory_space<hbm>>) target(%arg9 : memref<128x96xf32, #tpu.memory_space<vmem>>) target_semaphore(%arg13 : memref<!tpu.dma_semaphore, #tpu.memory_space<semaphore_mem>>)
      %dma_start3A_30 = arith.constant 0 : i32
      %dma_start3A_31 = tpu.memref_slice %arg5[%mul3A_26, %dma_start3A_30] : memref<10240x128xf32, #tpu.memory_space<hbm>> -> memref<128x96xf32, #tpu.memory_space<hbm>>
      %dma_start3A_32 = arith.constant 0 : i32
      %dma_start3A_33 = tpu.memref_slice %arg5[%mul3A_26, %dma_start3A_32] : memref<10240x128xf32, #tpu.memory_space<hbm>> -> memref<128x96xf32, #tpu.memory_space<hbm>>
      tpu.enqueue_dma source(%dma_start3A_33 : memref<128x96xf32, #tpu.memory_space<hbm>>) target(%arg10 : memref<128x96xf32, #tpu.memory_space<vmem>>) target_semaphore(%arg13 : memref<!tpu.dma_semaphore, #tpu.memory_space<semaphore_mem>>)
      %dma_start3A_34 = arith.constant 0 : i32
      %dma_start3A_35 = arith.constant 0 : i32
      %dma_start3A_36 = tpu.memref_slice %arg7[%dma_start3A_34, %dma_start3A_35] : memref<50x128xi32, #tpu.memory_space<vmem>> -> memref<1x128xi32, #tpu.memory_space<vmem>>
      %dma_start3A_37 = tpu.memref_squeeze %dma_start3A_36 : memref<1x128xi32, #tpu.memory_space<vmem>> -> memref<128xi32, #tpu.memory_space<vmem>>
      %dma_start3A_38 = arith.constant 0 : i32
      %dma_start3A_39 = arith.constant 0 : i32
      %dma_start3A_40 = tpu.memref_slice %arg11[%dma_start3A_38, %dma_start3A_39] : memref<10240x96xf32, #tpu.memory_space<vmem_shared>> -> memref<10240x96xf32, #tpu.memory_space<vmem_shared>>
      tpu.enqueue_indirect_dma source(%dma_start3A_40 : memref<10240x96xf32, #tpu.memory_space<vmem_shared>>) target(%arg8 : memref<128x96xf32, #tpu.memory_space<vmem>>) offsets(%dma_start3A_37 : memref<128xi32, #tpu.memory_space<vmem>>) semaphore(%arg12 : memref<!tpu.dma_semaphore, #tpu.memory_space<semaphore_mem>>)
      %dma_wait3A = arith.constant 0 : i32
      %dma_wait3A_41 = arith.constant 0 : i32
      %dma_wait3A_42 = tpu.memref_slice %arg7[%dma_wait3A, %dma_wait3A_41] : memref<50x128xi32, #tpu.memory_space<vmem>> -> memref<1x128xi32, #tpu.memory_space<vmem>>
      %dma_wait3A_43 = tpu.memref_squeeze %dma_wait3A_42 : memref<1x128xi32, #tpu.memory_space<vmem>> -> memref<128xi32, #tpu.memory_space<vmem>>
      %dma_wait3A_44 = arith.constant 0 : i32
      %dma_wait3A_45 = arith.constant 0 : i32
      %dma_wait3A_46 = tpu.memref_slice %arg11[%dma_wait3A_44, %dma_wait3A_45] : memref<10240x96xf32, #tpu.memory_space<vmem_shared>> -> memref<10240x96xf32, #tpu.memory_space<vmem_shared>>
      tpu.wait_indirect_dma semaphore(%arg12 : memref<!tpu.dma_semaphore, #tpu.memory_space<semaphore_mem>>) src(%dma_wait3A_46 : memref<10240x96xf32, #tpu.memory_space<vmem_shared>>) dst(%arg8 : memref<128x96xf32, #tpu.memory_space<vmem>>)
      %scan3A = arith.constant 0 : i32
      %scan3A_47 = arith.constant 1 : i32
      %scan3A_48 = arith.constant 49 : i32
      %scan3A_49 = arith.addi %scan3A_47, %scan3A_48 : i32
      %scan3A_50 = arith.constant 1 : i32
      %scan3A_51 = scf.for %scan3A_76 = %scan3A_47 to %scan3A_49 step %scan3A_50 iter_args(%scan3A_77 = %scan3A) -> (i32)  : i32 {
        %dma_start3A_78 = arith.constant 0 : i32
        %dma_start3A_79 = tpu.memref_slice %arg7[%scan3A_76, %dma_start3A_78] : memref<50x128xi32, #tpu.memory_space<vmem>> -> memref<1x128xi32, #tpu.memory_space<vmem>>
        %dma_start3A_80 = tpu.memref_squeeze %dma_start3A_79 : memref<1x128xi32, #tpu.memory_space<vmem>> -> memref<128xi32, #tpu.memory_space<vmem>>
        %dma_start3A_81 = arith.constant 0 : i32
        %dma_start3A_82 = arith.constant 0 : i32
        %dma_start3A_83 = tpu.memref_slice %arg11[%dma_start3A_81, %dma_start3A_82] : memref<10240x96xf32, #tpu.memory_space<vmem_shared>> -> memref<10240x96xf32, #tpu.memory_space<vmem_shared>>
        tpu.enqueue_indirect_dma source(%dma_start3A_83 : memref<10240x96xf32, #tpu.memory_space<vmem_shared>>) target(%arg8 : memref<128x96xf32, #tpu.memory_space<vmem>>) offsets(%dma_start3A_80 : memref<128xi32, #tpu.memory_space<vmem>>) semaphore(%arg12 : memref<!tpu.dma_semaphore, #tpu.memory_space<semaphore_mem>>) {add = true}
        %ge3A = arith.constant 9 : i32
        %ge3A_84 = arith.cmpi sge, %scan3A_76, %ge3A : i32
        %convert_element_type3A = arith.extui %ge3A_84 : i1 to i32
        %cond3A = arith.constant 0 : i32
        %cond3A_85 = arith.cmpi ne, %convert_element_type3A, %cond3A : i32
        scf.if %cond3A_85 {
          %dma_wait3A_87 = arith.constant 0 : i32
          %dma_wait3A_88 = arith.constant 0 : i32
          %dma_wait3A_89 = tpu.memref_slice %arg7[%dma_wait3A_87, %dma_wait3A_88] : memref<50x128xi32, #tpu.memory_space<vmem>> -> memref<1x128xi32, #tpu.memory_space<vmem>>
          %dma_wait3A_90 = tpu.memref_squeeze %dma_wait3A_89 : memref<1x128xi32, #tpu.memory_space<vmem>> -> memref<128xi32, #tpu.memory_space<vmem>>
          %dma_wait3A_91 = arith.constant 0 : i32
          %dma_wait3A_92 = arith.constant 0 : i32
          %dma_wait3A_93 = tpu.memref_slice %arg11[%dma_wait3A_91, %dma_wait3A_92] : memref<10240x96xf32, #tpu.memory_space<vmem_shared>> -> memref<10240x96xf32, #tpu.memory_space<vmem_shared>>
          tpu.wait_indirect_dma semaphore(%arg12 : memref<!tpu.dma_semaphore, #tpu.memory_space<semaphore_mem>>) src(%dma_wait3A_93 : memref<10240x96xf32, #tpu.memory_space<vmem_shared>>) dst(%arg8 : memref<128x96xf32, #tpu.memory_space<vmem>>)
        } else {
        }
        %scan3A_86 = arith.constant 0 : i32
        scf.yield %scan3A_86 : i32
      }
      %scan3A_52 = arith.constant 49 : i32
      %scan3A_53 = arith.constant 0 : i32
      %scan3A_54 = arith.constant 0 : i32
      %scan3A_55 = arith.constant 8 : i32
      %scan3A_56 = arith.addi %scan3A_54, %scan3A_55 : i32
      %scan3A_57 = arith.constant 1 : i32
      %scan3A_58 = scf.for %scan3A_76 = %scan3A_54 to %scan3A_56 step %scan3A_57 iter_args(%scan3A_77 = %scan3A_53) -> (i32)  : i32 {
        %dma_wait3A_78 = arith.constant 0 : i32
        %dma_wait3A_79 = arith.constant 0 : i32
        %dma_wait3A_80 = tpu.memref_slice %arg7[%dma_wait3A_78, %dma_wait3A_79] : memref<50x128xi32, #tpu.memory_space<vmem>> -> memref<1x128xi32, #tpu.memory_space<vmem>>
        %dma_wait3A_81 = tpu.memref_squeeze %dma_wait3A_80 : memref<1x128xi32, #tpu.memory_space<vmem>> -> memref<128xi32, #tpu.memory_space<vmem>>
        %dma_wait3A_82 = arith.constant 0 : i32
        %dma_wait3A_83 = arith.constant 0 : i32
        %dma_wait3A_84 = tpu.memref_slice %arg11[%dma_wait3A_82, %dma_wait3A_83] : memref<10240x96xf32, #tpu.memory_space<vmem_shared>> -> memref<10240x96xf32, #tpu.memory_space<vmem_shared>>
        tpu.wait_indirect_dma semaphore(%arg12 : memref<!tpu.dma_semaphore, #tpu.memory_space<semaphore_mem>>) src(%dma_wait3A_84 : memref<10240x96xf32, #tpu.memory_space<vmem_shared>>) dst(%arg8 : memref<128x96xf32, #tpu.memory_space<vmem>>)
        %scan3A_85 = arith.constant 0 : i32
        scf.yield %scan3A_85 : i32
      }
      %scan3A_59 = arith.constant 8 : i32
      %dma_wait3A_60 = arith.constant 0 : i32
      %dma_wait3A_61 = tpu.memref_slice %arg4[%mul3A_26, %dma_wait3A_60] : memref<10240x128xf32, #tpu.memory_space<hbm>> -> memref<128x96xf32, #tpu.memory_space<hbm>>
      %dma_wait3A_62 = arith.constant 0 : i32
      %dma_wait3A_63 = tpu.memref_slice %arg4[%mul3A_26, %dma_wait3A_62] : memref<10240x128xf32, #tpu.memory_space<hbm>> -> memref<128x96xf32, #tpu.memory_space<hbm>>
      tpu.wait_dma2 semaphore(%arg13 : memref<!tpu.dma_semaphore, #tpu.memory_space<semaphore_mem>>) src(%dma_wait3A_63 : memref<128x96xf32, #tpu.memory_space<hbm>>) dst(%arg9 : memref<128x96xf32, #tpu.memory_space<vmem>>)
      %dma_wait3A_64 = arith.constant 0 : i32
      %dma_wait3A_65 = tpu.memref_slice %arg5[%mul3A_26, %dma_wait3A_64] : memref<10240x128xf32, #tpu.memory_space<hbm>> -> memref<128x96xf32, #tpu.memory_space<hbm>>
      %dma_wait3A_66 = arith.constant 0 : i32
      %dma_wait3A_67 = tpu.memref_slice %arg5[%mul3A_26, %dma_wait3A_66] : memref<10240x128xf32, #tpu.memory_space<hbm>> -> memref<128x96xf32, #tpu.memory_space<hbm>>
      tpu.wait_dma2 semaphore(%arg13 : memref<!tpu.dma_semaphore, #tpu.memory_space<semaphore_mem>>) src(%dma_wait3A_67 : memref<128x96xf32, #tpu.memory_space<hbm>>) dst(%arg10 : memref<128x96xf32, #tpu.memory_space<vmem>>)
      %scan3A_68 = arith.constant 0 : i32
      %scan3A_69 = arith.constant 0 : i32
      %scan3A_70 = arith.constant 128 : i32
      %scan3A_71 = arith.addi %scan3A_69, %scan3A_70 : i32
      %scan3A_72 = arith.constant 1 : i32
      %scan3A_73 = scf.for %scan3A_76 = %scan3A_69 to %scan3A_71 step %scan3A_72 iter_args(%scan3A_77 = %scan3A_68) -> (i32)  : i32 {
        %get3A = arith.index_cast %scan3A_76 : i32 to index
        %get3A_78 = arith.constant 0 : index
        %get3A_79 = tpu.vector_load %arg9[%get3A, %get3A_78] {strides = array<i32>} : memref<128x96xf32, #tpu.memory_space<vmem>>, vector<1x16xf32>,
        %get3A_80 = vector.shape_cast %get3A_79 : vector<1x16xf32> to vector<16xf32>
        %get3A_81 = arith.index_cast %scan3A_76 : i32 to index
        %get3A_82 = arith.constant 0 : index
        %get3A_83 = tpu.vector_load %arg8[%get3A_81, %get3A_82] {strides = array<i32>} : memref<128x96xf32, #tpu.memory_space<vmem>>, vector<1x16xf32>,
        %get3A_84 = vector.shape_cast %get3A_83 : vector<1x16xf32> to vector<16xf32>
        %get3A_85 = arith.index_cast %scan3A_76 : i32 to index
        %get3A_86 = arith.constant 0 : index
        %get3A_87 = tpu.vector_load %arg10[%get3A_85, %get3A_86] {strides = array<i32>} : memref<128x96xf32, #tpu.memory_space<vmem>>, vector<1x16xf32>,
        %get3A_88 = vector.shape_cast %get3A_87 : vector<1x16xf32> to vector<16xf32>
        %mul3A_89 = arith.mulf %get3A_84, %get3A_88 : vector<16xf32>
        %add3A_90 = arith.addf %get3A_80, %mul3A_89 : vector<16xf32>
        %swap3A = arith.index_cast %scan3A_76 : i32 to index
        %swap3A_91 = arith.constant 0 : index
        %swap3A_92 = tpu.vector_load %arg8[%swap3A, %swap3A_91] {strides = array<i32>} : memref<128x96xf32, #tpu.memory_space<vmem>>, vector<1x16xf32>,
        %swap3A_93 = vector.shape_cast %swap3A_92 : vector<1x16xf32> to vector<16xf32>
        %swap3A_94 = vector.shape_cast %add3A_90 : vector<16xf32> to vector<1x16xf32>
        tpu.vector_store %arg8[%swap3A, %swap3A_91], %swap3A_94 {strides = array<i32>} : memref<128x96xf32, #tpu.memory_space<vmem>>, vector<1x16xf32>,
        %get3A_95 = arith.index_cast %scan3A_76 : i32 to index
        %get3A_96 = arith.constant 16 : index
        %get3A_97 = tpu.vector_load %arg9[%get3A_95, %get3A_96] {strides = array<i32>} : memref<128x96xf32, #tpu.memory_space<vmem>>, vector<1x16xf32>,
        %get3A_98 = vector.shape_cast %get3A_97 : vector<1x16xf32> to vector<16xf32>
        %get3A_99 = arith.index_cast %scan3A_76 : i32 to index
        %get3A_100 = arith.constant 16 : index
        %get3A_101 = tpu.vector_load %arg8[%get3A_99, %get3A_100] {strides = array<i32>} : memref<128x96xf32, #tpu.memory_space<vmem>>, vector<1x16xf32>,
        %get3A_102 = vector.shape_cast %get3A_101 : vector<1x16xf32> to vector<16xf32>
        %get3A_103 = arith.index_cast %scan3A_76 : i32 to index
        %get3A_104 = arith.constant 16 : index
        %get3A_105 = tpu.vector_load %arg10[%get3A_103, %get3A_104] {strides = array<i32>} : memref<128x96xf32, #tpu.memory_space<vmem>>, vector<1x16xf32>,
        %get3A_106 = vector.shape_cast %get3A_105 : vector<1x16xf32> to vector<16xf32>
        %mul3A_107 = arith.mulf %get3A_102, %get3A_106 : vector<16xf32>
        %add3A_108 = arith.addf %get3A_98, %mul3A_107 : vector<16xf32>
        %swap3A_109 = arith.index_cast %scan3A_76 : i32 to index
        %swap3A_110 = arith.constant 16 : index
        %swap3A_111 = tpu.vector_load %arg8[%swap3A_109, %swap3A_110] {strides = array<i32>} : memref<128x96xf32, #tpu.memory_space<vmem>>, vector<1x16xf32>,
        %swap3A_112 = vector.shape_cast %swap3A_111 : vector<1x16xf32> to vector<16xf32>
        %swap3A_113 = vector.shape_cast %add3A_108 : vector<16xf32> to vector<1x16xf32>
        tpu.vector_store %arg8[%swap3A_109, %swap3A_110], %swap3A_113 {strides = array<i32>} : memref<128x96xf32, #tpu.memory_space<vmem>>, vector<1x16xf32>,
        %get3A_114 = arith.index_cast %scan3A_76 : i32 to index
        %get3A_115 = arith.constant 32 : index
        %get3A_116 = tpu.vector_load %arg9[%get3A_114, %get3A_115] {strides = array<i32>} : memref<128x96xf32, #tpu.memory_space<vmem>>, vector<1x16xf32>,
        %get3A_117 = vector.shape_cast %get3A_116 : vector<1x16xf32> to vector<16xf32>
        %get3A_118 = arith.index_cast %scan3A_76 : i32 to index
        %get3A_119 = arith.constant 32 : index
        %get3A_120 = tpu.vector_load %arg8[%get3A_118, %get3A_119] {strides = array<i32>} : memref<128x96xf32, #tpu.memory_space<vmem>>, vector<1x16xf32>,
        %get3A_121 = vector.shape_cast %get3A_120 : vector<1x16xf32> to vector<16xf32>
        %get3A_122 = arith.index_cast %scan3A_76 : i32 to index
        %get3A_123 = arith.constant 32 : index
        %get3A_124 = tpu.vector_load %arg10[%get3A_122, %get3A_123] {strides = array<i32>} : memref<128x96xf32, #tpu.memory_space<vmem>>, vector<1x16xf32>,
        %get3A_125 = vector.shape_cast %get3A_124 : vector<1x16xf32> to vector<16xf32>
        %mul3A_126 = arith.mulf %get3A_121, %get3A_125 : vector<16xf32>
        %add3A_127 = arith.addf %get3A_117, %mul3A_126 : vector<16xf32>
        %swap3A_128 = arith.index_cast %scan3A_76 : i32 to index
        %swap3A_129 = arith.constant 32 : index
        %swap3A_130 = tpu.vector_load %arg8[%swap3A_128, %swap3A_129] {strides = array<i32>} : memref<128x96xf32, #tpu.memory_space<vmem>>, vector<1x16xf32>,
        %swap3A_131 = vector.shape_cast %swap3A_130 : vector<1x16xf32> to vector<16xf32>
        %swap3A_132 = vector.shape_cast %add3A_127 : vector<16xf32> to vector<1x16xf32>
        tpu.vector_store %arg8[%swap3A_128, %swap3A_129], %swap3A_132 {strides = array<i32>} : memref<128x96xf32, #tpu.memory_space<vmem>>, vector<1x16xf32>,
        %get3A_133 = arith.index_cast %scan3A_76 : i32 to index
        %get3A_134 = arith.constant 48 : index
        %get3A_135 = tpu.vector_load %arg9[%get3A_133, %get3A_134] {strides = array<i32>} : memref<128x96xf32, #tpu.memory_space<vmem>>, vector<1x16xf32>,
        %get3A_136 = vector.shape_cast %get3A_135 : vector<1x16xf32> to vector<16xf32>
        %get3A_137 = arith.index_cast %scan3A_76 : i32 to index
        %get3A_138 = arith.constant 48 : index
        %get3A_139 = tpu.vector_load %arg8[%get3A_137, %get3A_138] {strides = array<i32>} : memref<128x96xf32, #tpu.memory_space<vmem>>, vector<1x16xf32>,
        %get3A_140 = vector.shape_cast %get3A_139 : vector<1x16xf32> to vector<16xf32>
        %get3A_141 = arith.index_cast %scan3A_76 : i32 to index
        %get3A_142 = arith.constant 48 : index
        %get3A_143 = tpu.vector_load %arg10[%get3A_141, %get3A_142] {strides = array<i32>} : memref<128x96xf32, #tpu.memory_space<vmem>>, vector<1x16xf32>,
        %get3A_144 = vector.shape_cast %get3A_143 : vector<1x16xf32> to vector<16xf32>
        %mul3A_145 = arith.mulf %get3A_140, %get3A_144 : vector<16xf32>
        %add3A_146 = arith.addf %get3A_136, %mul3A_145 : vector<16xf32>
        %swap3A_147 = arith.index_cast %scan3A_76 : i32 to index
        %swap3A_148 = arith.constant 48 : index
        %swap3A_149 = tpu.vector_load %arg8[%swap3A_147, %swap3A_148] {strides = array<i32>} : memref<128x96xf32, #tpu.memory_space<vmem>>, vector<1x16xf32>,
        %swap3A_150 = vector.shape_cast %swap3A_149 : vector<1x16xf32> to vector<16xf32>
        %swap3A_151 = vector.shape_cast %add3A_146 : vector<16xf32> to vector<1x16xf32>
        tpu.vector_store %arg8[%swap3A_147, %swap3A_148], %swap3A_151 {strides = array<i32>} : memref<128x96xf32, #tpu.memory_space<vmem>>, vector<1x16xf32>,
        %get3A_152 = arith.index_cast %scan3A_76 : i32 to index
        %get3A_153 = arith.constant 64 : index
        %get3A_154 = tpu.vector_load %arg9[%get3A_152, %get3A_153] {strides = array<i32>} : memref<128x96xf32, #tpu.memory_space<vmem>>, vector<1x16xf32>,
        %get3A_155 = vector.shape_cast %get3A_154 : vector<1x16xf32> to vector<16xf32>
        %get3A_156 = arith.index_cast %scan3A_76 : i32 to index
        %get3A_157 = arith.constant 64 : index
        %get3A_158 = tpu.vector_load %arg8[%get3A_156, %get3A_157] {strides = array<i32>} : memref<128x96xf32, #tpu.memory_space<vmem>>, vector<1x16xf32>,
        %get3A_159 = vector.shape_cast %get3A_158 : vector<1x16xf32> to vector<16xf32>
        %get3A_160 = arith.index_cast %scan3A_76 : i32 to index
        %get3A_161 = arith.constant 64 : index
        %get3A_162 = tpu.vector_load %arg10[%get3A_160, %get3A_161] {strides = array<i32>} : memref<128x96xf32, #tpu.memory_space<vmem>>, vector<1x16xf32>,
        %get3A_163 = vector.shape_cast %get3A_162 : vector<1x16xf32> to vector<16xf32>
        %mul3A_164 = arith.mulf %get3A_159, %get3A_163 : vector<16xf32>
        %add3A_165 = arith.addf %get3A_155, %mul3A_164 : vector<16xf32>
        %swap3A_166 = arith.index_cast %scan3A_76 : i32 to index
        %swap3A_167 = arith.constant 64 : index
        %swap3A_168 = tpu.vector_load %arg8[%swap3A_166, %swap3A_167] {strides = array<i32>} : memref<128x96xf32, #tpu.memory_space<vmem>>, vector<1x16xf32>,
        %swap3A_169 = vector.shape_cast %swap3A_168 : vector<1x16xf32> to vector<16xf32>
        %swap3A_170 = vector.shape_cast %add3A_165 : vector<16xf32> to vector<1x16xf32>
        tpu.vector_store %arg8[%swap3A_166, %swap3A_167], %swap3A_170 {strides = array<i32>} : memref<128x96xf32, #tpu.memory_space<vmem>>, vector<1x16xf32>,
        %get3A_171 = arith.index_cast %scan3A_76 : i32 to index
        %get3A_172 = arith.constant 80 : index
        %get3A_173 = tpu.vector_load %arg9[%get3A_171, %get3A_172] {strides = array<i32>} : memref<128x96xf32, #tpu.memory_space<vmem>>, vector<1x16xf32>,
        %get3A_174 = vector.shape_cast %get3A_173 : vector<1x16xf32> to vector<16xf32>
        %get3A_175 = arith.index_cast %scan3A_76 : i32 to index
        %get3A_176 = arith.constant 80 : index
        %get3A_177 = tpu.vector_load %arg8[%get3A_175, %get3A_176] {strides = array<i32>} : memref<128x96xf32, #tpu.memory_space<vmem>>, vector<1x16xf32>,
        %get3A_178 = vector.shape_cast %get3A_177 : vector<1x16xf32> to vector<16xf32>
        %get3A_179 = arith.index_cast %scan3A_76 : i32 to index
        %get3A_180 = arith.constant 80 : index
        %get3A_181 = tpu.vector_load %arg10[%get3A_179, %get3A_180] {strides = array<i32>} : memref<128x96xf32, #tpu.memory_space<vmem>>, vector<1x16xf32>,
        %get3A_182 = vector.shape_cast %get3A_181 : vector<1x16xf32> to vector<16xf32>
        %mul3A_183 = arith.mulf %get3A_178, %get3A_182 : vector<16xf32>
        %add3A_184 = arith.addf %get3A_174, %mul3A_183 : vector<16xf32>
        %swap3A_185 = arith.index_cast %scan3A_76 : i32 to index
        %swap3A_186 = arith.constant 80 : index
        %swap3A_187 = tpu.vector_load %arg8[%swap3A_185, %swap3A_186] {strides = array<i32>} : memref<128x96xf32, #tpu.memory_space<vmem>>, vector<1x16xf32>,
        %swap3A_188 = vector.shape_cast %swap3A_187 : vector<1x16xf32> to vector<16xf32>
        %swap3A_189 = vector.shape_cast %add3A_184 : vector<16xf32> to vector<1x16xf32>
        tpu.vector_store %arg8[%swap3A_185, %swap3A_186], %swap3A_189 {strides = array<i32>} : memref<128x96xf32, #tpu.memory_space<vmem>>, vector<1x16xf32>,
        %scan3A_190 = arith.constant 0 : i32
        scf.yield %scan3A_190 : i32
      }
      %scan3A_74 = arith.constant 128 : i32
      "tpu.region"() ({
        %run_scoped3A = tpu.sem_alloc : memref<!tpu.dma_semaphore, #tpu.memory_space<semaphore_mem>>
        %dma_start3A_76 = arith.constant 0 : i32
        %dma_start3A_77 = tpu.memref_slice %arg6[%mul3A_26, %dma_start3A_76] : memref<10240x96xf32, #tpu.memory_space<hbm>> -> memref<128x96xf32, #tpu.memory_space<hbm>>
        %dma_start3A_78 = arith.constant 0 : i32
        %dma_start3A_79 = tpu.memref_slice %arg6[%mul3A_26, %dma_start3A_78] : memref<10240x96xf32, #tpu.memory_space<hbm>> -> memref<128x96xf32, #tpu.memory_space<hbm>>
        tpu.enqueue_dma source(%arg8 : memref<128x96xf32, #tpu.memory_space<vmem>>) target(%dma_start3A_79 : memref<128x96xf32, #tpu.memory_space<hbm>>) target_semaphore(%run_scoped3A : memref<!tpu.dma_semaphore, #tpu.memory_space<semaphore_mem>>)
        %dma_wait3A_80 = arith.constant 0 : i32
        %dma_wait3A_81 = tpu.memref_slice %arg6[%mul3A_26, %dma_wait3A_80] : memref<10240x96xf32, #tpu.memory_space<hbm>> -> memref<128x96xf32, #tpu.memory_space<hbm>>
        %dma_wait3A_82 = arith.constant 0 : i32
        %dma_wait3A_83 = tpu.memref_slice %arg6[%mul3A_26, %dma_wait3A_82] : memref<10240x96xf32, #tpu.memory_space<hbm>> -> memref<128x96xf32, #tpu.memory_space<hbm>>
        tpu.wait_dma2 semaphore(%run_scoped3A : memref<!tpu.dma_semaphore, #tpu.memory_space<semaphore_mem>>) src(%arg8 : memref<128x96xf32, #tpu.memory_space<vmem>>) dst(%dma_wait3A_83 : memref<128x96xf32, #tpu.memory_space<hbm>>)
        tpu.yield
      }) : () -> ()
      %while3A_75 = arith.constant 0 : i32
      scf.yield %while3A_75 : i32
    }
    return
  }
}

#map = affine_map<(d0, d1) -> (0)>
#map1 = affine_map<(d0, d1) -> (0, 0)>
#map2 = affine_map<(d0, d1) -> (0, 0, 0)>
module attributes {stable_mosaic.version = 14 : i64} {
  func.func @_edge_body(%arg0: i32, %arg1: i32, %arg2: memref<320000xi32, #tpu.memory_space<hbm>>, %arg3: memref<320000xi32, #tpu.memory_space<hbm>>, %arg4: memref<10240x128xf32, #tpu.memory_space<hbm>>, %arg5: memref<10240x8xf32, #tpu.memory_space<hbm>>, %arg6: memref<2x10240x128xf32, #tpu.memory_space<hbm>>, %arg7: memref<2x128xi32, #tpu.memory_space<vmem>>, %arg8: memref<2x128xi32, #tpu.memory_space<vmem>>, %arg9: memref<2x128x80xf32, #tpu.memory_space<vmem>>, %arg10: memref<10240x80xf32, #tpu.memory_space<vmem_shared>>, %arg11: memref<10240x80xf32, #tpu.memory_space<vmem_shared>>, %arg12: memref<!tpu.dma_semaphore, #tpu.memory_space<semaphore_mem>>, %arg13: memref<!tpu.dma_semaphore, #tpu.memory_space<semaphore_mem>>, %arg14: memref<!tpu.dma_semaphore, #tpu.memory_space<semaphore_mem>>) attributes {dimension_semantics = [#tpu.dimension_semantics<core_parallel>, #tpu.dimension_semantics<subcore_parallel>], iteration_bounds = array<i64: 2, 16>, scalar_prefetch = 0 : i64, scratch_operands = 8 : i64, tpu.core_type = #tpu.core_type<sc_vector_subcore>, window_params = [{transform_indices = #map}, {transform_indices = #map}, {transform_indices = #map1}, {transform_indices = #map1}, {transform_indices = #map2}]} {
    %lt3A = arith.constant 4 : i32
    %lt3A_0 = arith.cmpi slt, %arg1, %lt3A : i32
    %jit3A = arith.constant 1 : i32
    %jit3A_1 = arith.constant 0 : i32
    %select_n3A = arith.select %lt3A_0, %jit3A, %jit3A_1 : i32
    %add3A = arith.constant 156 : i32
    %add3A_2 = arith.addi %add3A, %select_n3A : i32
    %mul3A = arith.constant 156 : i32
    %mul3A_3 = arith.muli %arg1, %mul3A : i32
    %min3A = arith.constant 4 : i32
    %min3A_4 = arith.minsi %arg1, %min3A : i32
    %add3A_5 = arith.addi %mul3A_3, %min3A_4 : i32
    %scan3A = arith.constant 0 : i32
    %scan3A_6 = arith.constant 0 : i32
    %scan3A_7 = arith.constant 128 : i32
    %scan3A_8 = arith.addi %scan3A_6, %scan3A_7 : i32
    %scan3A_9 = arith.constant 1 : i32
    %scan3A_10 = scf.for %scan3A_130 = %scan3A_6 to %scan3A_8 step %scan3A_9 iter_args(%scan3A_131 = %scan3A) -> (i32)  : i32 {
      %broadcast_in_dim3A = arith.constant 0.000000e+00 : f32
      %broadcast_in_dim3A_132 = vector.broadcast %broadcast_in_dim3A : f32 to vector<16xf32>
      %swap3A = arith.constant 0 : i32
      %swap3A_133 = arith.index_cast %swap3A : i32 to index
      %swap3A_134 = arith.index_cast %scan3A_130 : i32 to index
      %swap3A_135 = arith.constant 0 : index
      %swap3A_136 = tpu.vector_load %arg9[%swap3A_133, %swap3A_134, %swap3A_135] {strides = array<i32>} : memref<2x128x80xf32, #tpu.memory_space<vmem>>, vector<1x1x16xf32>,
      %swap3A_137 = vector.shape_cast %swap3A_136 : vector<1x1x16xf32> to vector<16xf32>
      %swap3A_138 = vector.shape_cast %broadcast_in_dim3A_132 : vector<16xf32> to vector<1x1x16xf32>
      tpu.vector_store %arg9[%swap3A_133, %swap3A_134, %swap3A_135], %swap3A_138 {strides = array<i32>} : memref<2x128x80xf32, #tpu.memory_space<vmem>>, vector<1x1x16xf32>,
      %broadcast_in_dim3A_139 = arith.constant 0.000000e+00 : f32
      %broadcast_in_dim3A_140 = vector.broadcast %broadcast_in_dim3A_139 : f32 to vector<16xf32>
      %swap3A_141 = arith.constant 0 : i32
      %swap3A_142 = arith.index_cast %swap3A_141 : i32 to index
      %swap3A_143 = arith.index_cast %scan3A_130 : i32 to index
      %swap3A_144 = arith.constant 16 : index
      %swap3A_145 = tpu.vector_load %arg9[%swap3A_142, %swap3A_143, %swap3A_144] {strides = array<i32>} : memref<2x128x80xf32, #tpu.memory_space<vmem>>, vector<1x1x16xf32>,
      %swap3A_146 = vector.shape_cast %swap3A_145 : vector<1x1x16xf32> to vector<16xf32>
      %swap3A_147 = vector.shape_cast %broadcast_in_dim3A_140 : vector<16xf32> to vector<1x1x16xf32>
      tpu.vector_store %arg9[%swap3A_142, %swap3A_143, %swap3A_144], %swap3A_147 {strides = array<i32>} : memref<2x128x80xf32, #tpu.memory_space<vmem>>, vector<1x1x16xf32>,
      %broadcast_in_dim3A_148 = arith.constant 0.000000e+00 : f32
      %broadcast_in_dim3A_149 = vector.broadcast %broadcast_in_dim3A_148 : f32 to vector<16xf32>
      %swap3A_150 = arith.constant 0 : i32
      %swap3A_151 = arith.index_cast %swap3A_150 : i32 to index
      %swap3A_152 = arith.index_cast %scan3A_130 : i32 to index
      %swap3A_153 = arith.constant 32 : index
      %swap3A_154 = tpu.vector_load %arg9[%swap3A_151, %swap3A_152, %swap3A_153] {strides = array<i32>} : memref<2x128x80xf32, #tpu.memory_space<vmem>>, vector<1x1x16xf32>,
      %swap3A_155 = vector.shape_cast %swap3A_154 : vector<1x1x16xf32> to vector<16xf32>
      %swap3A_156 = vector.shape_cast %broadcast_in_dim3A_149 : vector<16xf32> to vector<1x1x16xf32>
      tpu.vector_store %arg9[%swap3A_151, %swap3A_152, %swap3A_153], %swap3A_156 {strides = array<i32>} : memref<2x128x80xf32, #tpu.memory_space<vmem>>, vector<1x1x16xf32>,
      %broadcast_in_dim3A_157 = arith.constant 0.000000e+00 : f32
      %broadcast_in_dim3A_158 = vector.broadcast %broadcast_in_dim3A_157 : f32 to vector<16xf32>
      %swap3A_159 = arith.constant 0 : i32
      %swap3A_160 = arith.index_cast %swap3A_159 : i32 to index
      %swap3A_161 = arith.index_cast %scan3A_130 : i32 to index
      %swap3A_162 = arith.constant 48 : index
      %swap3A_163 = tpu.vector_load %arg9[%swap3A_160, %swap3A_161, %swap3A_162] {strides = array<i32>} : memref<2x128x80xf32, #tpu.memory_space<vmem>>, vector<1x1x16xf32>,
      %swap3A_164 = vector.shape_cast %swap3A_163 : vector<1x1x16xf32> to vector<16xf32>
      %swap3A_165 = vector.shape_cast %broadcast_in_dim3A_158 : vector<16xf32> to vector<1x1x16xf32>
      tpu.vector_store %arg9[%swap3A_160, %swap3A_161, %swap3A_162], %swap3A_165 {strides = array<i32>} : memref<2x128x80xf32, #tpu.memory_space<vmem>>, vector<1x1x16xf32>,
      %broadcast_in_dim3A_166 = arith.constant 0.000000e+00 : f32
      %broadcast_in_dim3A_167 = vector.broadcast %broadcast_in_dim3A_166 : f32 to vector<16xf32>
      %swap3A_168 = arith.constant 0 : i32
      %swap3A_169 = arith.index_cast %swap3A_168 : i32 to index
      %swap3A_170 = arith.index_cast %scan3A_130 : i32 to index
      %swap3A_171 = arith.constant 64 : index
      %swap3A_172 = tpu.vector_load %arg9[%swap3A_169, %swap3A_170, %swap3A_171] {strides = array<i32>} : memref<2x128x80xf32, #tpu.memory_space<vmem>>, vector<1x1x16xf32>,
      %swap3A_173 = vector.shape_cast %swap3A_172 : vector<1x1x16xf32> to vector<16xf32>
      %swap3A_174 = vector.shape_cast %broadcast_in_dim3A_167 : vector<16xf32> to vector<1x1x16xf32>
      tpu.vector_store %arg9[%swap3A_169, %swap3A_170, %swap3A_171], %swap3A_174 {strides = array<i32>} : memref<2x128x80xf32, #tpu.memory_space<vmem>>, vector<1x1x16xf32>,
      %scan3A_175 = arith.constant 0 : i32
      scf.yield %scan3A_175 : i32
    }
    %scan3A_11 = arith.constant 128 : i32
    %mul3A_12 = arith.constant 640 : i32
    %mul3A_13 = arith.muli %arg1, %mul3A_12 : i32
    %add3A_14 = arith.constant 0 : i32
    %add3A_15 = arith.addi %mul3A_13, %add3A_14 : i32
    %run_scoped3A = arith.constant 0 : i32
    "tpu.region"() ({
      %run_scoped3A_130 = tpu.sem_alloc : memref<!tpu.dma_semaphore, #tpu.memory_space<semaphore_mem>>
      %dma_start3A_131 = arith.constant 0 : i32
      %dma_start3A_132 = arith.constant 0 : i32
      %dma_start3A_133 = tpu.memref_slice %arg9[%run_scoped3A, %dma_start3A_131, %dma_start3A_132] : memref<2x128x80xf32, #tpu.memory_space<vmem>> -> memref<1x128x80xf32, #tpu.memory_space<vmem>>
      %dma_start3A_134 = tpu.memref_squeeze %dma_start3A_133 : memref<1x128x80xf32, #tpu.memory_space<vmem>> -> memref<128x80xf32, #tpu.memory_space<vmem>>
      %dma_start3A_135 = arith.constant 0 : i32
      %dma_start3A_136 = tpu.memref_slice %arg11[%add3A_15, %dma_start3A_135] : memref<10240x80xf32, #tpu.memory_space<vmem_shared>> -> memref<128x80xf32, #tpu.memory_space<vmem_shared>>
      %dma_start3A_137 = arith.constant 0 : i32
      %dma_start3A_138 = tpu.memref_slice %arg11[%add3A_15, %dma_start3A_137] : memref<10240x80xf32, #tpu.memory_space<vmem_shared>> -> memref<128x80xf32, #tpu.memory_space<vmem_shared>>
      %dma_start3A_139 = arith.constant 0 : i32
      %dma_start3A_140 = arith.constant 0 : i32
      %dma_start3A_141 = tpu.memref_slice %arg9[%run_scoped3A, %dma_start3A_139, %dma_start3A_140] : memref<2x128x80xf32, #tpu.memory_space<vmem>> -> memref<1x128x80xf32, #tpu.memory_space<vmem>>
      %dma_start3A_142 = tpu.memref_squeeze %dma_start3A_141 : memref<1x128x80xf32, #tpu.memory_space<vmem>> -> memref<128x80xf32, #tpu.memory_space<vmem>>
      tpu.enqueue_dma source(%dma_start3A_142 : memref<128x80xf32, #tpu.memory_space<vmem>>) target(%dma_start3A_138 : memref<128x80xf32, #tpu.memory_space<vmem_shared>>) target_semaphore(%run_scoped3A_130 : memref<!tpu.dma_semaphore, #tpu.memory_space<semaphore_mem>>)
      %dma_wait3A_143 = arith.constant 0 : i32
      %dma_wait3A_144 = arith.constant 0 : i32
      %dma_wait3A_145 = tpu.memref_slice %arg9[%run_scoped3A, %dma_wait3A_143, %dma_wait3A_144] : memref<2x128x80xf32, #tpu.memory_space<vmem>> -> memref<1x128x80xf32, #tpu.memory_space<vmem>>
      %dma_wait3A_146 = tpu.memref_squeeze %dma_wait3A_145 : memref<1x128x80xf32, #tpu.memory_space<vmem>> -> memref<128x80xf32, #tpu.memory_space<vmem>>
      %dma_wait3A_147 = arith.constant 0 : i32
      %dma_wait3A_148 = tpu.memref_slice %arg11[%add3A_15, %dma_wait3A_147] : memref<10240x80xf32, #tpu.memory_space<vmem_shared>> -> memref<128x80xf32, #tpu.memory_space<vmem_shared>>
      %dma_wait3A_149 = arith.constant 0 : i32
      %dma_wait3A_150 = tpu.memref_slice %arg11[%add3A_15, %dma_wait3A_149] : memref<10240x80xf32, #tpu.memory_space<vmem_shared>> -> memref<128x80xf32, #tpu.memory_space<vmem_shared>>
      %dma_wait3A_151 = arith.constant 0 : i32
      %dma_wait3A_152 = arith.constant 0 : i32
      %dma_wait3A_153 = tpu.memref_slice %arg9[%run_scoped3A, %dma_wait3A_151, %dma_wait3A_152] : memref<2x128x80xf32, #tpu.memory_space<vmem>> -> memref<1x128x80xf32, #tpu.memory_space<vmem>>
      %dma_wait3A_154 = tpu.memref_squeeze %dma_wait3A_153 : memref<1x128x80xf32, #tpu.memory_space<vmem>> -> memref<128x80xf32, #tpu.memory_space<vmem>>
      tpu.wait_dma2 semaphore(%run_scoped3A_130 : memref<!tpu.dma_semaphore, #tpu.memory_space<semaphore_mem>>) src(%dma_wait3A_154 : memref<128x80xf32, #tpu.memory_space<vmem>>) dst(%dma_wait3A_150 : memref<128x80xf32, #tpu.memory_space<vmem_shared>>)
      tpu.yield
    }) : () -> ()
    %mul3A_16 = arith.constant 640 : i32
    %mul3A_17 = arith.muli %arg1, %mul3A_16 : i32
    %add3A_18 = arith.constant 0 : i32
    %add3A_19 = arith.addi %mul3A_17, %add3A_18 : i32
    %run_scoped3A_20 = arith.constant 0 : i32
    "tpu.region"() ({
      %run_scoped3A_130 = tpu.sem_alloc : memref<!tpu.dma_semaphore, #tpu.memory_space<semaphore_mem>>
      %dma_start3A_131 = arith.constant 0 : i32
      %dma_start3A_132 = arith.constant 0 : i32
      %dma_start3A_133 = tpu.memref_slice %arg9[%run_scoped3A_20, %dma_start3A_131, %dma_start3A_132] : memref<2x128x80xf32, #tpu.memory_space<vmem>> -> memref<1x128x80xf32, #tpu.memory_space<vmem>>
      %dma_start3A_134 = tpu.memref_squeeze %dma_start3A_133 : memref<1x128x80xf32, #tpu.memory_space<vmem>> -> memref<128x80xf32, #tpu.memory_space<vmem>>
      %dma_start3A_135 = arith.constant 0 : i32
      %dma_start3A_136 = tpu.memref_slice %arg10[%add3A_19, %dma_start3A_135] : memref<10240x80xf32, #tpu.memory_space<vmem_shared>> -> memref<128x80xf32, #tpu.memory_space<vmem_shared>>
      %dma_start3A_137 = arith.constant 0 : i32
      %dma_start3A_138 = tpu.memref_slice %arg10[%add3A_19, %dma_start3A_137] : memref<10240x80xf32, #tpu.memory_space<vmem_shared>> -> memref<128x80xf32, #tpu.memory_space<vmem_shared>>
      %dma_start3A_139 = arith.constant 0 : i32
      %dma_start3A_140 = arith.constant 0 : i32
      %dma_start3A_141 = tpu.memref_slice %arg9[%run_scoped3A_20, %dma_start3A_139, %dma_start3A_140] : memref<2x128x80xf32, #tpu.memory_space<vmem>> -> memref<1x128x80xf32, #tpu.memory_space<vmem>>
      %dma_start3A_142 = tpu.memref_squeeze %dma_start3A_141 : memref<1x128x80xf32, #tpu.memory_space<vmem>> -> memref<128x80xf32, #tpu.memory_space<vmem>>
      tpu.enqueue_dma source(%dma_start3A_142 : memref<128x80xf32, #tpu.memory_space<vmem>>) target(%dma_start3A_138 : memref<128x80xf32, #tpu.memory_space<vmem_shared>>) target_semaphore(%run_scoped3A_130 : memref<!tpu.dma_semaphore, #tpu.memory_space<semaphore_mem>>)
      %dma_wait3A_143 = arith.constant 0 : i32
      %dma_wait3A_144 = arith.constant 0 : i32
      %dma_wait3A_145 = tpu.memref_slice %arg9[%run_scoped3A_20, %dma_wait3A_143, %dma_wait3A_144] : memref<2x128x80xf32, #tpu.memory_space<vmem>> -> memref<1x128x80xf32, #tpu.memory_space<vmem>>
      %dma_wait3A_146 = tpu.memref_squeeze %dma_wait3A_145 : memref<1x128x80xf32, #tpu.memory_space<vmem>> -> memref<128x80xf32, #tpu.memory_space<vmem>>
      %dma_wait3A_147 = arith.constant 0 : i32
      %dma_wait3A_148 = tpu.memref_slice %arg10[%add3A_19, %dma_wait3A_147] : memref<10240x80xf32, #tpu.memory_space<vmem_shared>> -> memref<128x80xf32, #tpu.memory_space<vmem_shared>>
      %dma_wait3A_149 = arith.constant 0 : i32
      %dma_wait3A_150 = tpu.memref_slice %arg10[%add3A_19, %dma_wait3A_149] : memref<10240x80xf32, #tpu.memory_space<vmem_shared>> -> memref<128x80xf32, #tpu.memory_space<vmem_shared>>
      %dma_wait3A_151 = arith.constant 0 : i32
      %dma_wait3A_152 = arith.constant 0 : i32
      %dma_wait3A_153 = tpu.memref_slice %arg9[%run_scoped3A_20, %dma_wait3A_151, %dma_wait3A_152] : memref<2x128x80xf32, #tpu.memory_space<vmem>> -> memref<1x128x80xf32, #tpu.memory_space<vmem>>
      %dma_wait3A_154 = tpu.memref_squeeze %dma_wait3A_153 : memref<1x128x80xf32, #tpu.memory_space<vmem>> -> memref<128x80xf32, #tpu.memory_space<vmem>>
      tpu.wait_dma2 semaphore(%run_scoped3A_130 : memref<!tpu.dma_semaphore, #tpu.memory_space<semaphore_mem>>) src(%dma_wait3A_154 : memref<128x80xf32, #tpu.memory_space<vmem>>) dst(%dma_wait3A_150 : memref<128x80xf32, #tpu.memory_space<vmem_shared>>)
      tpu.yield
    }) : () -> ()
    %mul3A_21 = arith.constant 640 : i32
    %mul3A_22 = arith.muli %arg1, %mul3A_21 : i32
    %add3A_23 = arith.constant 128 : i32
    %add3A_24 = arith.addi %mul3A_22, %add3A_23 : i32
    %run_scoped3A_25 = arith.constant 0 : i32
    "tpu.region"() ({
      %run_scoped3A_130 = tpu.sem_alloc : memref<!tpu.dma_semaphore, #tpu.memory_space<semaphore_mem>>
      %dma_start3A_131 = arith.constant 0 : i32
      %dma_start3A_132 = arith.constant 0 : i32
      %dma_start3A_133 = tpu.memref_slice %arg9[%run_scoped3A_25, %dma_start3A_131, %dma_start3A_132] : memref<2x128x80xf32, #tpu.memory_space<vmem>> -> memref<1x128x80xf32, #tpu.memory_space<vmem>>
      %dma_start3A_134 = tpu.memref_squeeze %dma_start3A_133 : memref<1x128x80xf32, #tpu.memory_space<vmem>> -> memref<128x80xf32, #tpu.memory_space<vmem>>
      %dma_start3A_135 = arith.constant 0 : i32
      %dma_start3A_136 = tpu.memref_slice %arg11[%add3A_24, %dma_start3A_135] : memref<10240x80xf32, #tpu.memory_space<vmem_shared>> -> memref<128x80xf32, #tpu.memory_space<vmem_shared>>
      %dma_start3A_137 = arith.constant 0 : i32
      %dma_start3A_138 = tpu.memref_slice %arg11[%add3A_24, %dma_start3A_137] : memref<10240x80xf32, #tpu.memory_space<vmem_shared>> -> memref<128x80xf32, #tpu.memory_space<vmem_shared>>
      %dma_start3A_139 = arith.constant 0 : i32
      %dma_start3A_140 = arith.constant 0 : i32
      %dma_start3A_141 = tpu.memref_slice %arg9[%run_scoped3A_25, %dma_start3A_139, %dma_start3A_140] : memref<2x128x80xf32, #tpu.memory_space<vmem>> -> memref<1x128x80xf32, #tpu.memory_space<vmem>>
      %dma_start3A_142 = tpu.memref_squeeze %dma_start3A_141 : memref<1x128x80xf32, #tpu.memory_space<vmem>> -> memref<128x80xf32, #tpu.memory_space<vmem>>
      tpu.enqueue_dma source(%dma_start3A_142 : memref<128x80xf32, #tpu.memory_space<vmem>>) target(%dma_start3A_138 : memref<128x80xf32, #tpu.memory_space<vmem_shared>>) target_semaphore(%run_scoped3A_130 : memref<!tpu.dma_semaphore, #tpu.memory_space<semaphore_mem>>)
      %dma_wait3A_143 = arith.constant 0 : i32
      %dma_wait3A_144 = arith.constant 0 : i32
      %dma_wait3A_145 = tpu.memref_slice %arg9[%run_scoped3A_25, %dma_wait3A_143, %dma_wait3A_144] : memref<2x128x80xf32, #tpu.memory_space<vmem>> -> memref<1x128x80xf32, #tpu.memory_space<vmem>>
      %dma_wait3A_146 = tpu.memref_squeeze %dma_wait3A_145 : memref<1x128x80xf32, #tpu.memory_space<vmem>> -> memref<128x80xf32, #tpu.memory_space<vmem>>
      %dma_wait3A_147 = arith.constant 0 : i32
      %dma_wait3A_148 = tpu.memref_slice %arg11[%add3A_24, %dma_wait3A_147] : memref<10240x80xf32, #tpu.memory_space<vmem_shared>> -> memref<128x80xf32, #tpu.memory_space<vmem_shared>>
      %dma_wait3A_149 = arith.constant 0 : i32
      %dma_wait3A_150 = tpu.memref_slice %arg11[%add3A_24, %dma_wait3A_149] : memref<10240x80xf32, #tpu.memory_space<vmem_shared>> -> memref<128x80xf32, #tpu.memory_space<vmem_shared>>
      %dma_wait3A_151 = arith.constant 0 : i32
      %dma_wait3A_152 = arith.constant 0 : i32
      %dma_wait3A_153 = tpu.memref_slice %arg9[%run_scoped3A_25, %dma_wait3A_151, %dma_wait3A_152] : memref<2x128x80xf32, #tpu.memory_space<vmem>> -> memref<1x128x80xf32, #tpu.memory_space<vmem>>
      %dma_wait3A_154 = tpu.memref_squeeze %dma_wait3A_153 : memref<1x128x80xf32, #tpu.memory_space<vmem>> -> memref<128x80xf32, #tpu.memory_space<vmem>>
      tpu.wait_dma2 semaphore(%run_scoped3A_130 : memref<!tpu.dma_semaphore, #tpu.memory_space<semaphore_mem>>) src(%dma_wait3A_154 : memref<128x80xf32, #tpu.memory_space<vmem>>) dst(%dma_wait3A_150 : memref<128x80xf32, #tpu.memory_space<vmem_shared>>)
      tpu.yield
    }) : () -> ()
    %mul3A_26 = arith.constant 640 : i32
    %mul3A_27 = arith.muli %arg1, %mul3A_26 : i32
    %add3A_28 = arith.constant 128 : i32
    %add3A_29 = arith.addi %mul3A_27, %add3A_28 : i32
    %run_scoped3A_30 = arith.constant 0 : i32
    "tpu.region"() ({
      %run_scoped3A_130 = tpu.sem_alloc : memref<!tpu.dma_semaphore, #tpu.memory_space<semaphore_mem>>
      %dma_start3A_131 = arith.constant 0 : i32
      %dma_start3A_132 = arith.constant 0 : i32
      %dma_start3A_133 = tpu.memref_slice %arg9[%run_scoped3A_30, %dma_start3A_131, %dma_start3A_132] : memref<2x128x80xf32, #tpu.memory_space<vmem>> -> memref<1x128x80xf32, #tpu.memory_space<vmem>>
      %dma_start3A_134 = tpu.memref_squeeze %dma_start3A_133 : memref<1x128x80xf32, #tpu.memory_space<vmem>> -> memref<128x80xf32, #tpu.memory_space<vmem>>
      %dma_start3A_135 = arith.constant 0 : i32
      %dma_start3A_136 = tpu.memref_slice %arg10[%add3A_29, %dma_start3A_135] : memref<10240x80xf32, #tpu.memory_space<vmem_shared>> -> memref<128x80xf32, #tpu.memory_space<vmem_shared>>
      %dma_start3A_137 = arith.constant 0 : i32
      %dma_start3A_138 = tpu.memref_slice %arg10[%add3A_29, %dma_start3A_137] : memref<10240x80xf32, #tpu.memory_space<vmem_shared>> -> memref<128x80xf32, #tpu.memory_space<vmem_shared>>
      %dma_start3A_139 = arith.constant 0 : i32
      %dma_start3A_140 = arith.constant 0 : i32
      %dma_start3A_141 = tpu.memref_slice %arg9[%run_scoped3A_30, %dma_start3A_139, %dma_start3A_140] : memref<2x128x80xf32, #tpu.memory_space<vmem>> -> memref<1x128x80xf32, #tpu.memory_space<vmem>>
      %dma_start3A_142 = tpu.memref_squeeze %dma_start3A_141 : memref<1x128x80xf32, #tpu.memory_space<vmem>> -> memref<128x80xf32, #tpu.memory_space<vmem>>
      tpu.enqueue_dma source(%dma_start3A_142 : memref<128x80xf32, #tpu.memory_space<vmem>>) target(%dma_start3A_138 : memref<128x80xf32, #tpu.memory_space<vmem_shared>>) target_semaphore(%run_scoped3A_130 : memref<!tpu.dma_semaphore, #tpu.memory_space<semaphore_mem>>)
      %dma_wait3A_143 = arith.constant 0 : i32
      %dma_wait3A_144 = arith.constant 0 : i32
      %dma_wait3A_145 = tpu.memref_slice %arg9[%run_scoped3A_30, %dma_wait3A_143, %dma_wait3A_144] : memref<2x128x80xf32, #tpu.memory_space<vmem>> -> memref<1x128x80xf32, #tpu.memory_space<vmem>>
      %dma_wait3A_146 = tpu.memref_squeeze %dma_wait3A_145 : memref<1x128x80xf32, #tpu.memory_space<vmem>> -> memref<128x80xf32, #tpu.memory_space<vmem>>
      %dma_wait3A_147 = arith.constant 0 : i32
      %dma_wait3A_148 = tpu.memref_slice %arg10[%add3A_29, %dma_wait3A_147] : memref<10240x80xf32, #tpu.memory_space<vmem_shared>> -> memref<128x80xf32, #tpu.memory_space<vmem_shared>>
      %dma_wait3A_149 = arith.constant 0 : i32
      %dma_wait3A_150 = tpu.memref_slice %arg10[%add3A_29, %dma_wait3A_149] : memref<10240x80xf32, #tpu.memory_space<vmem_shared>> -> memref<128x80xf32, #tpu.memory_space<vmem_shared>>
      %dma_wait3A_151 = arith.constant 0 : i32
      %dma_wait3A_152 = arith.constant 0 : i32
      %dma_wait3A_153 = tpu.memref_slice %arg9[%run_scoped3A_30, %dma_wait3A_151, %dma_wait3A_152] : memref<2x128x80xf32, #tpu.memory_space<vmem>> -> memref<1x128x80xf32, #tpu.memory_space<vmem>>
      %dma_wait3A_154 = tpu.memref_squeeze %dma_wait3A_153 : memref<1x128x80xf32, #tpu.memory_space<vmem>> -> memref<128x80xf32, #tpu.memory_space<vmem>>
      tpu.wait_dma2 semaphore(%run_scoped3A_130 : memref<!tpu.dma_semaphore, #tpu.memory_space<semaphore_mem>>) src(%dma_wait3A_154 : memref<128x80xf32, #tpu.memory_space<vmem>>) dst(%dma_wait3A_150 : memref<128x80xf32, #tpu.memory_space<vmem_shared>>)
      tpu.yield
    }) : () -> ()
    %mul3A_31 = arith.constant 640 : i32
    %mul3A_32 = arith.muli %arg1, %mul3A_31 : i32
    %add3A_33 = arith.constant 256 : i32
    %add3A_34 = arith.addi %mul3A_32, %add3A_33 : i32
    %run_scoped3A_35 = arith.constant 0 : i32
    "tpu.region"() ({
      %run_scoped3A_130 = tpu.sem_alloc : memref<!tpu.dma_semaphore, #tpu.memory_space<semaphore_mem>>
      %dma_start3A_131 = arith.constant 0 : i32
      %dma_start3A_132 = arith.constant 0 : i32
      %dma_start3A_133 = tpu.memref_slice %arg9[%run_scoped3A_35, %dma_start3A_131, %dma_start3A_132] : memref<2x128x80xf32, #tpu.memory_space<vmem>> -> memref<1x128x80xf32, #tpu.memory_space<vmem>>
      %dma_start3A_134 = tpu.memref_squeeze %dma_start3A_133 : memref<1x128x80xf32, #tpu.memory_space<vmem>> -> memref<128x80xf32, #tpu.memory_space<vmem>>
      %dma_start3A_135 = arith.constant 0 : i32
      %dma_start3A_136 = tpu.memref_slice %arg11[%add3A_34, %dma_start3A_135] : memref<10240x80xf32, #tpu.memory_space<vmem_shared>> -> memref<128x80xf32, #tpu.memory_space<vmem_shared>>
      %dma_start3A_137 = arith.constant 0 : i32
      %dma_start3A_138 = tpu.memref_slice %arg11[%add3A_34, %dma_start3A_137] : memref<10240x80xf32, #tpu.memory_space<vmem_shared>> -> memref<128x80xf32, #tpu.memory_space<vmem_shared>>
      %dma_start3A_139 = arith.constant 0 : i32
      %dma_start3A_140 = arith.constant 0 : i32
      %dma_start3A_141 = tpu.memref_slice %arg9[%run_scoped3A_35, %dma_start3A_139, %dma_start3A_140] : memref<2x128x80xf32, #tpu.memory_space<vmem>> -> memref<1x128x80xf32, #tpu.memory_space<vmem>>
      %dma_start3A_142 = tpu.memref_squeeze %dma_start3A_141 : memref<1x128x80xf32, #tpu.memory_space<vmem>> -> memref<128x80xf32, #tpu.memory_space<vmem>>
      tpu.enqueue_dma source(%dma_start3A_142 : memref<128x80xf32, #tpu.memory_space<vmem>>) target(%dma_start3A_138 : memref<128x80xf32, #tpu.memory_space<vmem_shared>>) target_semaphore(%run_scoped3A_130 : memref<!tpu.dma_semaphore, #tpu.memory_space<semaphore_mem>>)
      %dma_wait3A_143 = arith.constant 0 : i32
      %dma_wait3A_144 = arith.constant 0 : i32
      %dma_wait3A_145 = tpu.memref_slice %arg9[%run_scoped3A_35, %dma_wait3A_143, %dma_wait3A_144] : memref<2x128x80xf32, #tpu.memory_space<vmem>> -> memref<1x128x80xf32, #tpu.memory_space<vmem>>
      %dma_wait3A_146 = tpu.memref_squeeze %dma_wait3A_145 : memref<1x128x80xf32, #tpu.memory_space<vmem>> -> memref<128x80xf32, #tpu.memory_space<vmem>>
      %dma_wait3A_147 = arith.constant 0 : i32
      %dma_wait3A_148 = tpu.memref_slice %arg11[%add3A_34, %dma_wait3A_147] : memref<10240x80xf32, #tpu.memory_space<vmem_shared>> -> memref<128x80xf32, #tpu.memory_space<vmem_shared>>
      %dma_wait3A_149 = arith.constant 0 : i32
      %dma_wait3A_150 = tpu.memref_slice %arg11[%add3A_34, %dma_wait3A_149] : memref<10240x80xf32, #tpu.memory_space<vmem_shared>> -> memref<128x80xf32, #tpu.memory_space<vmem_shared>>
      %dma_wait3A_151 = arith.constant 0 : i32
      %dma_wait3A_152 = arith.constant 0 : i32
      %dma_wait3A_153 = tpu.memref_slice %arg9[%run_scoped3A_35, %dma_wait3A_151, %dma_wait3A_152] : memref<2x128x80xf32, #tpu.memory_space<vmem>> -> memref<1x128x80xf32, #tpu.memory_space<vmem>>
      %dma_wait3A_154 = tpu.memref_squeeze %dma_wait3A_153 : memref<1x128x80xf32, #tpu.memory_space<vmem>> -> memref<128x80xf32, #tpu.memory_space<vmem>>
      tpu.wait_dma2 semaphore(%run_scoped3A_130 : memref<!tpu.dma_semaphore, #tpu.memory_space<semaphore_mem>>) src(%dma_wait3A_154 : memref<128x80xf32, #tpu.memory_space<vmem>>) dst(%dma_wait3A_150 : memref<128x80xf32, #tpu.memory_space<vmem_shared>>)
      tpu.yield
    }) : () -> ()
    %mul3A_36 = arith.constant 640 : i32
    %mul3A_37 = arith.muli %arg1, %mul3A_36 : i32
    %add3A_38 = arith.constant 256 : i32
    %add3A_39 = arith.addi %mul3A_37, %add3A_38 : i32
    %run_scoped3A_40 = arith.constant 0 : i32
    "tpu.region"() ({
      %run_scoped3A_130 = tpu.sem_alloc : memref<!tpu.dma_semaphore, #tpu.memory_space<semaphore_mem>>
      %dma_start3A_131 = arith.constant 0 : i32
      %dma_start3A_132 = arith.constant 0 : i32
      %dma_start3A_133 = tpu.memref_slice %arg9[%run_scoped3A_40, %dma_start3A_131, %dma_start3A_132] : memref<2x128x80xf32, #tpu.memory_space<vmem>> -> memref<1x128x80xf32, #tpu.memory_space<vmem>>
      %dma_start3A_134 = tpu.memref_squeeze %dma_start3A_133 : memref<1x128x80xf32, #tpu.memory_space<vmem>> -> memref<128x80xf32, #tpu.memory_space<vmem>>
      %dma_start3A_135 = arith.constant 0 : i32
      %dma_start3A_136 = tpu.memref_slice %arg10[%add3A_39, %dma_start3A_135] : memref<10240x80xf32, #tpu.memory_space<vmem_shared>> -> memref<128x80xf32, #tpu.memory_space<vmem_shared>>
      %dma_start3A_137 = arith.constant 0 : i32
      %dma_start3A_138 = tpu.memref_slice %arg10[%add3A_39, %dma_start3A_137] : memref<10240x80xf32, #tpu.memory_space<vmem_shared>> -> memref<128x80xf32, #tpu.memory_space<vmem_shared>>
      %dma_start3A_139 = arith.constant 0 : i32
      %dma_start3A_140 = arith.constant 0 : i32
      %dma_start3A_141 = tpu.memref_slice %arg9[%run_scoped3A_40, %dma_start3A_139, %dma_start3A_140] : memref<2x128x80xf32, #tpu.memory_space<vmem>> -> memref<1x128x80xf32, #tpu.memory_space<vmem>>
      %dma_start3A_142 = tpu.memref_squeeze %dma_start3A_141 : memref<1x128x80xf32, #tpu.memory_space<vmem>> -> memref<128x80xf32, #tpu.memory_space<vmem>>
      tpu.enqueue_dma source(%dma_start3A_142 : memref<128x80xf32, #tpu.memory_space<vmem>>) target(%dma_start3A_138 : memref<128x80xf32, #tpu.memory_space<vmem_shared>>) target_semaphore(%run_scoped3A_130 : memref<!tpu.dma_semaphore, #tpu.memory_space<semaphore_mem>>)
      %dma_wait3A_143 = arith.constant 0 : i32
      %dma_wait3A_144 = arith.constant 0 : i32
      %dma_wait3A_145 = tpu.memref_slice %arg9[%run_scoped3A_40, %dma_wait3A_143, %dma_wait3A_144] : memref<2x128x80xf32, #tpu.memory_space<vmem>> -> memref<1x128x80xf32, #tpu.memory_space<vmem>>
      %dma_wait3A_146 = tpu.memref_squeeze %dma_wait3A_145 : memref<1x128x80xf32, #tpu.memory_space<vmem>> -> memref<128x80xf32, #tpu.memory_space<vmem>>
      %dma_wait3A_147 = arith.constant 0 : i32
      %dma_wait3A_148 = tpu.memref_slice %arg10[%add3A_39, %dma_wait3A_147] : memref<10240x80xf32, #tpu.memory_space<vmem_shared>> -> memref<128x80xf32, #tpu.memory_space<vmem_shared>>
      %dma_wait3A_149 = arith.constant 0 : i32
      %dma_wait3A_150 = tpu.memref_slice %arg10[%add3A_39, %dma_wait3A_149] : memref<10240x80xf32, #tpu.memory_space<vmem_shared>> -> memref<128x80xf32, #tpu.memory_space<vmem_shared>>
      %dma_wait3A_151 = arith.constant 0 : i32
      %dma_wait3A_152 = arith.constant 0 : i32
      %dma_wait3A_153 = tpu.memref_slice %arg9[%run_scoped3A_40, %dma_wait3A_151, %dma_wait3A_152] : memref<2x128x80xf32, #tpu.memory_space<vmem>> -> memref<1x128x80xf32, #tpu.memory_space<vmem>>
      %dma_wait3A_154 = tpu.memref_squeeze %dma_wait3A_153 : memref<1x128x80xf32, #tpu.memory_space<vmem>> -> memref<128x80xf32, #tpu.memory_space<vmem>>
      tpu.wait_dma2 semaphore(%run_scoped3A_130 : memref<!tpu.dma_semaphore, #tpu.memory_space<semaphore_mem>>) src(%dma_wait3A_154 : memref<128x80xf32, #tpu.memory_space<vmem>>) dst(%dma_wait3A_150 : memref<128x80xf32, #tpu.memory_space<vmem_shared>>)
      tpu.yield
    }) : () -> ()
    %mul3A_41 = arith.constant 640 : i32
    %mul3A_42 = arith.muli %arg1, %mul3A_41 : i32
    %add3A_43 = arith.constant 384 : i32
    %add3A_44 = arith.addi %mul3A_42, %add3A_43 : i32
    %run_scoped3A_45 = arith.constant 0 : i32
    "tpu.region"() ({
      %run_scoped3A_130 = tpu.sem_alloc : memref<!tpu.dma_semaphore, #tpu.memory_space<semaphore_mem>>
      %dma_start3A_131 = arith.constant 0 : i32
      %dma_start3A_132 = arith.constant 0 : i32
      %dma_start3A_133 = tpu.memref_slice %arg9[%run_scoped3A_45, %dma_start3A_131, %dma_start3A_132] : memref<2x128x80xf32, #tpu.memory_space<vmem>> -> memref<1x128x80xf32, #tpu.memory_space<vmem>>
      %dma_start3A_134 = tpu.memref_squeeze %dma_start3A_133 : memref<1x128x80xf32, #tpu.memory_space<vmem>> -> memref<128x80xf32, #tpu.memory_space<vmem>>
      %dma_start3A_135 = arith.constant 0 : i32
      %dma_start3A_136 = tpu.memref_slice %arg11[%add3A_44, %dma_start3A_135] : memref<10240x80xf32, #tpu.memory_space<vmem_shared>> -> memref<128x80xf32, #tpu.memory_space<vmem_shared>>
      %dma_start3A_137 = arith.constant 0 : i32
      %dma_start3A_138 = tpu.memref_slice %arg11[%add3A_44, %dma_start3A_137] : memref<10240x80xf32, #tpu.memory_space<vmem_shared>> -> memref<128x80xf32, #tpu.memory_space<vmem_shared>>
      %dma_start3A_139 = arith.constant 0 : i32
      %dma_start3A_140 = arith.constant 0 : i32
      %dma_start3A_141 = tpu.memref_slice %arg9[%run_scoped3A_45, %dma_start3A_139, %dma_start3A_140] : memref<2x128x80xf32, #tpu.memory_space<vmem>> -> memref<1x128x80xf32, #tpu.memory_space<vmem>>
      %dma_start3A_142 = tpu.memref_squeeze %dma_start3A_141 : memref<1x128x80xf32, #tpu.memory_space<vmem>> -> memref<128x80xf32, #tpu.memory_space<vmem>>
      tpu.enqueue_dma source(%dma_start3A_142 : memref<128x80xf32, #tpu.memory_space<vmem>>) target(%dma_start3A_138 : memref<128x80xf32, #tpu.memory_space<vmem_shared>>) target_semaphore(%run_scoped3A_130 : memref<!tpu.dma_semaphore, #tpu.memory_space<semaphore_mem>>)
      %dma_wait3A_143 = arith.constant 0 : i32
      %dma_wait3A_144 = arith.constant 0 : i32
      %dma_wait3A_145 = tpu.memref_slice %arg9[%run_scoped3A_45, %dma_wait3A_143, %dma_wait3A_144] : memref<2x128x80xf32, #tpu.memory_space<vmem>> -> memref<1x128x80xf32, #tpu.memory_space<vmem>>
      %dma_wait3A_146 = tpu.memref_squeeze %dma_wait3A_145 : memref<1x128x80xf32, #tpu.memory_space<vmem>> -> memref<128x80xf32, #tpu.memory_space<vmem>>
      %dma_wait3A_147 = arith.constant 0 : i32
      %dma_wait3A_148 = tpu.memref_slice %arg11[%add3A_44, %dma_wait3A_147] : memref<10240x80xf32, #tpu.memory_space<vmem_shared>> -> memref<128x80xf32, #tpu.memory_space<vmem_shared>>
      %dma_wait3A_149 = arith.constant 0 : i32
      %dma_wait3A_150 = tpu.memref_slice %arg11[%add3A_44, %dma_wait3A_149] : memref<10240x80xf32, #tpu.memory_space<vmem_shared>> -> memref<128x80xf32, #tpu.memory_space<vmem_shared>>
      %dma_wait3A_151 = arith.constant 0 : i32
      %dma_wait3A_152 = arith.constant 0 : i32
      %dma_wait3A_153 = tpu.memref_slice %arg9[%run_scoped3A_45, %dma_wait3A_151, %dma_wait3A_152] : memref<2x128x80xf32, #tpu.memory_space<vmem>> -> memref<1x128x80xf32, #tpu.memory_space<vmem>>
      %dma_wait3A_154 = tpu.memref_squeeze %dma_wait3A_153 : memref<1x128x80xf32, #tpu.memory_space<vmem>> -> memref<128x80xf32, #tpu.memory_space<vmem>>
      tpu.wait_dma2 semaphore(%run_scoped3A_130 : memref<!tpu.dma_semaphore, #tpu.memory_space<semaphore_mem>>) src(%dma_wait3A_154 : memref<128x80xf32, #tpu.memory_space<vmem>>) dst(%dma_wait3A_150 : memref<128x80xf32, #tpu.memory_space<vmem_shared>>)
      tpu.yield
    }) : () -> ()
    %mul3A_46 = arith.constant 640 : i32
    %mul3A_47 = arith.muli %arg1, %mul3A_46 : i32
    %add3A_48 = arith.constant 384 : i32
    %add3A_49 = arith.addi %mul3A_47, %add3A_48 : i32
    %run_scoped3A_50 = arith.constant 0 : i32
    "tpu.region"() ({
      %run_scoped3A_130 = tpu.sem_alloc : memref<!tpu.dma_semaphore, #tpu.memory_space<semaphore_mem>>
      %dma_start3A_131 = arith.constant 0 : i32
      %dma_start3A_132 = arith.constant 0 : i32
      %dma_start3A_133 = tpu.memref_slice %arg9[%run_scoped3A_50, %dma_start3A_131, %dma_start3A_132] : memref<2x128x80xf32, #tpu.memory_space<vmem>> -> memref<1x128x80xf32, #tpu.memory_space<vmem>>
      %dma_start3A_134 = tpu.memref_squeeze %dma_start3A_133 : memref<1x128x80xf32, #tpu.memory_space<vmem>> -> memref<128x80xf32, #tpu.memory_space<vmem>>
      %dma_start3A_135 = arith.constant 0 : i32
      %dma_start3A_136 = tpu.memref_slice %arg10[%add3A_49, %dma_start3A_135] : memref<10240x80xf32, #tpu.memory_space<vmem_shared>> -> memref<128x80xf32, #tpu.memory_space<vmem_shared>>
      %dma_start3A_137 = arith.constant 0 : i32
      %dma_start3A_138 = tpu.memref_slice %arg10[%add3A_49, %dma_start3A_137] : memref<10240x80xf32, #tpu.memory_space<vmem_shared>> -> memref<128x80xf32, #tpu.memory_space<vmem_shared>>
      %dma_start3A_139 = arith.constant 0 : i32
      %dma_start3A_140 = arith.constant 0 : i32
      %dma_start3A_141 = tpu.memref_slice %arg9[%run_scoped3A_50, %dma_start3A_139, %dma_start3A_140] : memref<2x128x80xf32, #tpu.memory_space<vmem>> -> memref<1x128x80xf32, #tpu.memory_space<vmem>>
      %dma_start3A_142 = tpu.memref_squeeze %dma_start3A_141 : memref<1x128x80xf32, #tpu.memory_space<vmem>> -> memref<128x80xf32, #tpu.memory_space<vmem>>
      tpu.enqueue_dma source(%dma_start3A_142 : memref<128x80xf32, #tpu.memory_space<vmem>>) target(%dma_start3A_138 : memref<128x80xf32, #tpu.memory_space<vmem_shared>>) target_semaphore(%run_scoped3A_130 : memref<!tpu.dma_semaphore, #tpu.memory_space<semaphore_mem>>)
      %dma_wait3A_143 = arith.constant 0 : i32
      %dma_wait3A_144 = arith.constant 0 : i32
      %dma_wait3A_145 = tpu.memref_slice %arg9[%run_scoped3A_50, %dma_wait3A_143, %dma_wait3A_144] : memref<2x128x80xf32, #tpu.memory_space<vmem>> -> memref<1x128x80xf32, #tpu.memory_space<vmem>>
      %dma_wait3A_146 = tpu.memref_squeeze %dma_wait3A_145 : memref<1x128x80xf32, #tpu.memory_space<vmem>> -> memref<128x80xf32, #tpu.memory_space<vmem>>
      %dma_wait3A_147 = arith.constant 0 : i32
      %dma_wait3A_148 = tpu.memref_slice %arg10[%add3A_49, %dma_wait3A_147] : memref<10240x80xf32, #tpu.memory_space<vmem_shared>> -> memref<128x80xf32, #tpu.memory_space<vmem_shared>>
      %dma_wait3A_149 = arith.constant 0 : i32
      %dma_wait3A_150 = tpu.memref_slice %arg10[%add3A_49, %dma_wait3A_149] : memref<10240x80xf32, #tpu.memory_space<vmem_shared>> -> memref<128x80xf32, #tpu.memory_space<vmem_shared>>
      %dma_wait3A_151 = arith.constant 0 : i32
      %dma_wait3A_152 = arith.constant 0 : i32
      %dma_wait3A_153 = tpu.memref_slice %arg9[%run_scoped3A_50, %dma_wait3A_151, %dma_wait3A_152] : memref<2x128x80xf32, #tpu.memory_space<vmem>> -> memref<1x128x80xf32, #tpu.memory_space<vmem>>
      %dma_wait3A_154 = tpu.memref_squeeze %dma_wait3A_153 : memref<1x128x80xf32, #tpu.memory_space<vmem>> -> memref<128x80xf32, #tpu.memory_space<vmem>>
      tpu.wait_dma2 semaphore(%run_scoped3A_130 : memref<!tpu.dma_semaphore, #tpu.memory_space<semaphore_mem>>) src(%dma_wait3A_154 : memref<128x80xf32, #tpu.memory_space<vmem>>) dst(%dma_wait3A_150 : memref<128x80xf32, #tpu.memory_space<vmem_shared>>)
      tpu.yield
    }) : () -> ()
    %mul3A_51 = arith.constant 640 : i32
    %mul3A_52 = arith.muli %arg1, %mul3A_51 : i32
    %add3A_53 = arith.constant 512 : i32
    %add3A_54 = arith.addi %mul3A_52, %add3A_53 : i32
    %run_scoped3A_55 = arith.constant 0 : i32
    "tpu.region"() ({
      %run_scoped3A_130 = tpu.sem_alloc : memref<!tpu.dma_semaphore, #tpu.memory_space<semaphore_mem>>
      %dma_start3A_131 = arith.constant 0 : i32
      %dma_start3A_132 = arith.constant 0 : i32
      %dma_start3A_133 = tpu.memref_slice %arg9[%run_scoped3A_55, %dma_start3A_131, %dma_start3A_132] : memref<2x128x80xf32, #tpu.memory_space<vmem>> -> memref<1x128x80xf32, #tpu.memory_space<vmem>>
      %dma_start3A_134 = tpu.memref_squeeze %dma_start3A_133 : memref<1x128x80xf32, #tpu.memory_space<vmem>> -> memref<128x80xf32, #tpu.memory_space<vmem>>
      %dma_start3A_135 = arith.constant 0 : i32
      %dma_start3A_136 = tpu.memref_slice %arg11[%add3A_54, %dma_start3A_135] : memref<10240x80xf32, #tpu.memory_space<vmem_shared>> -> memref<128x80xf32, #tpu.memory_space<vmem_shared>>
      %dma_start3A_137 = arith.constant 0 : i32
      %dma_start3A_138 = tpu.memref_slice %arg11[%add3A_54, %dma_start3A_137] : memref<10240x80xf32, #tpu.memory_space<vmem_shared>> -> memref<128x80xf32, #tpu.memory_space<vmem_shared>>
      %dma_start3A_139 = arith.constant 0 : i32
      %dma_start3A_140 = arith.constant 0 : i32
      %dma_start3A_141 = tpu.memref_slice %arg9[%run_scoped3A_55, %dma_start3A_139, %dma_start3A_140] : memref<2x128x80xf32, #tpu.memory_space<vmem>> -> memref<1x128x80xf32, #tpu.memory_space<vmem>>
      %dma_start3A_142 = tpu.memref_squeeze %dma_start3A_141 : memref<1x128x80xf32, #tpu.memory_space<vmem>> -> memref<128x80xf32, #tpu.memory_space<vmem>>
      tpu.enqueue_dma source(%dma_start3A_142 : memref<128x80xf32, #tpu.memory_space<vmem>>) target(%dma_start3A_138 : memref<128x80xf32, #tpu.memory_space<vmem_shared>>) target_semaphore(%run_scoped3A_130 : memref<!tpu.dma_semaphore, #tpu.memory_space<semaphore_mem>>)
      %dma_wait3A_143 = arith.constant 0 : i32
      %dma_wait3A_144 = arith.constant 0 : i32
      %dma_wait3A_145 = tpu.memref_slice %arg9[%run_scoped3A_55, %dma_wait3A_143, %dma_wait3A_144] : memref<2x128x80xf32, #tpu.memory_space<vmem>> -> memref<1x128x80xf32, #tpu.memory_space<vmem>>
      %dma_wait3A_146 = tpu.memref_squeeze %dma_wait3A_145 : memref<1x128x80xf32, #tpu.memory_space<vmem>> -> memref<128x80xf32, #tpu.memory_space<vmem>>
      %dma_wait3A_147 = arith.constant 0 : i32
      %dma_wait3A_148 = tpu.memref_slice %arg11[%add3A_54, %dma_wait3A_147] : memref<10240x80xf32, #tpu.memory_space<vmem_shared>> -> memref<128x80xf32, #tpu.memory_space<vmem_shared>>
      %dma_wait3A_149 = arith.constant 0 : i32
      %dma_wait3A_150 = tpu.memref_slice %arg11[%add3A_54, %dma_wait3A_149] : memref<10240x80xf32, #tpu.memory_space<vmem_shared>> -> memref<128x80xf32, #tpu.memory_space<vmem_shared>>
      %dma_wait3A_151 = arith.constant 0 : i32
      %dma_wait3A_152 = arith.constant 0 : i32
      %dma_wait3A_153 = tpu.memref_slice %arg9[%run_scoped3A_55, %dma_wait3A_151, %dma_wait3A_152] : memref<2x128x80xf32, #tpu.memory_space<vmem>> -> memref<1x128x80xf32, #tpu.memory_space<vmem>>
      %dma_wait3A_154 = tpu.memref_squeeze %dma_wait3A_153 : memref<1x128x80xf32, #tpu.memory_space<vmem>> -> memref<128x80xf32, #tpu.memory_space<vmem>>
      tpu.wait_dma2 semaphore(%run_scoped3A_130 : memref<!tpu.dma_semaphore, #tpu.memory_space<semaphore_mem>>) src(%dma_wait3A_154 : memref<128x80xf32, #tpu.memory_space<vmem>>) dst(%dma_wait3A_150 : memref<128x80xf32, #tpu.memory_space<vmem_shared>>)
      tpu.yield
    }) : () -> ()
    %mul3A_56 = arith.constant 640 : i32
    %mul3A_57 = arith.muli %arg1, %mul3A_56 : i32
    %add3A_58 = arith.constant 512 : i32
    %add3A_59 = arith.addi %mul3A_57, %add3A_58 : i32
    %run_scoped3A_60 = arith.constant 0 : i32
    "tpu.region"() ({
      %run_scoped3A_130 = tpu.sem_alloc : memref<!tpu.dma_semaphore, #tpu.memory_space<semaphore_mem>>
      %dma_start3A_131 = arith.constant 0 : i32
      %dma_start3A_132 = arith.constant 0 : i32
      %dma_start3A_133 = tpu.memref_slice %arg9[%run_scoped3A_60, %dma_start3A_131, %dma_start3A_132] : memref<2x128x80xf32, #tpu.memory_space<vmem>> -> memref<1x128x80xf32, #tpu.memory_space<vmem>>
      %dma_start3A_134 = tpu.memref_squeeze %dma_start3A_133 : memref<1x128x80xf32, #tpu.memory_space<vmem>> -> memref<128x80xf32, #tpu.memory_space<vmem>>
      %dma_start3A_135 = arith.constant 0 : i32
      %dma_start3A_136 = tpu.memref_slice %arg10[%add3A_59, %dma_start3A_135] : memref<10240x80xf32, #tpu.memory_space<vmem_shared>> -> memref<128x80xf32, #tpu.memory_space<vmem_shared>>
      %dma_start3A_137 = arith.constant 0 : i32
      %dma_start3A_138 = tpu.memref_slice %arg10[%add3A_59, %dma_start3A_137] : memref<10240x80xf32, #tpu.memory_space<vmem_shared>> -> memref<128x80xf32, #tpu.memory_space<vmem_shared>>
      %dma_start3A_139 = arith.constant 0 : i32
      %dma_start3A_140 = arith.constant 0 : i32
      %dma_start3A_141 = tpu.memref_slice %arg9[%run_scoped3A_60, %dma_start3A_139, %dma_start3A_140] : memref<2x128x80xf32, #tpu.memory_space<vmem>> -> memref<1x128x80xf32, #tpu.memory_space<vmem>>
      %dma_start3A_142 = tpu.memref_squeeze %dma_start3A_141 : memref<1x128x80xf32, #tpu.memory_space<vmem>> -> memref<128x80xf32, #tpu.memory_space<vmem>>
      tpu.enqueue_dma source(%dma_start3A_142 : memref<128x80xf32, #tpu.memory_space<vmem>>) target(%dma_start3A_138 : memref<128x80xf32, #tpu.memory_space<vmem_shared>>) target_semaphore(%run_scoped3A_130 : memref<!tpu.dma_semaphore, #tpu.memory_space<semaphore_mem>>)
      %dma_wait3A_143 = arith.constant 0 : i32
      %dma_wait3A_144 = arith.constant 0 : i32
      %dma_wait3A_145 = tpu.memref_slice %arg9[%run_scoped3A_60, %dma_wait3A_143, %dma_wait3A_144] : memref<2x128x80xf32, #tpu.memory_space<vmem>> -> memref<1x128x80xf32, #tpu.memory_space<vmem>>
      %dma_wait3A_146 = tpu.memref_squeeze %dma_wait3A_145 : memref<1x128x80xf32, #tpu.memory_space<vmem>> -> memref<128x80xf32, #tpu.memory_space<vmem>>
      %dma_wait3A_147 = arith.constant 0 : i32
      %dma_wait3A_148 = tpu.memref_slice %arg10[%add3A_59, %dma_wait3A_147] : memref<10240x80xf32, #tpu.memory_space<vmem_shared>> -> memref<128x80xf32, #tpu.memory_space<vmem_shared>>
      %dma_wait3A_149 = arith.constant 0 : i32
      %dma_wait3A_150 = tpu.memref_slice %arg10[%add3A_59, %dma_wait3A_149] : memref<10240x80xf32, #tpu.memory_space<vmem_shared>> -> memref<128x80xf32, #tpu.memory_space<vmem_shared>>
      %dma_wait3A_151 = arith.constant 0 : i32
      %dma_wait3A_152 = arith.constant 0 : i32
      %dma_wait3A_153 = tpu.memref_slice %arg9[%run_scoped3A_60, %dma_wait3A_151, %dma_wait3A_152] : memref<2x128x80xf32, #tpu.memory_space<vmem>> -> memref<1x128x80xf32, #tpu.memory_space<vmem>>
      %dma_wait3A_154 = tpu.memref_squeeze %dma_wait3A_153 : memref<1x128x80xf32, #tpu.memory_space<vmem>> -> memref<128x80xf32, #tpu.memory_space<vmem>>
      tpu.wait_dma2 semaphore(%run_scoped3A_130 : memref<!tpu.dma_semaphore, #tpu.memory_space<semaphore_mem>>) src(%dma_wait3A_154 : memref<128x80xf32, #tpu.memory_space<vmem>>) dst(%dma_wait3A_150 : memref<128x80xf32, #tpu.memory_space<vmem_shared>>)
      tpu.yield
    }) : () -> ()
    %mul3A_61 = arith.constant 640 : i32
    %mul3A_62 = arith.muli %arg1, %mul3A_61 : i32
    %eq3A = arith.constant 0 : i32
    %eq3A_63 = arith.cmpi eq, %arg0, %eq3A : i32
    %convert_element_type3A = arith.extui %eq3A_63 : i1 to i32
    %cond3A = arith.constant 0 : i32
    %cond3A_64 = arith.cmpi ne, %convert_element_type3A, %cond3A : i32
    scf.if %cond3A_64 {
      "tpu.region"() ({
        %run_scoped3A_130 = tpu.sem_alloc : memref<!tpu.dma_semaphore, #tpu.memory_space<semaphore_mem>>
        %dma_start3A_131 = arith.constant 0 : i32
        %dma_start3A_132 = tpu.memref_slice %arg10[%mul3A_62, %dma_start3A_131] : memref<10240x80xf32, #tpu.memory_space<vmem_shared>> -> memref<640x64xf32, #tpu.memory_space<vmem_shared>>
        %dma_start3A_133 = arith.constant 0 : i32
        %dma_start3A_134 = tpu.memref_slice %arg4[%mul3A_62, %dma_start3A_133] : memref<10240x128xf32, #tpu.memory_space<hbm>> -> memref<640x64xf32, #tpu.memory_space<hbm>>
        tpu.enqueue_dma source(%dma_start3A_134 : memref<640x64xf32, #tpu.memory_space<hbm>>) target(%dma_start3A_132 : memref<640x64xf32, #tpu.memory_space<vmem_shared>>) target_semaphore(%run_scoped3A_130 : memref<!tpu.dma_semaphore, #tpu.memory_space<semaphore_mem>>)
        %dma_wait3A_135 = arith.constant 0 : i32
        %dma_wait3A_136 = tpu.memref_slice %arg10[%mul3A_62, %dma_wait3A_135] : memref<10240x80xf32, #tpu.memory_space<vmem_shared>> -> memref<640x64xf32, #tpu.memory_space<vmem_shared>>
        %dma_wait3A_137 = arith.constant 0 : i32
        %dma_wait3A_138 = tpu.memref_slice %arg4[%mul3A_62, %dma_wait3A_137] : memref<10240x128xf32, #tpu.memory_space<hbm>> -> memref<640x64xf32, #tpu.memory_space<hbm>>
        tpu.wait_dma2 semaphore(%run_scoped3A_130 : memref<!tpu.dma_semaphore, #tpu.memory_space<semaphore_mem>>) src(%dma_wait3A_138 : memref<640x64xf32, #tpu.memory_space<hbm>>) dst(%dma_wait3A_136 : memref<640x64xf32, #tpu.memory_space<vmem_shared>>)
        tpu.yield
      }) : () -> ()
    } else {
    }
    %eq3A_65 = arith.constant 1 : i32
    %eq3A_66 = arith.cmpi eq, %arg0, %eq3A_65 : i32
    %convert_element_type3A_67 = arith.extui %eq3A_66 : i1 to i32
    %cond3A_68 = arith.constant 0 : i32
    %cond3A_69 = arith.cmpi ne, %convert_element_type3A_67, %cond3A_68 : i32
    scf.if %cond3A_69 {
      "tpu.region"() ({
        %run_scoped3A_130 = tpu.sem_alloc : memref<!tpu.dma_semaphore, #tpu.memory_space<semaphore_mem>>
        %dma_start3A_131 = arith.constant 0 : i32
        %dma_start3A_132 = tpu.memref_slice %arg10[%mul3A_62, %dma_start3A_131] : memref<10240x80xf32, #tpu.memory_space<vmem_shared>> -> memref<640x64xf32, #tpu.memory_space<vmem_shared>>
        %dma_start3A_133 = arith.constant 64 : i32
        %dma_start3A_134 = tpu.memref_slice %arg4[%mul3A_62, %dma_start3A_133] : memref<10240x128xf32, #tpu.memory_space<hbm>> -> memref<640x64xf32, #tpu.memory_space<hbm>>
        tpu.enqueue_dma source(%dma_start3A_134 : memref<640x64xf32, #tpu.memory_space<hbm>>) target(%dma_start3A_132 : memref<640x64xf32, #tpu.memory_space<vmem_shared>>) target_semaphore(%run_scoped3A_130 : memref<!tpu.dma_semaphore, #tpu.memory_space<semaphore_mem>>)
        %dma_wait3A_135 = arith.constant 0 : i32
        %dma_wait3A_136 = tpu.memref_slice %arg10[%mul3A_62, %dma_wait3A_135] : memref<10240x80xf32, #tpu.memory_space<vmem_shared>> -> memref<640x64xf32, #tpu.memory_space<vmem_shared>>
        %dma_wait3A_137 = arith.constant 64 : i32
        %dma_wait3A_138 = tpu.memref_slice %arg4[%mul3A_62, %dma_wait3A_137] : memref<10240x128xf32, #tpu.memory_space<hbm>> -> memref<640x64xf32, #tpu.memory_space<hbm>>
        tpu.wait_dma2 semaphore(%run_scoped3A_130 : memref<!tpu.dma_semaphore, #tpu.memory_space<semaphore_mem>>) src(%dma_wait3A_138 : memref<640x64xf32, #tpu.memory_space<hbm>>) dst(%dma_wait3A_136 : memref<640x64xf32, #tpu.memory_space<vmem_shared>>)
        tpu.yield
      }) : () -> ()
    } else {
    }
    "tpu.region"() ({
      %run_scoped3A_130 = tpu.sem_alloc : memref<!tpu.dma_semaphore, #tpu.memory_space<semaphore_mem>>
      %dma_start3A_131 = arith.constant 64 : i32
      %dma_start3A_132 = tpu.memref_slice %arg10[%mul3A_62, %dma_start3A_131] : memref<10240x80xf32, #tpu.memory_space<vmem_shared>> -> memref<640x8xf32, #tpu.memory_space<vmem_shared>>
      %dma_start3A_133 = arith.constant 0 : i32
      %dma_start3A_134 = tpu.memref_slice %arg5[%mul3A_62, %dma_start3A_133] : memref<10240x8xf32, #tpu.memory_space<hbm>> -> memref<640x8xf32, #tpu.memory_space<hbm>>
      tpu.enqueue_dma source(%dma_start3A_134 : memref<640x8xf32, #tpu.memory_space<hbm>>) target(%dma_start3A_132 : memref<640x8xf32, #tpu.memory_space<vmem_shared>>) target_semaphore(%run_scoped3A_130 : memref<!tpu.dma_semaphore, #tpu.memory_space<semaphore_mem>>)
      %dma_wait3A_135 = arith.constant 64 : i32
      %dma_wait3A_136 = tpu.memref_slice %arg10[%mul3A_62, %dma_wait3A_135] : memref<10240x80xf32, #tpu.memory_space<vmem_shared>> -> memref<640x8xf32, #tpu.memory_space<vmem_shared>>
      %dma_wait3A_137 = arith.constant 0 : i32
      %dma_wait3A_138 = tpu.memref_slice %arg5[%mul3A_62, %dma_wait3A_137] : memref<10240x8xf32, #tpu.memory_space<hbm>> -> memref<640x8xf32, #tpu.memory_space<hbm>>
      tpu.wait_dma2 semaphore(%run_scoped3A_130 : memref<!tpu.dma_semaphore, #tpu.memory_space<semaphore_mem>>) src(%dma_wait3A_138 : memref<640x8xf32, #tpu.memory_space<hbm>>) dst(%dma_wait3A_136 : memref<640x8xf32, #tpu.memory_space<vmem_shared>>)
      tpu.yield
    }) : () -> ()
    %barrier3A = arith.constant 0 : index
    tpu.barrier barrier_id(%barrier3A)
    %mul3A_70 = arith.constant 128 : i32
    %mul3A_71 = arith.muli %add3A_5, %mul3A_70 : i32
    %dma_start3A = arith.constant 0 : i32
    %dma_start3A_72 = arith.constant 0 : i32
    %dma_start3A_73 = tpu.memref_slice %arg7[%dma_start3A, %dma_start3A_72] : memref<2x128xi32, #tpu.memory_space<vmem>> -> memref<1x128xi32, #tpu.memory_space<vmem>>
    %dma_start3A_74 = tpu.memref_squeeze %dma_start3A_73 : memref<1x128xi32, #tpu.memory_space<vmem>> -> memref<128xi32, #tpu.memory_space<vmem>>
    %dma_start3A_75 = tpu.memref_slice %arg2[%mul3A_71] : memref<320000xi32, #tpu.memory_space<hbm>> -> memref<128xi32, #tpu.memory_space<hbm>>
    %dma_start3A_76 = arith.constant 0 : i32
    %dma_start3A_77 = tpu.memref_slice %arg7[%dma_start3A, %dma_start3A_76] : memref<2x128xi32, #tpu.memory_space<vmem>> -> memref<1x128xi32, #tpu.memory_space<vmem>>
    %dma_start3A_78 = tpu.memref_squeeze %dma_start3A_77 : memref<1x128xi32, #tpu.memory_space<vmem>> -> memref<128xi32, #tpu.memory_space<vmem>>
    %dma_start3A_79 = tpu.memref_slice %arg2[%mul3A_71] : memref<320000xi32, #tpu.memory_space<hbm>> -> memref<128xi32, #tpu.memory_space<hbm>>
    tpu.enqueue_dma source(%dma_start3A_79 : memref<128xi32, #tpu.memory_space<hbm>>) target(%dma_start3A_78 : memref<128xi32, #tpu.memory_space<vmem>>) target_semaphore(%arg12 : memref<!tpu.dma_semaphore, #tpu.memory_space<semaphore_mem>>)
    %dma_start3A_80 = arith.constant 0 : i32
    %dma_start3A_81 = arith.constant 0 : i32
    %dma_start3A_82 = tpu.memref_slice %arg8[%dma_start3A_80, %dma_start3A_81] : memref<2x128xi32, #tpu.memory_space<vmem>> -> memref<1x128xi32, #tpu.memory_space<vmem>>
    %dma_start3A_83 = tpu.memref_squeeze %dma_start3A_82 : memref<1x128xi32, #tpu.memory_space<vmem>> -> memref<128xi32, #tpu.memory_space<vmem>>
    %dma_start3A_84 = tpu.memref_slice %arg3[%mul3A_71] : memref<320000xi32, #tpu.memory_space<hbm>> -> memref<128xi32, #tpu.memory_space<hbm>>
    %dma_start3A_85 = arith.constant 0 : i32
    %dma_start3A_86 = tpu.memref_slice %arg8[%dma_start3A_80, %dma_start3A_85] : memref<2x128xi32, #tpu.memory_space<vmem>> -> memref<1x128xi32, #tpu.memory_space<vmem>>
    %dma_start3A_87 = tpu.memref_squeeze %dma_start3A_86 : memref<1x128xi32, #tpu.memory_space<vmem>> -> memref<128xi32, #tpu.memory_space<vmem>>
    %dma_start3A_88 = tpu.memref_slice %arg3[%mul3A_71] : memref<320000xi32, #tpu.memory_space<hbm>> -> memref<128xi32, #tpu.memory_space<hbm>>
    tpu.enqueue_dma source(%dma_start3A_88 : memref<128xi32, #tpu.memory_space<hbm>>) target(%dma_start3A_87 : memref<128xi32, #tpu.memory_space<vmem>>) target_semaphore(%arg12 : memref<!tpu.dma_semaphore, #tpu.memory_space<semaphore_mem>>)
    %while3A = arith.constant 0 : i32
    %while3A_89 = arith.constant 0 : i32
    %while3A_90 = arith.subi %add3A_2, %while3A : i32
    %while3A_91 = arith.addi %while3A, %while3A_90 : i32
    %while3A_92 = arith.constant 1 : i32
    %while3A_93 = arith.divsi %while3A_90, %while3A_92 : i32
    %while3A_94 = arith.muli %while3A_93, %while3A_92 : i32
    %while3A_95 = arith.addi %while3A, %while3A_94 : i32
    %while3A_96 = arith.constant 1 : i32
    %while3A_97 = scf.for %while3A_130 = %while3A to %while3A_95 step %while3A_96 iter_args(%while3A_131 = %while3A_89) -> (i32)  : i32 {
      %jit3A_132 = arith.constant 2 : i32
      %eq3A_133 = arith.constant 0 : i32
      %eq3A_134 = arith.cmpi eq, %jit3A_132, %eq3A_133 : i32
      %jit3A_135 = arith.constant 1 : i32
      %select_n3A_136 = arith.select %eq3A_134, %jit3A_135, %jit3A_132 : i32
      %rem3A = arith.remsi %while3A_130, %select_n3A_136 : i32
      %ne3A = arith.constant 0 : i32
      %ne3A_137 = arith.cmpi ne, %rem3A, %ne3A : i32
      %lt3A_138 = arith.constant 0 : i32
      %lt3A_139 = arith.cmpi slt, %rem3A, %lt3A_138 : i32
      %lt3A_140 = arith.constant 0 : i32
      %lt3A_141 = arith.cmpi slt, %select_n3A_136, %lt3A_140 : i32
      %ne3A_142 = arith.xori %lt3A_139, %lt3A_141 : i1
      %and3A = arith.andi %ne3A_142, %ne3A_137 : i1
      %add3A_143 = arith.addi %rem3A, %select_n3A_136 : i32
      %select_n3A_144 = arith.select %and3A, %add3A_143, %rem3A : i32
      %mul3A_145 = arith.constant 128 : i32
      %mul3A_146 = arith.muli %while3A_130, %mul3A_145 : i32
      %add3A_147 = arith.addi %mul3A_71, %mul3A_146 : i32
      %dma_wait3A_148 = arith.constant 0 : i32
      %dma_wait3A_149 = tpu.memref_slice %arg7[%select_n3A_144, %dma_wait3A_148] : memref<2x128xi32, #tpu.memory_space<vmem>> -> memref<1x128xi32, #tpu.memory_space<vmem>>
      %dma_wait3A_150 = tpu.memref_squeeze %dma_wait3A_149 : memref<1x128xi32, #tpu.memory_space<vmem>> -> memref<128xi32, #tpu.memory_space<vmem>>
      %dma_wait3A_151 = tpu.memref_slice %arg2[%add3A_147] : memref<320000xi32, #tpu.memory_space<hbm>> -> memref<128xi32, #tpu.memory_space<hbm>>
      %dma_wait3A_152 = arith.constant 0 : i32
      %dma_wait3A_153 = tpu.memref_slice %arg7[%select_n3A_144, %dma_wait3A_152] : memref<2x128xi32, #tpu.memory_space<vmem>> -> memref<1x128xi32, #tpu.memory_space<vmem>>
      %dma_wait3A_154 = tpu.memref_squeeze %dma_wait3A_153 : memref<1x128xi32, #tpu.memory_space<vmem>> -> memref<128xi32, #tpu.memory_space<vmem>>
      %dma_wait3A_155 = tpu.memref_slice %arg2[%add3A_147] : memref<320000xi32, #tpu.memory_space<hbm>> -> memref<128xi32, #tpu.memory_space<hbm>>
      tpu.wait_dma2 semaphore(%arg12 : memref<!tpu.dma_semaphore, #tpu.memory_space<semaphore_mem>>) src(%dma_wait3A_155 : memref<128xi32, #tpu.memory_space<hbm>>) dst(%dma_wait3A_154 : memref<128xi32, #tpu.memory_space<vmem>>)
      %dma_wait3A_156 = arith.constant 0 : i32
      %dma_wait3A_157 = tpu.memref_slice %arg8[%select_n3A_144, %dma_wait3A_156] : memref<2x128xi32, #tpu.memory_space<vmem>> -> memref<1x128xi32, #tpu.memory_space<vmem>>
      %dma_wait3A_158 = tpu.memref_squeeze %dma_wait3A_157 : memref<1x128xi32, #tpu.memory_space<vmem>> -> memref<128xi32, #tpu.memory_space<vmem>>
      %dma_wait3A_159 = tpu.memref_slice %arg3[%add3A_147] : memref<320000xi32, #tpu.memory_space<hbm>> -> memref<128xi32, #tpu.memory_space<hbm>>
      %dma_wait3A_160 = arith.constant 0 : i32
      %dma_wait3A_161 = tpu.memref_slice %arg8[%select_n3A_144, %dma_wait3A_160] : memref<2x128xi32, #tpu.memory_space<vmem>> -> memref<1x128xi32, #tpu.memory_space<vmem>>
      %dma_wait3A_162 = tpu.memref_squeeze %dma_wait3A_161 : memref<1x128xi32, #tpu.memory_space<vmem>> -> memref<128xi32, #tpu.memory_space<vmem>>
      %dma_wait3A_163 = tpu.memref_slice %arg3[%add3A_147] : memref<320000xi32, #tpu.memory_space<hbm>> -> memref<128xi32, #tpu.memory_space<hbm>>
      tpu.wait_dma2 semaphore(%arg12 : memref<!tpu.dma_semaphore, #tpu.memory_space<semaphore_mem>>) src(%dma_wait3A_163 : memref<128xi32, #tpu.memory_space<hbm>>) dst(%dma_wait3A_162 : memref<128xi32, #tpu.memory_space<vmem>>)
      %add3A_164 = arith.constant 1 : i32
      %add3A_165 = arith.addi %while3A_130, %add3A_164 : i32
      %lt3A_166 = arith.cmpi slt, %add3A_165, %add3A_2 : i32
      %convert_element_type3A_167 = arith.extui %lt3A_166 : i1 to i32
      %cond3A_168 = arith.constant 0 : i32
      %cond3A_169 = arith.cmpi ne, %convert_element_type3A_167, %cond3A_168 : i32
      scf.if %cond3A_169 {
        %add3A_205 = arith.constant 128 : i32
        %add3A_206 = arith.addi %add3A_147, %add3A_205 : i32
        %sub3A = arith.constant 1 : i32
        %sub3A_207 = arith.subi %sub3A, %select_n3A_144 : i32
        %dma_start3A_208 = arith.constant 0 : i32
        %dma_start3A_209 = tpu.memref_slice %arg7[%sub3A_207, %dma_start3A_208] : memref<2x128xi32, #tpu.memory_space<vmem>> -> memref<1x128xi32, #tpu.memory_space<vmem>>
        %dma_start3A_210 = tpu.memref_squeeze %dma_start3A_209 : memref<1x128xi32, #tpu.memory_space<vmem>> -> memref<128xi32, #tpu.memory_space<vmem>>
        %dma_start3A_211 = tpu.memref_slice %arg2[%add3A_206] : memref<320000xi32, #tpu.memory_space<hbm>> -> memref<128xi32, #tpu.memory_space<hbm>>
        %dma_start3A_212 = arith.constant 0 : i32
        %dma_start3A_213 = tpu.memref_slice %arg7[%sub3A_207, %dma_start3A_212] : memref<2x128xi32, #tpu.memory_space<vmem>> -> memref<1x128xi32, #tpu.memory_space<vmem>>
        %dma_start3A_214 = tpu.memref_squeeze %dma_start3A_213 : memref<1x128xi32, #tpu.memory_space<vmem>> -> memref<128xi32, #tpu.memory_space<vmem>>
        %dma_start3A_215 = tpu.memref_slice %arg2[%add3A_206] : memref<320000xi32, #tpu.memory_space<hbm>> -> memref<128xi32, #tpu.memory_space<hbm>>
        tpu.enqueue_dma source(%dma_start3A_215 : memref<128xi32, #tpu.memory_space<hbm>>) target(%dma_start3A_214 : memref<128xi32, #tpu.memory_space<vmem>>) target_semaphore(%arg12 : memref<!tpu.dma_semaphore, #tpu.memory_space<semaphore_mem>>)
        %add3A_216 = arith.constant 128 : i32
        %add3A_217 = arith.addi %add3A_147, %add3A_216 : i32
        %sub3A_218 = arith.constant 1 : i32
        %sub3A_219 = arith.subi %sub3A_218, %select_n3A_144 : i32
        %dma_start3A_220 = arith.constant 0 : i32
        %dma_start3A_221 = tpu.memref_slice %arg8[%sub3A_219, %dma_start3A_220] : memref<2x128xi32, #tpu.memory_space<vmem>> -> memref<1x128xi32, #tpu.memory_space<vmem>>
        %dma_start3A_222 = tpu.memref_squeeze %dma_start3A_221 : memref<1x128xi32, #tpu.memory_space<vmem>> -> memref<128xi32, #tpu.memory_space<vmem>>
        %dma_start3A_223 = tpu.memref_slice %arg3[%add3A_217] : memref<320000xi32, #tpu.memory_space<hbm>> -> memref<128xi32, #tpu.memory_space<hbm>>
        %dma_start3A_224 = arith.constant 0 : i32
        %dma_start3A_225 = tpu.memref_slice %arg8[%sub3A_219, %dma_start3A_224] : memref<2x128xi32, #tpu.memory_space<vmem>> -> memref<1x128xi32, #tpu.memory_space<vmem>>
        %dma_start3A_226 = tpu.memref_squeeze %dma_start3A_225 : memref<1x128xi32, #tpu.memory_space<vmem>> -> memref<128xi32, #tpu.memory_space<vmem>>
        %dma_start3A_227 = tpu.memref_slice %arg3[%add3A_217] : memref<320000xi32, #tpu.memory_space<hbm>> -> memref<128xi32, #tpu.memory_space<hbm>>
        tpu.enqueue_dma source(%dma_start3A_227 : memref<128xi32, #tpu.memory_space<hbm>>) target(%dma_start3A_226 : memref<128xi32, #tpu.memory_space<vmem>>) target_semaphore(%arg12 : memref<!tpu.dma_semaphore, #tpu.memory_space<semaphore_mem>>)
      } else {
      }
      %ge3A = arith.constant 2 : i32
      %ge3A_170 = arith.cmpi sge, %while3A_130, %ge3A : i32
      %convert_element_type3A_171 = arith.extui %ge3A_170 : i1 to i32
      %cond3A_172 = arith.constant 0 : i32
      %cond3A_173 = arith.cmpi ne, %convert_element_type3A_171, %cond3A_172 : i32
      scf.if %cond3A_173 {
        %dma_wait3A_205 = arith.constant 0 : i32
        %dma_wait3A_206 = arith.constant 0 : i32
        %dma_wait3A_207 = tpu.memref_slice %arg9[%select_n3A_144, %dma_wait3A_205, %dma_wait3A_206] : memref<2x128x80xf32, #tpu.memory_space<vmem>> -> memref<1x128x80xf32, #tpu.memory_space<vmem>>
        %dma_wait3A_208 = tpu.memref_squeeze %dma_wait3A_207 : memref<1x128x80xf32, #tpu.memory_space<vmem>> -> memref<128x80xf32, #tpu.memory_space<vmem>>
        %dma_wait3A_209 = arith.constant 0 : i32
        %dma_wait3A_210 = arith.constant 0 : i32
        %dma_wait3A_211 = tpu.memref_slice %arg11[%dma_wait3A_209, %dma_wait3A_210] : memref<10240x80xf32, #tpu.memory_space<vmem_shared>> -> memref<128x80xf32, #tpu.memory_space<vmem_shared>>
        %dma_wait3A_212 = arith.constant 0 : i32
        %dma_wait3A_213 = arith.constant 0 : i32
        %dma_wait3A_214 = tpu.memref_slice %arg11[%dma_wait3A_212, %dma_wait3A_213] : memref<10240x80xf32, #tpu.memory_space<vmem_shared>> -> memref<128x80xf32, #tpu.memory_space<vmem_shared>>
        %dma_wait3A_215 = arith.constant 0 : i32
        %dma_wait3A_216 = arith.constant 0 : i32
        %dma_wait3A_217 = tpu.memref_slice %arg9[%select_n3A_144, %dma_wait3A_215, %dma_wait3A_216] : memref<2x128x80xf32, #tpu.memory_space<vmem>> -> memref<1x128x80xf32, #tpu.memory_space<vmem>>
        %dma_wait3A_218 = tpu.memref_squeeze %dma_wait3A_217 : memref<1x128x80xf32, #tpu.memory_space<vmem>> -> memref<128x80xf32, #tpu.memory_space<vmem>>
        tpu.wait_dma2 semaphore(%arg14 : memref<!tpu.dma_semaphore, #tpu.memory_space<semaphore_mem>>) src(%dma_wait3A_218 : memref<128x80xf32, #tpu.memory_space<vmem>>) dst(%dma_wait3A_214 : memref<128x80xf32, #tpu.memory_space<vmem_shared>>)
      } else {
      }
      %dma_start3A_174 = arith.constant 0 : i32
      %dma_start3A_175 = arith.constant 0 : i32
      %dma_start3A_176 = tpu.memref_slice %arg9[%select_n3A_144, %dma_start3A_174, %dma_start3A_175] : memref<2x128x80xf32, #tpu.memory_space<vmem>> -> memref<1x128x80xf32, #tpu.memory_space<vmem>>
      %dma_start3A_177 = tpu.memref_squeeze %dma_start3A_176 : memref<1x128x80xf32, #tpu.memory_space<vmem>> -> memref<128x80xf32, #tpu.memory_space<vmem>>
      %dma_start3A_178 = arith.constant 0 : i32
      %dma_start3A_179 = tpu.memref_slice %arg7[%select_n3A_144, %dma_start3A_178] : memref<2x128xi32, #tpu.memory_space<vmem>> -> memref<1x128xi32, #tpu.memory_space<vmem>>
      %dma_start3A_180 = tpu.memref_squeeze %dma_start3A_179 : memref<1x128xi32, #tpu.memory_space<vmem>> -> memref<128xi32, #tpu.memory_space<vmem>>
      %dma_start3A_181 = arith.constant 0 : i32
      %dma_start3A_182 = arith.constant 0 : i32
      %dma_start3A_183 = tpu.memref_slice %arg10[%dma_start3A_181, %dma_start3A_182] : memref<10240x80xf32, #tpu.memory_space<vmem_shared>> -> memref<10240x80xf32, #tpu.memory_space<vmem_shared>>
      tpu.enqueue_indirect_dma source(%dma_start3A_183 : memref<10240x80xf32, #tpu.memory_space<vmem_shared>>) target(%dma_start3A_177 : memref<128x80xf32, #tpu.memory_space<vmem>>) offsets(%dma_start3A_180 : memref<128xi32, #tpu.memory_space<vmem>>) semaphore(%arg13 : memref<!tpu.dma_semaphore, #tpu.memory_space<semaphore_mem>>)
      %dma_wait3A_184 = arith.constant 0 : i32
      %dma_wait3A_185 = arith.constant 0 : i32
      %dma_wait3A_186 = tpu.memref_slice %arg9[%select_n3A_144, %dma_wait3A_184, %dma_wait3A_185] : memref<2x128x80xf32, #tpu.memory_space<vmem>> -> memref<1x128x80xf32, #tpu.memory_space<vmem>>
      %dma_wait3A_187 = tpu.memref_squeeze %dma_wait3A_186 : memref<1x128x80xf32, #tpu.memory_space<vmem>> -> memref<128x80xf32, #tpu.memory_space<vmem>>
      %dma_wait3A_188 = arith.constant 0 : i32
      %dma_wait3A_189 = tpu.memref_slice %arg7[%select_n3A_144, %dma_wait3A_188] : memref<2x128xi32, #tpu.memory_space<vmem>> -> memref<1x128xi32, #tpu.memory_space<vmem>>
      %dma_wait3A_190 = tpu.memref_squeeze %dma_wait3A_189 : memref<1x128xi32, #tpu.memory_space<vmem>> -> memref<128xi32, #tpu.memory_space<vmem>>
      %dma_wait3A_191 = arith.constant 0 : i32
      %dma_wait3A_192 = arith.constant 0 : i32
      %dma_wait3A_193 = tpu.memref_slice %arg10[%dma_wait3A_191, %dma_wait3A_192] : memref<10240x80xf32, #tpu.memory_space<vmem_shared>> -> memref<10240x80xf32, #tpu.memory_space<vmem_shared>>
      tpu.wait_indirect_dma semaphore(%arg13 : memref<!tpu.dma_semaphore, #tpu.memory_space<semaphore_mem>>) src(%dma_wait3A_193 : memref<10240x80xf32, #tpu.memory_space<vmem_shared>>) dst(%dma_wait3A_187 : memref<128x80xf32, #tpu.memory_space<vmem>>)
      %dma_start3A_194 = arith.constant 0 : i32
      %dma_start3A_195 = arith.constant 0 : i32
      %dma_start3A_196 = tpu.memref_slice %arg9[%select_n3A_144, %dma_start3A_194, %dma_start3A_195] : memref<2x128x80xf32, #tpu.memory_space<vmem>> -> memref<1x128x80xf32, #tpu.memory_space<vmem>>
      %dma_start3A_197 = tpu.memref_squeeze %dma_start3A_196 : memref<1x128x80xf32, #tpu.memory_space<vmem>> -> memref<128x80xf32, #tpu.memory_space<vmem>>
      %dma_start3A_198 = arith.constant 0 : i32
      %dma_start3A_199 = tpu.memref_slice %arg8[%select_n3A_144, %dma_start3A_198] : memref<2x128xi32, #tpu.memory_space<vmem>> -> memref<1x128xi32, #tpu.memory_space<vmem>>
      %dma_start3A_200 = tpu.memref_squeeze %dma_start3A_199 : memref<1x128xi32, #tpu.memory_space<vmem>> -> memref<128xi32, #tpu.memory_space<vmem>>
      %dma_start3A_201 = arith.constant 0 : i32
      %dma_start3A_202 = arith.constant 0 : i32
      %dma_start3A_203 = tpu.memref_slice %arg11[%dma_start3A_201, %dma_start3A_202] : memref<10240x80xf32, #tpu.memory_space<vmem_shared>> -> memref<10240x80xf32, #tpu.memory_space<vmem_shared>>
      tpu.enqueue_indirect_dma source(%dma_start3A_197 : memref<128x80xf32, #tpu.memory_space<vmem>>) target(%dma_start3A_203 : memref<10240x80xf32, #tpu.memory_space<vmem_shared>>) offsets(%dma_start3A_200 : memref<128xi32, #tpu.memory_space<vmem>>) semaphore(%arg14 : memref<!tpu.dma_semaphore, #tpu.memory_space<semaphore_mem>>) {add = true}
      %while3A_204 = arith.constant 0 : i32
      scf.yield %while3A_204 : i32
    }
    %while3A_98 = arith.constant 1 : i32
    %while3A_99 = scf.for %while3A_130 = %while3A_95 to %while3A_91 step %while3A_98 iter_args(%while3A_131 = %while3A_97) -> (i32)  : i32 {
      %jit3A_132 = arith.constant 2 : i32
      %eq3A_133 = arith.constant 0 : i32
      %eq3A_134 = arith.cmpi eq, %jit3A_132, %eq3A_133 : i32
      %jit3A_135 = arith.constant 1 : i32
      %select_n3A_136 = arith.select %eq3A_134, %jit3A_135, %jit3A_132 : i32
      %rem3A = arith.remsi %while3A_130, %select_n3A_136 : i32
      %ne3A = arith.constant 0 : i32
      %ne3A_137 = arith.cmpi ne, %rem3A, %ne3A : i32
      %lt3A_138 = arith.constant 0 : i32
      %lt3A_139 = arith.cmpi slt, %rem3A, %lt3A_138 : i32
      %lt3A_140 = arith.constant 0 : i32
      %lt3A_141 = arith.cmpi slt, %select_n3A_136, %lt3A_140 : i32
      %ne3A_142 = arith.xori %lt3A_139, %lt3A_141 : i1
      %and3A = arith.andi %ne3A_142, %ne3A_137 : i1
      %add3A_143 = arith.addi %rem3A, %select_n3A_136 : i32
      %select_n3A_144 = arith.select %and3A, %add3A_143, %rem3A : i32
      %mul3A_145 = arith.constant 128 : i32
      %mul3A_146 = arith.muli %while3A_130, %mul3A_145 : i32
      %add3A_147 = arith.addi %mul3A_71, %mul3A_146 : i32
      %dma_wait3A_148 = arith.constant 0 : i32
      %dma_wait3A_149 = tpu.memref_slice %arg7[%select_n3A_144, %dma_wait3A_148] : memref<2x128xi32, #tpu.memory_space<vmem>> -> memref<1x128xi32, #tpu.memory_space<vmem>>
      %dma_wait3A_150 = tpu.memref_squeeze %dma_wait3A_149 : memref<1x128xi32, #tpu.memory_space<vmem>> -> memref<128xi32, #tpu.memory_space<vmem>>
      %dma_wait3A_151 = tpu.memref_slice %arg2[%add3A_147] : memref<320000xi32, #tpu.memory_space<hbm>> -> memref<128xi32, #tpu.memory_space<hbm>>
      %dma_wait3A_152 = arith.constant 0 : i32
      %dma_wait3A_153 = tpu.memref_slice %arg7[%select_n3A_144, %dma_wait3A_152] : memref<2x128xi32, #tpu.memory_space<vmem>> -> memref<1x128xi32, #tpu.memory_space<vmem>>
      %dma_wait3A_154 = tpu.memref_squeeze %dma_wait3A_153 : memref<1x128xi32, #tpu.memory_space<vmem>> -> memref<128xi32, #tpu.memory_space<vmem>>
      %dma_wait3A_155 = tpu.memref_slice %arg2[%add3A_147] : memref<320000xi32, #tpu.memory_space<hbm>> -> memref<128xi32, #tpu.memory_space<hbm>>
      tpu.wait_dma2 semaphore(%arg12 : memref<!tpu.dma_semaphore, #tpu.memory_space<semaphore_mem>>) src(%dma_wait3A_155 : memref<128xi32, #tpu.memory_space<hbm>>) dst(%dma_wait3A_154 : memref<128xi32, #tpu.memory_space<vmem>>)
      %dma_wait3A_156 = arith.constant 0 : i32
      %dma_wait3A_157 = tpu.memref_slice %arg8[%select_n3A_144, %dma_wait3A_156] : memref<2x128xi32, #tpu.memory_space<vmem>> -> memref<1x128xi32, #tpu.memory_space<vmem>>
      %dma_wait3A_158 = tpu.memref_squeeze %dma_wait3A_157 : memref<1x128xi32, #tpu.memory_space<vmem>> -> memref<128xi32, #tpu.memory_space<vmem>>
      %dma_wait3A_159 = tpu.memref_slice %arg3[%add3A_147] : memref<320000xi32, #tpu.memory_space<hbm>> -> memref<128xi32, #tpu.memory_space<hbm>>
      %dma_wait3A_160 = arith.constant 0 : i32
      %dma_wait3A_161 = tpu.memref_slice %arg8[%select_n3A_144, %dma_wait3A_160] : memref<2x128xi32, #tpu.memory_space<vmem>> -> memref<1x128xi32, #tpu.memory_space<vmem>>
      %dma_wait3A_162 = tpu.memref_squeeze %dma_wait3A_161 : memref<1x128xi32, #tpu.memory_space<vmem>> -> memref<128xi32, #tpu.memory_space<vmem>>
      %dma_wait3A_163 = tpu.memref_slice %arg3[%add3A_147] : memref<320000xi32, #tpu.memory_space<hbm>> -> memref<128xi32, #tpu.memory_space<hbm>>
      tpu.wait_dma2 semaphore(%arg12 : memref<!tpu.dma_semaphore, #tpu.memory_space<semaphore_mem>>) src(%dma_wait3A_163 : memref<128xi32, #tpu.memory_space<hbm>>) dst(%dma_wait3A_162 : memref<128xi32, #tpu.memory_space<vmem>>)
      %add3A_164 = arith.constant 1 : i32
      %add3A_165 = arith.addi %while3A_130, %add3A_164 : i32
      %lt3A_166 = arith.cmpi slt, %add3A_165, %add3A_2 : i32
      %convert_element_type3A_167 = arith.extui %lt3A_166 : i1 to i32
      %cond3A_168 = arith.constant 0 : i32
      %cond3A_169 = arith.cmpi ne, %convert_element_type3A_167, %cond3A_168 : i32
      scf.if %cond3A_169 {
        %add3A_205 = arith.constant 128 : i32
        %add3A_206 = arith.addi %add3A_147, %add3A_205 : i32
        %sub3A = arith.constant 1 : i32
        %sub3A_207 = arith.subi %sub3A, %select_n3A_144 : i32
        %dma_start3A_208 = arith.constant 0 : i32
        %dma_start3A_209 = tpu.memref_slice %arg7[%sub3A_207, %dma_start3A_208] : memref<2x128xi32, #tpu.memory_space<vmem>> -> memref<1x128xi32, #tpu.memory_space<vmem>>
        %dma_start3A_210 = tpu.memref_squeeze %dma_start3A_209 : memref<1x128xi32, #tpu.memory_space<vmem>> -> memref<128xi32, #tpu.memory_space<vmem>>
        %dma_start3A_211 = tpu.memref_slice %arg2[%add3A_206] : memref<320000xi32, #tpu.memory_space<hbm>> -> memref<128xi32, #tpu.memory_space<hbm>>
        %dma_start3A_212 = arith.constant 0 : i32
        %dma_start3A_213 = tpu.memref_slice %arg7[%sub3A_207, %dma_start3A_212] : memref<2x128xi32, #tpu.memory_space<vmem>> -> memref<1x128xi32, #tpu.memory_space<vmem>>
        %dma_start3A_214 = tpu.memref_squeeze %dma_start3A_213 : memref<1x128xi32, #tpu.memory_space<vmem>> -> memref<128xi32, #tpu.memory_space<vmem>>
        %dma_start3A_215 = tpu.memref_slice %arg2[%add3A_206] : memref<320000xi32, #tpu.memory_space<hbm>> -> memref<128xi32, #tpu.memory_space<hbm>>
        tpu.enqueue_dma source(%dma_start3A_215 : memref<128xi32, #tpu.memory_space<hbm>>) target(%dma_start3A_214 : memref<128xi32, #tpu.memory_space<vmem>>) target_semaphore(%arg12 : memref<!tpu.dma_semaphore, #tpu.memory_space<semaphore_mem>>)
        %add3A_216 = arith.constant 128 : i32
        %add3A_217 = arith.addi %add3A_147, %add3A_216 : i32
        %sub3A_218 = arith.constant 1 : i32
        %sub3A_219 = arith.subi %sub3A_218, %select_n3A_144 : i32
        %dma_start3A_220 = arith.constant 0 : i32
        %dma_start3A_221 = tpu.memref_slice %arg8[%sub3A_219, %dma_start3A_220] : memref<2x128xi32, #tpu.memory_space<vmem>> -> memref<1x128xi32, #tpu.memory_space<vmem>>
        %dma_start3A_222 = tpu.memref_squeeze %dma_start3A_221 : memref<1x128xi32, #tpu.memory_space<vmem>> -> memref<128xi32, #tpu.memory_space<vmem>>
        %dma_start3A_223 = tpu.memref_slice %arg3[%add3A_217] : memref<320000xi32, #tpu.memory_space<hbm>> -> memref<128xi32, #tpu.memory_space<hbm>>
        %dma_start3A_224 = arith.constant 0 : i32
        %dma_start3A_225 = tpu.memref_slice %arg8[%sub3A_219, %dma_start3A_224] : memref<2x128xi32, #tpu.memory_space<vmem>> -> memref<1x128xi32, #tpu.memory_space<vmem>>
        %dma_start3A_226 = tpu.memref_squeeze %dma_start3A_225 : memref<1x128xi32, #tpu.memory_space<vmem>> -> memref<128xi32, #tpu.memory_space<vmem>>
        %dma_start3A_227 = tpu.memref_slice %arg3[%add3A_217] : memref<320000xi32, #tpu.memory_space<hbm>> -> memref<128xi32, #tpu.memory_space<hbm>>
        tpu.enqueue_dma source(%dma_start3A_227 : memref<128xi32, #tpu.memory_space<hbm>>) target(%dma_start3A_226 : memref<128xi32, #tpu.memory_space<vmem>>) target_semaphore(%arg12 : memref<!tpu.dma_semaphore, #tpu.memory_space<semaphore_mem>>)
      } else {
      }
      %ge3A = arith.constant 2 : i32
      %ge3A_170 = arith.cmpi sge, %while3A_130, %ge3A : i32
      %convert_element_type3A_171 = arith.extui %ge3A_170 : i1 to i32
      %cond3A_172 = arith.constant 0 : i32
      %cond3A_173 = arith.cmpi ne, %convert_element_type3A_171, %cond3A_172 : i32
      scf.if %cond3A_173 {
        %dma_wait3A_205 = arith.constant 0 : i32
        %dma_wait3A_206 = arith.constant 0 : i32
        %dma_wait3A_207 = tpu.memref_slice %arg9[%select_n3A_144, %dma_wait3A_205, %dma_wait3A_206] : memref<2x128x80xf32, #tpu.memory_space<vmem>> -> memref<1x128x80xf32, #tpu.memory_space<vmem>>
        %dma_wait3A_208 = tpu.memref_squeeze %dma_wait3A_207 : memref<1x128x80xf32, #tpu.memory_space<vmem>> -> memref<128x80xf32, #tpu.memory_space<vmem>>
        %dma_wait3A_209 = arith.constant 0 : i32
        %dma_wait3A_210 = arith.constant 0 : i32
        %dma_wait3A_211 = tpu.memref_slice %arg11[%dma_wait3A_209, %dma_wait3A_210] : memref<10240x80xf32, #tpu.memory_space<vmem_shared>> -> memref<128x80xf32, #tpu.memory_space<vmem_shared>>
        %dma_wait3A_212 = arith.constant 0 : i32
        %dma_wait3A_213 = arith.constant 0 : i32
        %dma_wait3A_214 = tpu.memref_slice %arg11[%dma_wait3A_212, %dma_wait3A_213] : memref<10240x80xf32, #tpu.memory_space<vmem_shared>> -> memref<128x80xf32, #tpu.memory_space<vmem_shared>>
        %dma_wait3A_215 = arith.constant 0 : i32
        %dma_wait3A_216 = arith.constant 0 : i32
        %dma_wait3A_217 = tpu.memref_slice %arg9[%select_n3A_144, %dma_wait3A_215, %dma_wait3A_216] : memref<2x128x80xf32, #tpu.memory_space<vmem>> -> memref<1x128x80xf32, #tpu.memory_space<vmem>>
        %dma_wait3A_218 = tpu.memref_squeeze %dma_wait3A_217 : memref<1x128x80xf32, #tpu.memory_space<vmem>> -> memref<128x80xf32, #tpu.memory_space<vmem>>
        tpu.wait_dma2 semaphore(%arg14 : memref<!tpu.dma_semaphore, #tpu.memory_space<semaphore_mem>>) src(%dma_wait3A_218 : memref<128x80xf32, #tpu.memory_space<vmem>>) dst(%dma_wait3A_214 : memref<128x80xf32, #tpu.memory_space<vmem_shared>>)
      } else {
      }
      %dma_start3A_174 = arith.constant 0 : i32
      %dma_start3A_175 = arith.constant 0 : i32
      %dma_start3A_176 = tpu.memref_slice %arg9[%select_n3A_144, %dma_start3A_174, %dma_start3A_175] : memref<2x128x80xf32, #tpu.memory_space<vmem>> -> memref<1x128x80xf32, #tpu.memory_space<vmem>>
      %dma_start3A_177 = tpu.memref_squeeze %dma_start3A_176 : memref<1x128x80xf32, #tpu.memory_space<vmem>> -> memref<128x80xf32, #tpu.memory_space<vmem>>
      %dma_start3A_178 = arith.constant 0 : i32
      %dma_start3A_179 = tpu.memref_slice %arg7[%select_n3A_144, %dma_start3A_178] : memref<2x128xi32, #tpu.memory_space<vmem>> -> memref<1x128xi32, #tpu.memory_space<vmem>>
      %dma_start3A_180 = tpu.memref_squeeze %dma_start3A_179 : memref<1x128xi32, #tpu.memory_space<vmem>> -> memref<128xi32, #tpu.memory_space<vmem>>
      %dma_start3A_181 = arith.constant 0 : i32
      %dma_start3A_182 = arith.constant 0 : i32
      %dma_start3A_183 = tpu.memref_slice %arg10[%dma_start3A_181, %dma_start3A_182] : memref<10240x80xf32, #tpu.memory_space<vmem_shared>> -> memref<10240x80xf32, #tpu.memory_space<vmem_shared>>
      tpu.enqueue_indirect_dma source(%dma_start3A_183 : memref<10240x80xf32, #tpu.memory_space<vmem_shared>>) target(%dma_start3A_177 : memref<128x80xf32, #tpu.memory_space<vmem>>) offsets(%dma_start3A_180 : memref<128xi32, #tpu.memory_space<vmem>>) semaphore(%arg13 : memref<!tpu.dma_semaphore, #tpu.memory_space<semaphore_mem>>)
      %dma_wait3A_184 = arith.constant 0 : i32
      %dma_wait3A_185 = arith.constant 0 : i32
      %dma_wait3A_186 = tpu.memref_slice %arg9[%select_n3A_144, %dma_wait3A_184, %dma_wait3A_185] : memref<2x128x80xf32, #tpu.memory_space<vmem>> -> memref<1x128x80xf32, #tpu.memory_space<vmem>>
      %dma_wait3A_187 = tpu.memref_squeeze %dma_wait3A_186 : memref<1x128x80xf32, #tpu.memory_space<vmem>> -> memref<128x80xf32, #tpu.memory_space<vmem>>
      %dma_wait3A_188 = arith.constant 0 : i32
      %dma_wait3A_189 = tpu.memref_slice %arg7[%select_n3A_144, %dma_wait3A_188] : memref<2x128xi32, #tpu.memory_space<vmem>> -> memref<1x128xi32, #tpu.memory_space<vmem>>
      %dma_wait3A_190 = tpu.memref_squeeze %dma_wait3A_189 : memref<1x128xi32, #tpu.memory_space<vmem>> -> memref<128xi32, #tpu.memory_space<vmem>>
      %dma_wait3A_191 = arith.constant 0 : i32
      %dma_wait3A_192 = arith.constant 0 : i32
      %dma_wait3A_193 = tpu.memref_slice %arg10[%dma_wait3A_191, %dma_wait3A_192] : memref<10240x80xf32, #tpu.memory_space<vmem_shared>> -> memref<10240x80xf32, #tpu.memory_space<vmem_shared>>
      tpu.wait_indirect_dma semaphore(%arg13 : memref<!tpu.dma_semaphore, #tpu.memory_space<semaphore_mem>>) src(%dma_wait3A_193 : memref<10240x80xf32, #tpu.memory_space<vmem_shared>>) dst(%dma_wait3A_187 : memref<128x80xf32, #tpu.memory_space<vmem>>)
      %dma_start3A_194 = arith.constant 0 : i32
      %dma_start3A_195 = arith.constant 0 : i32
      %dma_start3A_196 = tpu.memref_slice %arg9[%select_n3A_144, %dma_start3A_194, %dma_start3A_195] : memref<2x128x80xf32, #tpu.memory_space<vmem>> -> memref<1x128x80xf32, #tpu.memory_space<vmem>>
      %dma_start3A_197 = tpu.memref_squeeze %dma_start3A_196 : memref<1x128x80xf32, #tpu.memory_space<vmem>> -> memref<128x80xf32, #tpu.memory_space<vmem>>
      %dma_start3A_198 = arith.constant 0 : i32
      %dma_start3A_199 = tpu.memref_slice %arg8[%select_n3A_144, %dma_start3A_198] : memref<2x128xi32, #tpu.memory_space<vmem>> -> memref<1x128xi32, #tpu.memory_space<vmem>>
      %dma_start3A_200 = tpu.memref_squeeze %dma_start3A_199 : memref<1x128xi32, #tpu.memory_space<vmem>> -> memref<128xi32, #tpu.memory_space<vmem>>
      %dma_start3A_201 = arith.constant 0 : i32
      %dma_start3A_202 = arith.constant 0 : i32
      %dma_start3A_203 = tpu.memref_slice %arg11[%dma_start3A_201, %dma_start3A_202] : memref<10240x80xf32, #tpu.memory_space<vmem_shared>> -> memref<10240x80xf32, #tpu.memory_space<vmem_shared>>
      tpu.enqueue_indirect_dma source(%dma_start3A_197 : memref<128x80xf32, #tpu.memory_space<vmem>>) target(%dma_start3A_203 : memref<10240x80xf32, #tpu.memory_space<vmem_shared>>) offsets(%dma_start3A_200 : memref<128xi32, #tpu.memory_space<vmem>>) semaphore(%arg14 : memref<!tpu.dma_semaphore, #tpu.memory_space<semaphore_mem>>) {add = true}
      %while3A_204 = arith.constant 0 : i32
      scf.yield %while3A_204 : i32
    }
    %dma_wait3A = arith.constant 0 : i32
    %dma_wait3A_100 = arith.constant 0 : i32
    %dma_wait3A_101 = arith.constant 0 : i32
    %dma_wait3A_102 = tpu.memref_slice %arg9[%dma_wait3A, %dma_wait3A_100, %dma_wait3A_101] : memref<2x128x80xf32, #tpu.memory_space<vmem>> -> memref<1x128x80xf32, #tpu.memory_space<vmem>>
    %dma_wait3A_103 = tpu.memref_squeeze %dma_wait3A_102 : memref<1x128x80xf32, #tpu.memory_space<vmem>> -> memref<128x80xf32, #tpu.memory_space<vmem>>
    %dma_wait3A_104 = arith.constant 0 : i32
    %dma_wait3A_105 = arith.constant 0 : i32
    %dma_wait3A_106 = tpu.memref_slice %arg11[%dma_wait3A_104, %dma_wait3A_105] : memref<10240x80xf32, #tpu.memory_space<vmem_shared>> -> memref<128x80xf32, #tpu.memory_space<vmem_shared>>
    %dma_wait3A_107 = arith.constant 0 : i32
    %dma_wait3A_108 = arith.constant 0 : i32
    %dma_wait3A_109 = tpu.memref_slice %arg11[%dma_wait3A_107, %dma_wait3A_108] : memref<10240x80xf32, #tpu.memory_space<vmem_shared>> -> memref<128x80xf32, #tpu.memory_space<vmem_shared>>
    %dma_wait3A_110 = arith.constant 0 : i32
    %dma_wait3A_111 = arith.constant 0 : i32
    %dma_wait3A_112 = tpu.memref_slice %arg9[%dma_wait3A, %dma_wait3A_110, %dma_wait3A_111] : memref<2x128x80xf32, #tpu.memory_space<vmem>> -> memref<1x128x80xf32, #tpu.memory_space<vmem>>
    %dma_wait3A_113 = tpu.memref_squeeze %dma_wait3A_112 : memref<1x128x80xf32, #tpu.memory_space<vmem>> -> memref<128x80xf32, #tpu.memory_space<vmem>>
    tpu.wait_dma2 semaphore(%arg14 : memref<!tpu.dma_semaphore, #tpu.memory_space<semaphore_mem>>) src(%dma_wait3A_113 : memref<128x80xf32, #tpu.memory_space<vmem>>) dst(%dma_wait3A_109 : memref<128x80xf32, #tpu.memory_space<vmem_shared>>)
    %dma_wait3A_114 = arith.constant 1 : i32
    %dma_wait3A_115 = arith.constant 0 : i32
    %dma_wait3A_116 = arith.constant 0 : i32
    %dma_wait3A_117 = tpu.memref_slice %arg9[%dma_wait3A_114, %dma_wait3A_115, %dma_wait3A_116] : memref<2x128x80xf32, #tpu.memory_space<vmem>> -> memref<1x128x80xf32, #tpu.memory_space<vmem>>
    %dma_wait3A_118 = tpu.memref_squeeze %dma_wait3A_117 : memref<1x128x80xf32, #tpu.memory_space<vmem>> -> memref<128x80xf32, #tpu.memory_space<vmem>>
    %dma_wait3A_119 = arith.constant 0 : i32
    %dma_wait3A_120 = arith.constant 0 : i32
    %dma_wait3A_121 = tpu.memref_slice %arg11[%dma_wait3A_119, %dma_wait3A_120] : memref<10240x80xf32, #tpu.memory_space<vmem_shared>> -> memref<128x80xf32, #tpu.memory_space<vmem_shared>>
    %dma_wait3A_122 = arith.constant 0 : i32
    %dma_wait3A_123 = arith.constant 0 : i32
    %dma_wait3A_124 = tpu.memref_slice %arg11[%dma_wait3A_122, %dma_wait3A_123] : memref<10240x80xf32, #tpu.memory_space<vmem_shared>> -> memref<128x80xf32, #tpu.memory_space<vmem_shared>>
    %dma_wait3A_125 = arith.constant 0 : i32
    %dma_wait3A_126 = arith.constant 0 : i32
    %dma_wait3A_127 = tpu.memref_slice %arg9[%dma_wait3A_114, %dma_wait3A_125, %dma_wait3A_126] : memref<2x128x80xf32, #tpu.memory_space<vmem>> -> memref<1x128x80xf32, #tpu.memory_space<vmem>>
    %dma_wait3A_128 = tpu.memref_squeeze %dma_wait3A_127 : memref<1x128x80xf32, #tpu.memory_space<vmem>> -> memref<128x80xf32, #tpu.memory_space<vmem>>
    tpu.wait_dma2 semaphore(%arg14 : memref<!tpu.dma_semaphore, #tpu.memory_space<semaphore_mem>>) src(%dma_wait3A_128 : memref<128x80xf32, #tpu.memory_space<vmem>>) dst(%dma_wait3A_124 : memref<128x80xf32, #tpu.memory_space<vmem_shared>>)
    %barrier3A_129 = arith.constant 0 : index
    tpu.barrier barrier_id(%barrier3A_129)
    "tpu.region"() ({
      %run_scoped3A_130 = tpu.sem_alloc : memref<!tpu.dma_semaphore, #tpu.memory_space<semaphore_mem>>
      %dma_start3A_131 = arith.constant 0 : i32
      %dma_start3A_132 = tpu.memref_slice %arg6[%arg0, %mul3A_62, %dma_start3A_131] : memref<2x10240x128xf32, #tpu.memory_space<hbm>> -> memref<1x640x80xf32, #tpu.memory_space<hbm>>
      %dma_start3A_133 = tpu.memref_squeeze %dma_start3A_132 : memref<1x640x80xf32, #tpu.memory_space<hbm>> -> memref<640x80xf32, #tpu.memory_space<hbm>>
      %dma_start3A_134 = arith.constant 0 : i32
      %dma_start3A_135 = tpu.memref_slice %arg11[%mul3A_62, %dma_start3A_134] : memref<10240x80xf32, #tpu.memory_space<vmem_shared>> -> memref<640x80xf32, #tpu.memory_space<vmem_shared>>
      tpu.enqueue_dma source(%dma_start3A_135 : memref<640x80xf32, #tpu.memory_space<vmem_shared>>) target(%dma_start3A_133 : memref<640x80xf32, #tpu.memory_space<hbm>>) target_semaphore(%run_scoped3A_130 : memref<!tpu.dma_semaphore, #tpu.memory_space<semaphore_mem>>)
      %dma_wait3A_136 = arith.constant 0 : i32
      %dma_wait3A_137 = tpu.memref_slice %arg6[%arg0, %mul3A_62, %dma_wait3A_136] : memref<2x10240x128xf32, #tpu.memory_space<hbm>> -> memref<1x640x80xf32, #tpu.memory_space<hbm>>
      %dma_wait3A_138 = tpu.memref_squeeze %dma_wait3A_137 : memref<1x640x80xf32, #tpu.memory_space<hbm>> -> memref<640x80xf32, #tpu.memory_space<hbm>>
      %dma_wait3A_139 = arith.constant 0 : i32
      %dma_wait3A_140 = tpu.memref_slice %arg11[%mul3A_62, %dma_wait3A_139] : memref<10240x80xf32, #tpu.memory_space<vmem_shared>> -> memref<640x80xf32, #tpu.memory_space<vmem_shared>>
      tpu.wait_dma2 semaphore(%run_scoped3A_130 : memref<!tpu.dma_semaphore, #tpu.memory_space<semaphore_mem>>) src(%dma_wait3A_140 : memref<640x80xf32, #tpu.memory_space<vmem_shared>>) dst(%dma_wait3A_138 : memref<640x80xf32, #tpu.memory_space<hbm>>)
      tpu.yield
    }) : () -> ()
    return
  }
}

module attributes {stable_mosaic.version = 14 : i64} {
  func.func @_dense_body(%arg0: i32, %arg1: memref<512x128xf32, #tpu.memory_space<vmem>>, %arg2: memref<2x512x128xf32, #tpu.memory_space<vmem>>, %arg3: memref<512x32xf32, #tpu.memory_space<vmem>>, %arg4: memref<512x1xf32, #tpu.memory_space<vmem>>, %arg5: memref<512x1xf32, #tpu.memory_space<vmem>>, %arg6: memref<64x64xf32, #tpu.memory_space<vmem>>, %arg7: memref<64x64xf32, #tpu.memory_space<vmem>>, %arg8: memref<64x64xf32, #tpu.memory_space<vmem>>, %arg9: memref<64x64xf32, #tpu.memory_space<vmem>>, %arg10: memref<64x128xf32, #tpu.memory_space<vmem>>, %arg11: memref<1x128xf32, #tpu.memory_space<vmem>>, %arg12: memref<32x128xf32, #tpu.memory_space<vmem>>, %arg13: memref<512x128xf32, #tpu.memory_space<vmem>>, %arg14: memref<512x128xf32, #tpu.memory_space<vmem>>, %arg15: memref<512x128xf32, #tpu.memory_space<vmem>>) attributes {dimension_semantics = [#tpu.dimension_semantics<arbitrary>], iteration_bounds = array<i64: 20>, scalar_prefetch = 0 : i64, scratch_operands = 0 : i64, tpu.core_type = #tpu.core_type<tc>, window_params = [{transform_indices = @transform_0, window_bounds = array<i64: 512, 128>}, {transform_indices = @transform_1, window_bounds = array<i64: 2, 512, 128>}, {transform_indices = @transform_2, window_bounds = array<i64: 512, 32>}, {transform_indices = @transform_3, window_bounds = array<i64: 512, 1>}, {transform_indices = @transform_4, window_bounds = array<i64: 512, 1>}, {pipeline_mode = #tpu.pipeline_mode<synchronous>, transform_indices = @transform_5, window_bounds = array<i64: 64, 64>}, {pipeline_mode = #tpu.pipeline_mode<synchronous>, transform_indices = @transform_6, window_bounds = array<i64: 64, 64>}, {pipeline_mode = #tpu.pipeline_mode<synchronous>, transform_indices = @transform_7, window_bounds = array<i64: 64, 64>}, {pipeline_mode = #tpu.pipeline_mode<synchronous>, transform_indices = @transform_8, window_bounds = array<i64: 64, 64>}, {pipeline_mode = #tpu.pipeline_mode<synchronous>, transform_indices = @transform_9, window_bounds = array<i64: 64, 128>}, {pipeline_mode = #tpu.pipeline_mode<synchronous>, transform_indices = @transform_10, window_bounds = array<i64: 1, 128>}, {pipeline_mode = #tpu.pipeline_mode<synchronous>, transform_indices = @transform_11, window_bounds = array<i64: 32, 128>}, {transform_indices = @transform_12, window_bounds = array<i64: 512, 128>}, {transform_indices = @transform_13, window_bounds = array<i64: 512, 128>}, {transform_indices = @transform_14, window_bounds = array<i64: 512, 128>}]} {
    %get3A = arith.constant 0 : index
    %get3A_0 = arith.constant 0 : index
    %get3A_1 = arith.constant 0 : index
    %get3A_2 = vector.load %arg2[%get3A, %get3A_0, %get3A_1] : memref<2x512x128xf32, #tpu.memory_space<vmem>>, vector<1x512x128xf32>
    %get3A_3 = vector.shape_cast %get3A_2 : vector<1x512x128xf32> to vector<512x128xf32>
    %get3A_4 = arith.constant 1 : index
    %get3A_5 = arith.constant 0 : index
    %get3A_6 = arith.constant 0 : index
    %get3A_7 = vector.load %arg2[%get3A_4, %get3A_5, %get3A_6] : memref<2x512x128xf32, #tpu.memory_space<vmem>>, vector<1x512x128xf32>
    %get3A_8 = vector.shape_cast %get3A_7 : vector<1x512x128xf32> to vector<512x128xf32>
    %slice3A = vector.extract_strided_slice %get3A_3 {offsets = [0, 64], sizes = [512, 1], strides = [1, 1]} : vector<512x128xf32> to vector<512x1xf32>
    %max3A = arith.constant 1.000000e+00 : f32
    %max3A_9 = vector.broadcast %max3A : f32 to vector<512x1xf32>
    %max3A_10 = arith.maximumf %slice3A, %max3A_9 : vector<512x1xf32>
    %slice3A_11 = vector.extract_strided_slice %get3A_3 {offsets = [0, 0], sizes = [512, 64], strides = [1, 1]} : vector<512x128xf32> to vector<512x64xf32>
    %div3A = vector.broadcast %max3A_10 : vector<512x1xf32> to vector<512x64xf32>
    %div3A_12 = arith.divf %slice3A_11, %div3A : vector<512x64xf32>
    %get3A_13 = arith.constant 0 : index
    %get3A_14 = arith.constant 0 : index
    %get3A_15 = vector.load %arg8[%get3A_13, %get3A_14] : memref<64x64xf32, #tpu.memory_space<vmem>>, vector<64x64xf32>
    %dot_general3A = arith.constant dense<0.000000e+00> : vector<512x64xf32>
    %dot_general3A_16 = tpu.matmul %div3A_12, %get3A_15, %dot_general3A {dimension_numbers = #tpu.dot_dimension_numbers<[1], [0], [0], [1], [0, 0, 1, 1], [], []>, transpose_lhs_hint = false} : vector<512x64xf32>, vector<64x64xf32>, vector<512x64xf32> -> vector<512x64xf32>
    %slice3A_17 = vector.extract_strided_slice %get3A_8 {offsets = [0, 0], sizes = [512, 64], strides = [1, 1]} : vector<512x128xf32> to vector<512x64xf32>
    %div3A_18 = vector.broadcast %max3A_10 : vector<512x1xf32> to vector<512x64xf32>
    %div3A_19 = arith.divf %slice3A_17, %div3A_18 : vector<512x64xf32>
    %get3A_20 = arith.constant 0 : index
    %get3A_21 = arith.constant 0 : index
    %get3A_22 = vector.load %arg9[%get3A_20, %get3A_21] : memref<64x64xf32, #tpu.memory_space<vmem>>, vector<64x64xf32>
    %dot_general3A_23 = arith.constant dense<0.000000e+00> : vector<512x64xf32>
    %dot_general3A_24 = tpu.matmul %div3A_19, %get3A_22, %dot_general3A_23 {dimension_numbers = #tpu.dot_dimension_numbers<[1], [0], [0], [1], [0, 0, 1, 1], [], []>, transpose_lhs_hint = false} : vector<512x64xf32>, vector<64x64xf32>, vector<512x64xf32> -> vector<512x64xf32>
    %add3A = arith.addf %dot_general3A_16, %dot_general3A_24 : vector<512x64xf32>
    %get3A_25 = arith.constant 0 : index
    %get3A_26 = arith.constant 0 : index
    %get3A_27 = vector.load %arg1[%get3A_25, %get3A_26] : memref<512x128xf32, #tpu.memory_space<vmem>>, vector<512x128xf32>
    %slice3A_28 = vector.extract_strided_slice %get3A_27 {offsets = [0, 0], sizes = [512, 64], strides = [1, 1]} : vector<512x128xf32> to vector<512x64xf32>
    %get3A_29 = arith.constant 0 : index
    %get3A_30 = arith.constant 0 : index
    %get3A_31 = vector.load %arg6[%get3A_29, %get3A_30] : memref<64x64xf32, #tpu.memory_space<vmem>>, vector<64x64xf32>
    %dot_general3A_32 = arith.constant dense<0.000000e+00> : vector<512x64xf32>
    %dot_general3A_33 = tpu.matmul %slice3A_28, %get3A_31, %dot_general3A_32 {dimension_numbers = #tpu.dot_dimension_numbers<[1], [0], [0], [1], [0, 0, 1, 1], [], []>, transpose_lhs_hint = false} : vector<512x64xf32>, vector<64x64xf32>, vector<512x64xf32> -> vector<512x64xf32>
    %slice3A_34 = vector.extract_strided_slice %get3A_27 {offsets = [0, 64], sizes = [512, 64], strides = [1, 1]} : vector<512x128xf32> to vector<512x64xf32>
    %get3A_35 = arith.constant 0 : index
    %get3A_36 = arith.constant 0 : index
    %get3A_37 = vector.load %arg7[%get3A_35, %get3A_36] : memref<64x64xf32, #tpu.memory_space<vmem>>, vector<64x64xf32>
    %dot_general3A_38 = arith.constant dense<0.000000e+00> : vector<512x64xf32>
    %dot_general3A_39 = tpu.matmul %slice3A_34, %get3A_37, %dot_general3A_38 {dimension_numbers = #tpu.dot_dimension_numbers<[1], [0], [0], [1], [0, 0, 1, 1], [], []>, transpose_lhs_hint = false} : vector<512x64xf32>, vector<64x64xf32>, vector<512x64xf32> -> vector<512x64xf32>
    %add3A_40 = arith.addf %dot_general3A_33, %dot_general3A_39 : vector<512x64xf32>
    %add3A_41 = arith.addf %add3A_40, %add3A : vector<512x64xf32>
    %max3A_42 = arith.constant 0.000000e+00 : f32
    %max3A_43 = vector.broadcast %max3A_42 : f32 to vector<512x64xf32>
    %max3A_44 = arith.maximumf %add3A_41, %max3A_43 : vector<512x64xf32>
    %get3A_45 = arith.constant 0 : index
    %get3A_46 = arith.constant 0 : index
    %get3A_47 = vector.load %arg10[%get3A_45, %get3A_46] : memref<64x128xf32, #tpu.memory_space<vmem>>, vector<64x128xf32>
    %dot_general3A_48 = arith.constant dense<0.000000e+00> : vector<512x128xf32>
    %dot_general3A_49 = tpu.matmul %max3A_44, %get3A_47, %dot_general3A_48 {dimension_numbers = #tpu.dot_dimension_numbers<[1], [0], [0], [1], [0, 0, 1, 1], [], []>, transpose_lhs_hint = false} : vector<512x64xf32>, vector<64x128xf32>, vector<512x128xf32> -> vector<512x128xf32>
    %get3A_50 = arith.constant 0 : index
    %get3A_51 = arith.constant 0 : index
    %get3A_52 = vector.load %arg11[%get3A_50, %get3A_51] : memref<1x128xf32, #tpu.memory_space<vmem>>, vector<1x128xf32>
    %add3A_53 = vector.broadcast %get3A_52 : vector<1x128xf32> to vector<512x128xf32>
    %add3A_54 = arith.addf %dot_general3A_49, %add3A_53 : vector<512x128xf32>
    %get3A_55 = arith.constant 0 : index
    %get3A_56 = arith.constant 0 : index
    %get3A_57 = vector.load %arg3[%get3A_55, %get3A_56] : memref<512x32xf32, #tpu.memory_space<vmem>>, vector<512x32xf32>
    %get3A_58 = arith.constant 0 : index
    %get3A_59 = arith.constant 0 : index
    %get3A_60 = vector.load %arg12[%get3A_58, %get3A_59] : memref<32x128xf32, #tpu.memory_space<vmem>>, vector<32x128xf32>
    %dot_general3A_61 = arith.constant dense<0.000000e+00> : vector<512x128xf32>
    %dot_general3A_62 = tpu.matmul %get3A_57, %get3A_60, %dot_general3A_61 {dimension_numbers = #tpu.dot_dimension_numbers<[1], [0], [0], [1], [0, 0, 1, 1], [], []>, transpose_lhs_hint = false} : vector<512x32xf32>, vector<32x128xf32>, vector<512x128xf32> -> vector<512x128xf32>
    %div3A_63 = arith.constant 1.000000e+00 : f32
    %div3A_64 = vector.broadcast %div3A_63 : f32 to vector<512x32xf32>
    %div3A_65 = arith.divf %div3A_64, %get3A_57 : vector<512x32xf32>
    %get3A_66 = arith.constant 0 : index
    %get3A_67 = arith.constant 0 : index
    %get3A_68 = vector.load %arg12[%get3A_66, %get3A_67] : memref<32x128xf32, #tpu.memory_space<vmem>>, vector<32x128xf32>
    %dot_general3A_69 = arith.constant dense<0.000000e+00> : vector<512x128xf32>
    %dot_general3A_70 = tpu.matmul %div3A_65, %get3A_68, %dot_general3A_69 {dimension_numbers = #tpu.dot_dimension_numbers<[1], [0], [0], [1], [0, 0, 1, 1], [], []>, transpose_lhs_hint = false} : vector<512x32xf32>, vector<32x128xf32>, vector<512x128xf32> -> vector<512x128xf32>
    %get3A_71 = arith.constant 0 : index
    %get3A_72 = arith.constant 0 : index
    %get3A_73 = vector.load %arg4[%get3A_71, %get3A_72] : memref<512x1xf32, #tpu.memory_space<vmem>>, vector<512x1xf32>
    %gt3A = arith.constant 0.000000e+00 : f32
    %gt3A_74 = vector.broadcast %gt3A : f32 to vector<512x1xf32>
    %gt3A_75 = arith.cmpf ogt, %get3A_73, %gt3A_74 : vector<512x1xf32>
    %mul3A = arith.mulf %add3A_54, %dot_general3A_62 : vector<512x128xf32>
    %get3A_76 = arith.constant 0 : index
    %get3A_77 = arith.constant 0 : index
    %get3A_78 = vector.load %arg5[%get3A_76, %get3A_77] : memref<512x1xf32, #tpu.memory_space<vmem>>, vector<512x1xf32>
    %mul3A_79 = vector.broadcast %get3A_78 : vector<512x1xf32> to vector<512x128xf32>
    %mul3A_80 = arith.mulf %mul3A, %mul3A_79 : vector<512x128xf32>
    %swap3A = arith.constant 0 : index
    %swap3A_81 = arith.constant 0 : index
    %swap3A_82 = vector.load %arg13[%swap3A, %swap3A_81] : memref<512x128xf32, #tpu.memory_space<vmem>>, vector<512x128xf32>
    tpu.vector_store %arg13[%swap3A, %swap3A_81], %mul3A_80 {strides = array<i32>} : memref<512x128xf32, #tpu.memory_space<vmem>>, vector<512x128xf32>,
    %jit3A = arith.constant 0.000000e+00 : f32
    %broadcast_in_dim3A = vector.shape_cast %gt3A_75 : vector<512x1xi1> to vector<512x1xi1>
    %broadcast_in_dim3A_83 = vector.broadcast %broadcast_in_dim3A : vector<512x1xi1> to vector<512x128xi1>
    %broadcast_in_dim3A_84 = vector.broadcast %jit3A : f32 to vector<512x128xf32>
    %select_n3A = arith.select %broadcast_in_dim3A_83, %broadcast_in_dim3A_84, %add3A_54 : vector<512x128xi1>, vector<512x128xf32>
    %swap3A_85 = arith.constant 0 : index
    %swap3A_86 = arith.constant 0 : index
    %swap3A_87 = vector.load %arg14[%swap3A_85, %swap3A_86] : memref<512x128xf32, #tpu.memory_space<vmem>>, vector<512x128xf32>
    tpu.vector_store %arg14[%swap3A_85, %swap3A_86], %select_n3A {strides = array<i32>} : memref<512x128xf32, #tpu.memory_space<vmem>>, vector<512x128xf32>,
    %jit3A_88 = arith.constant 0.000000e+00 : f32
    %broadcast_in_dim3A_89 = vector.shape_cast %gt3A_75 : vector<512x1xi1> to vector<512x1xi1>
    %broadcast_in_dim3A_90 = vector.broadcast %broadcast_in_dim3A_89 : vector<512x1xi1> to vector<512x128xi1>
    %broadcast_in_dim3A_91 = vector.broadcast %jit3A_88 : f32 to vector<512x128xf32>
    %select_n3A_92 = arith.select %broadcast_in_dim3A_90, %dot_general3A_70, %broadcast_in_dim3A_91 : vector<512x128xi1>, vector<512x128xf32>
    %swap3A_93 = arith.constant 0 : index
    %swap3A_94 = arith.constant 0 : index
    %swap3A_95 = vector.load %arg15[%swap3A_93, %swap3A_94] : memref<512x128xf32, #tpu.memory_space<vmem>>, vector<512x128xf32>
    tpu.vector_store %arg15[%swap3A_93, %swap3A_94], %select_n3A_92 {strides = array<i32>} : memref<512x128xf32, #tpu.memory_space<vmem>>, vector<512x128xf32>,
    return
  }
  func.func @transform_0(%arg0: i32) -> (i32, i32) {
    %c0_i32 = arith.constant 0 : i32
    %c0_i32_0 = arith.constant 0 : i32
    return %arg0, %c0_i32 : i32, i32
  }
  func.func @transform_1(%arg0: i32) -> (i32, i32, i32) {
    %c0_i32 = arith.constant 0 : i32
    %c0_i32_0 = arith.constant 0 : i32
    %c0_i32_1 = arith.constant 0 : i32
    return %c0_i32, %arg0, %c0_i32_0 : i32, i32, i32
  }
  func.func @transform_2(%arg0: i32) -> (i32, i32) {
    %c0_i32 = arith.constant 0 : i32
    %c0_i32_0 = arith.constant 0 : i32
    return %arg0, %c0_i32 : i32, i32
  }
  func.func @transform_3(%arg0: i32) -> (i32, i32) {
    %c0_i32 = arith.constant 0 : i32
    %c0_i32_0 = arith.constant 0 : i32
    return %arg0, %c0_i32 : i32, i32
  }
  func.func @transform_4(%arg0: i32) -> (i32, i32) {
    %c0_i32 = arith.constant 0 : i32
    %c0_i32_0 = arith.constant 0 : i32
    return %arg0, %c0_i32 : i32, i32
  }
  func.func @transform_5(%arg0: i32) -> (i32, i32) {
    %c0_i32 = arith.constant 0 : i32
    %c0_i32_0 = arith.constant 0 : i32
    %c0_i32_1 = arith.constant 0 : i32
    return %c0_i32, %c0_i32_0 : i32, i32
  }
  func.func @transform_6(%arg0: i32) -> (i32, i32) {
    %c0_i32 = arith.constant 0 : i32
    %c0_i32_0 = arith.constant 0 : i32
    %c0_i32_1 = arith.constant 0 : i32
    return %c0_i32, %c0_i32_0 : i32, i32
  }
  func.func @transform_7(%arg0: i32) -> (i32, i32) {
    %c0_i32 = arith.constant 0 : i32
    %c0_i32_0 = arith.constant 0 : i32
    %c0_i32_1 = arith.constant 0 : i32
    return %c0_i32, %c0_i32_0 : i32, i32
  }
  func.func @transform_8(%arg0: i32) -> (i32, i32) {
    %c0_i32 = arith.constant 0 : i32
    %c0_i32_0 = arith.constant 0 : i32
    %c0_i32_1 = arith.constant 0 : i32
    return %c0_i32, %c0_i32_0 : i32, i32
  }
  func.func @transform_9(%arg0: i32) -> (i32, i32) {
    %c0_i32 = arith.constant 0 : i32
    %c0_i32_0 = arith.constant 0 : i32
    %c0_i32_1 = arith.constant 0 : i32
    return %c0_i32, %c0_i32_0 : i32, i32
  }
  func.func @transform_10(%arg0: i32) -> (i32, i32) {
    %c0_i32 = arith.constant 0 : i32
    %c0_i32_0 = arith.constant 0 : i32
    %c0_i32_1 = arith.constant 0 : i32
    return %c0_i32, %c0_i32_0 : i32, i32
  }
  func.func @transform_11(%arg0: i32) -> (i32, i32) {
    %c0_i32 = arith.constant 0 : i32
    %c0_i32_0 = arith.constant 0 : i32
    %c0_i32_1 = arith.constant 0 : i32
    return %c0_i32, %c0_i32_0 : i32, i32
  }
  func.func @transform_12(%arg0: i32) -> (i32, i32) {
    %c0_i32 = arith.constant 0 : i32
    %c0_i32_0 = arith.constant 0 : i32
    return %arg0, %c0_i32 : i32, i32
  }
  func.func @transform_13(%arg0: i32) -> (i32, i32) {
    %c0_i32 = arith.constant 0 : i32
    %c0_i32_0 = arith.constant 0 : i32
    return %arg0, %c0_i32 : i32, i32
  }
  func.func @transform_14(%arg0: i32) -> (i32, i32) {
    %c0_i32 = arith.constant 0 : i32
    %c0_i32_0 = arith.constant 0 : i32
    return %arg0, %c0_i32 : i32, i32
  }
}

</mosaic_0001>

<sc_bundles>
// kernel: kernel.5.cloned.1.call-start
scs
__scs_entry_jumppad:
0x0: {  	(pc) =	sbr.rel $0x88, $3  }
0x1: {  	(tag) =	ssettag $0x0;
	lr =	simm.s32 $0x1  }
0x2: {  	[smem:$0x3F98] =	sst lr;
	_ =	strace $0xD0000000  }
0x3: {  	_ = 	snop  }
0x4: {  	_ = 	snop  }
0x5: {  	_ = 	snop  }
0x6: {  	_ = 	snop  }
0x7: {  	_ = 	snop  }
__scs_overlays_trampoline_lowered:
0x8: {  	[smem:$0x3FA7] =	sst s0  }
0x9: {  	[smem:$0x3FA8] =	sst s1  }
0xa: {  	[smem:$0x3FA9] =	sst s2  }
0xb: {  	[smem:$0x3FAA] =	sst s3  }
0xc: {  	[smem:$0x3FAB] =	sst s4  }
0xd: {  	[smem:$0x3FAC] =	sst s5  }
0xe: {  	[smem:$0x3FAD] =	sst s6  }
0xf: {  	[smem:$0x3FAE] =	sst s7  }
0x10: {  	[smem:$0x3FAF] =	sst s8  }
0x11: {  	[smem:$0x3FB0] =	sst s9;
	s0 =	simm.s32 @!p0 $0x0  }
0x12: {  	s1 =	sld [smem:$0x3F96];
	s0 =	simm.s32 @p0 $0x1  }
0x13: {  	[smem:$0x3FB1] =	sst s0;
	s0 =	simm.s32 @!p1 $0x0  }
0x14: {  	s2 =	sld [smem:$0x3F95];
	s0 =	simm.s32 @p1 $0x1  }
0x15: {  	[smem:$0x3FB2] =	sst s0;
	s0 =	simm.s32 @!p2 $0x0  }
0x16: {  	s3 =	sld [smem:$0x3FDB];
	s0 =	simm.s32 @p2 $0x1  }
0x17: {  	s4 =	simm.s32 $0x1BF5;
	[smem:$0x3FB4] =	sst s0  }
0x18: {  	s0 =	sld [smem:$0x3F97];
	_ =	swait.ge [sflag:s4], $0x0  }
0x19: {  	s7 =	sld [smem:$0x3F98]  }
0x1a: {  	s8 =	sadd.s32 $0xFFFFE003, lr  }
0x1b: {  	s9 =	sadd.s32 $0xFFFFFEF7, lr;
	s5 =	simm.s32 $0xFFFFFFFF;
	p2 =	slt.u32 s8, $0xFFFFF086  }
0x1c: {  	p1 =	slt.u32 s9, $0xF7A;
	s5 =	simm.s32 @!p2 $0x0  }
0x1d: {  	s5 =	simm.s32 @p1 $0x1;
	p0 =	seq.s32 s7, s2  }
0x1e: {  	s7 =	smul.u32 @!p0 $0xF7A, s2;
	p2 =	seq.s32 @!p0 s5, $0x0  }
0x1f: {  	s9 =	smul.u32 $0xF7A, s1;
	s8 =	simm.s32 @!p0 $0x1BF5;
	p2 =	por !p2, p0  }
0x20: {  	[sflag:s8] =	ssyncset.s32 @!p0 $0xFFFFF086;
	s6 =	sadd.s32 @!p0 s3, s7;
	s7 =	simm.s32 @!p0 $0x108  }
0x21: {  	s3 =	sadd.s32 s3, s9;
	s6 =	sadd.s32 @!p0 $0x88, s6;
	s7 =	simm.s32 @p2 $0x1082  }
0x22: {  	[simem:s7], [sflag:s8] =	dma.local @!p0 [hbm:s6], $0xF7A  }
0x23: {  	s9 =	sor.u32 $0xD0000000, s2;
	s6 =	simm.s32 $0x108;
	_ =	swait.ge @!p0 [sflag:s8], $0x0  }
0x24: {  	s3 =	sadd.s32 $0x88, s3;
	s6 =	simm.s32 @!p1 $0x1082;
	[sflag:s4] =	ssyncset.s32 $0xFFFFF086  }
0x25: {  	[simem:s6], [sflag:s4] =	dma.local [hbm:s3], $0xF7A  }
0x26: {  	[smem:$0x3F98] =	sst s1;
	(tag) =	ssettag s2;
	_ =	strace s9  }
0x27: {  	s1 =	sld [smem:$0x3FA8]  }
0x28: {  	s2 =	sld [smem:$0x3FA9]  }
0x29: {  	s4 =	sld [smem:$0x3FAB]  }
0x2a: {  	p0 =	seq.s32 s5, $0x0;
	s5 =	sld [smem:$0x3FAC]  }
0x2b: {  	s6 =	sld [smem:$0x3FAD]  }
0x2c: {  	s7 =	sld [smem:$0x3FAE]  }
0x2d: {  	s3 =	simm.s32 $0x108;
	s8 =	sld [smem:$0x3FAF]  }
0x2e: {  	s3 =	simm.s32 @!p0 $0x1082;
	s9 =	sld [smem:$0x3FB0]  }
0x2f: {  	lr =	sadd.s32 s0, s3;
	s0 =	sld [smem:$0x3FA7]  }
0x30: {  	s3 =	sld [smem:$0x3FAA]  }
0x31: {  	[smem:$0x3FB3] =	sst s10  }
0x32: {  	s10 =	sld [smem:$0x3FB1];
	_ =	sdelay $0x3  }
0x33: {  	p0 =	seq.s32 s10, $0x1;
	s10 =	sld [smem:$0x3FB3];
	_ =	sdelay $0x3  }
0x34: {  	[smem:$0x3FB3] =	sst s10  }
0x35: {  	s10 =	sld [smem:$0x3FB2];
	_ =	sdelay $0x3  }
0x36: {  	p1 =	seq.s32 s10, $0x1;
	s10 =	sld [smem:$0x3FB3];
	_ =	sdelay $0x3  }
0x37: {  	[smem:$0x3FB3] =	sst s10  }
0x38: {  	s10 =	sld [smem:$0x3FB4]  }
0x39: {  	_ = 	snop;
	(pc) =	sbr.ind lr, $3  }
0x3a: {  	_ = 	snop  }
0x3b: {  	_ = 	snop  }
0x3c: {  	p2 =	seq.s32 s10, $0x1;
	s10 =	sld [smem:$0x3FB3]  }
0x3d: {  	_ =	shalt  }
0x3e: {  	_ =	shalt  }
0x3f: {  	_ =	shalt  }
0x40: {  	_ =	shalt  }
0x41: {  	_ =	shalt  }
0x42: {  	_ =	shalt  }
0x43: {  	_ =	shalt  }
0x44: {  	_ =	shalt  }
0x45: {  	_ =	shalt  }
0x46: {  	_ =	shalt  }
0x47: {  	_ =	shalt  }
0x48: {  	_ =	shalt  }
0x49: {  	_ =	shalt  }
0x4a: {  	_ =	shalt  }
0x4b: {  	_ =	shalt  }
0x4c: {  	_ =	shalt  }
0x4d: {  	_ =	shalt  }
0x4e: {  	_ =	shalt  }
0x4f: {  	_ =	shalt  }
0x50: {  	_ =	shalt  }
0x51: {  	_ =	shalt  }
0x52: {  	_ =	shalt  }
0x53: {  	_ =	shalt  }
0x54: {  	_ =	shalt  }
0x55: {  	_ =	shalt  }
0x56: {  	_ =	shalt  }
0x57: {  	_ =	shalt  }
0x58: {  	_ =	shalt  }
0x59: {  	_ =	shalt  }
0x5a: {  	_ =	shalt  }
0x5b: {  	_ =	shalt  }
0x5c: {  	_ =	shalt  }
0x5d: {  	_ =	shalt  }
0x5e: {  	_ =	shalt  }
0x5f: {  	_ =	shalt  }
0x60: {  	_ =	shalt  }
0x61: {  	_ =	shalt  }
0x62: {  	_ =	shalt  }
0x63: {  	_ =	shalt  }
0x64: {  	_ =	shalt  }
0x65: {  	_ =	shalt  }
0x66: {  	_ =	shalt  }
0x67: {  	_ =	shalt  }
0x68: {  	_ =	shalt  }
0x69: {  	_ =	shalt  }
0x6a: {  	_ =	shalt  }
0x6b: {  	_ =	shalt  }
0x6c: {  	_ =	shalt  }
0x6d: {  	_ =	shalt  }
0x6e: {  	_ =	shalt  }
0x6f: {  	_ =	shalt  }
0x70: {  	_ =	shalt  }
0x71: {  	_ =	shalt  }
0x72: {  	_ =	shalt  }
0x73: {  	_ =	shalt  }
0x74: {  	_ =	shalt  }
0x75: {  	_ =	shalt  }
0x76: {  	_ =	shalt  }
0x77: {  	_ =	shalt  }
0x78: {  	_ =	shalt  }
0x79: {  	_ =	shalt  }
0x7a: {  	_ =	shalt  }
0x7b: {  	_ =	shalt  }
0x7c: {  	_ =	shalt  }
0x7d: {  	_ =	shalt  }
0x7e: {  	_ =	shalt  }
0x7f: {  	_ =	shalt  }
0x80: {  	_ =	shalt  }
0x81: {  	_ =	shalt  }
0x82: {  	_ =	shalt  }
0x83: {  	_ =	shalt  }
0x84: {  	_ =	shalt  }
0x85: {  	_ =	shalt  }
0x86: {  	_ =	shalt  }
0x87: {  	_ =	shalt  }
.Lfunc_end0:
.L_simem_size_0:
called_computation_lowered:
.L_overlay_start_0:
0x88: {  	s2 =	sld [smem:$0x3FD9]  }
0x89: {  	s3 =	sld [smem:$0x3FFE];
	_ =	sdelay $0x1  }
0x8a: {  	s1 =	srdreg.scid  }
0x8b: {  	s0 =	sand.u32 $0x1, s1  }
0x8c: {  	s16 =	sshll.u32 s0, $0xA;
	s2 =	sadd.s32 s3, s2  }
0x8d: {  	s2 =	sadd.s32 s2, s16  }
0x8e: {  	[smem:$0x3FBF] =	sst s2  }
0x8f: {  	_ = 	snop  }
0x90: {  	(tm) =	ssettm $0x1  }
0x91: {  	s17 =	sld [smem:$0x3FFB];
	_ =	sdelay $0x3  }
0x92: {  	_ =	strace s17  }
0x93: {  	s2 =	sld [smem:$0x3FFC];
	_ =	sdelay $0x3  }
0x94: {  	_ =	strace s2  }
0x95: {  	s2 =	sld [smem:$0x3FFD];
	_ =	sdelay $0x3  }
0x96: {  	_ =	strace s2  }
0x97: {  	_ =	strace $0x8FFFFFFF  }
0x98: {  	s18 =	sld [smem:$0x3FDB];
	_ =	sdelay $0x1  }
0x99: {  	s19 =	simm.s32 $_scs_section_size  }
0x9a: {  	s4 =	simm.s32 $_size__tile_overlayer_lowered;
	s5 =	simm.s32 $_tile_overlayer_lowered  }
0x9b: {  	s22 =	simm.s32 $0x1BFF;
	s21 =	sshll.u32 s5, $0x1;
	s2 =	sadd.s32 s19, s18  }
0x9c: {  	s6 =	simm.s32 $0x0;
	s20 =	sshll.u32 s4, $0x1;
	s4 =	sadd.s32 s21, s2  }
0x9d: {  	[timem:s6], [sflag:s22] =	dma.local [hbm:s4], s20  }
0x9e: {  	_ =	swait.ge [sflag:s22], s20  }
0x9f: {  	s3 =	ssub.s32 $0x0, s20;
	[sflag:s22] =	ssyncset.done $0x0  }
0xa0: {  	[sflag:s22] =	ssyncadd.s32 s3;
	_ =	sdelay $0x1  }
0xa1: {  	s23 =	simm.s32 $0x1B8B  }
0xa2: {  	_ =	swait.ge [sflag:s23], $0x1  }
0xa3: {  	[sflag:s23] =	ssyncset.done $0x0  }
0xa4: {  	s25 =	simm.s32 $0x1B8E;
	s24 =	sld [smem:$0x3FFE];
	[sflag:s23] =	ssyncadd.s32 $0xFFFFFFFF  }
0xa5: {  	s26 =	simm.s32 $execute0_lowered;
	[smem:$0x3FD2] =	sst s25  }
0xa6: {  	s4 =	sshll.u32 s26, $0x1;
	_ =	strace $0x80000046;
	[dreg:$0x1] =	wrdreg $0xFFFFFFFF  }
0xa7: {  	s28 =	simm.s32 $_size_execute0_lowered;
	s2 =	sadd.s32 s2, s4;
	[dreg:$0x0] =	wrdreg $0x0  }
0xa8: {  	s4 =	sshll.u32 s28, $0x1;
	[dreg:$0x2] =	wrdreg s2  }
0xa9: {  	[dreg:$0x3] =	wrdreg s4  }
0xaa: {  	[dreg:$0x4] =	wrdreg $0xC0  }
0xab: {  	_ =	task [dreg:s6], $0x5FFFF  }
0xac: {  	[dreg:$0x1] =	wrdreg $0xFFFFFFFF  }
0xad: {  	[dreg:$0x0] =	wrdreg $0x60  }
0xae: {  	[dreg:$0x2] =	wrdreg s24  }
0xaf: {  	[dreg:$0x3] =	wrdreg $0x11A000  }
0xb0: {  	[dreg:$0x4] =	wrdreg $0x52000  }
0xb1: {  	[dreg:$0x5] =	wrdreg $0x9  }
0xb2: {  	_ =	task.clear_ibuf [dreg:s6], $0x6FFFF;
	_ =	strace $0x90000046  }
0xb3: {  	s29 =	simm.s32 $0x9;
	_ =	strace $0x80000048  }
0xb4: {  	_ =	swait.ge [sflag:s29], $0x1  }
0xb5: {  	[sflag:s29] =	ssyncadd.s32 $0xFFFFFFFF  }
0xb6: {  	_ =	strace $0x90000048  }
0xb7: {  	_ =	sfence  }
0xb8: {  	s30 =	sld [smem:$0x0];
	_ =	sdelay $0x2  }
0xb9: {  	s31 =	sshll.u32 s1, $0xD;
	s1 =	sshrl.u32 s1, $0x2  }
0xba: {  	s3 =	sand.u32 $0x4000, s31;
	s1 =	sadd.s32 s1, s30  }
0xbb: {  	s0 =	sor.u32 s3, s0;
	s1 =	sshll.u32 s1, $0x11  }
0xbc: {  	s0 =	sor.u32 s1, s0  }
0xbd: {  	s0 =	sadd.s32 $0x8F2B, s0  }
0xbe: {  	[sflag:s0] =	ssyncadd.remote.s32 $0x1  }
0xbf: {  	_ =	sfence.sel $0xFFFF  }
0xc0: {  	[dreg:$0x0] =	wrdreg $0xFFFFFFFF;
	(pc) =	sbr.abs _section_cstart, $3  }
0xc1: {  	[dreg:$0x1] =	wrdreg $0xFFFFFFFF  }
0xc2: {  	_ =	task.clear_ibuf [dreg:s6], $0x2FFFF;
	_ =	strace $0x9FFFFFFF  }
0xc3: {  	(tm) =	ssettm $0x7FFFFFFF  }
tec
execute0_lowered:
.L_overlay_start_1:
0x0: {  	(tag) =	ssettag $0x1  }
0x1: {  	s0 =	rddreg [dreg:$0x0];
	s17 =	stileid.u32  }
0x2: {  	s1 =	rddreg [dreg:$0x1];
	s7 =	smul.u32 $0x14000, s17  }
0x3: {  	s2 =	rddreg [dreg:$0x2];
	s4 =	simm.s32 $0x0;
	s9 =	smul.u32 $0x280, s17  }
0x4: {  	s3 =	srdreg.scid;
	s11 =	simm.s32 $0x9D;
	s22 =	smul.u32 $0x9C, s17  }
0x5: {  	[smem:$0x7FF] =	sst s4;
	s5 =	sand.u32 $0x1, s3;
	s12 =	smul.u32 $0xC800, s17  }
0x6: {  	s3 =	sshll.u32 s3, $0x3;
	s8 =	sadd.s32 $0xBC00, s0;
	s23 =	smul.u32 $0x2800, s17  }
0x7: {  	p0 =	slt.u32 s17, $0x4;
	s13 =	smin.u32 s17, $0x4;
	s17 =	smul.u32 $0x4E00, s17  }
0x8: {  	s10 =	sadd.s32 $0x1E00, s0;
	s6 =	smul.u32 $0x140000, s5;
	_ =	strace $0x80000047  }
0x9: {  	s3 =	sand.u32 $0x8, s3;
	s5 =	ssub.s32 $0x2, s5;
	s11 =	simm.s32 @!p0 $0x9C  }
0xa: {  	s3 =	sadd.s32 s3, s0;
	s21 =	sshrl.u32 s5, $0x1;
	s14 =	sadd.s32 $0x2800, s12  }
0xb: {  	s16 =	sadd.s32 $0x5000, s12;
	s19 =	sadd.s32 $0x7800, s12;
	s6 =	sadd.s32 s7, s6  }
0xc: {  	s7 =	sadd.s32 s9, s0;
	s9 =	sadd.s32 s13, s22;
	s15 =	sadd.s32 s14, s1  }
0xd: {  	s14 =	sadd.s32 s14, s2;
	s13 =	sshll.u32 s13, $0x7;
	s3 =	sadd.s32 s23, s3  }
0xe: {  	s20 =	sadd.s32 s19, s1;
	s6 =	sshrl.u32 s6, $0x3;
	[dreg:$0x4] =	wrdreg s15  }
0xf: {  	[dreg:$0x5] =	wrdreg s14;
	s9 =	sshll.u32 s9, $0x4;
	s13 =	sadd.s32 s13, s17  }
0x10: {  	s17 =	sadd.s32 s16, s1;
	[dreg:$0xe] =	wrdreg s20;
	s7 =	sadd.s32 $0x3DA00, s7  }
0x11: {  	s0 =	sadd.s32 s6, s0;
	s6 =	ssub.s32 s5, s21;
	[dreg:$0xc] =	wrdreg s17  }
0x12: {  	s5 =	sadd.s32 s12, s1;
	s24 =	sadd.s32 s8, s9;
	[dreg:$0x12] =	wrdreg s7  }
0x13: {  	s25 =	sadd.s32 s10, s9;
	s26 =	sadd.s32 $0x10, s9;
	[dreg:$0x6] =	wrdreg s24  }
0x14: {  	s9 =	sadd.s32 $0x20, s9;
	[dreg:$0x7] =	wrdreg s25;
	s18 =	sadd.s32 s8, s26  }
0x15: {  	s7 =	simm.s32 $0xA;
	s15 =	sadd.s32 s10, s26;
	[dreg:$0x8] =	wrdreg s18  }
0x16: {  	s17 =	simm.s32 $0x3;
	s28 =	sadd.s32 s8, s9;
	[dreg:$0x9] =	wrdreg s15  }
0x17: {  	s9 =	sadd.s32 s10, s9;
	s0 =	sadd.s32 $0x40200, s0;
	[dreg:$0xa] =	wrdreg s28  }
0x18: {  	s23 =	smax.u32 s6, $0x1;
	s24 =	sadd.s32 $0x15A00, s3;
	[dreg:$0xb] =	wrdreg s9  }
0x19: {  	s25 =	sshll.u32 s11, $0x4;
	s26 =	sadd.s32 $0xFFFFFFFE, s11;
	[dreg:$0x13] =	wrdreg s0  }
0x1a: {  	s3 =	simm.s32 $0x200;
	s6 =	simm.s32 $0x4;
	[dreg:$0x14] =	wrdreg s23  }
0x1b: {  	s11 =	simm.s32 $0x180;
	s15 =	sadd.s32 $0x180, s13;
	[dreg:$0x15] =	wrdreg s24  }
0x1c: {  	s13 =	sadd.s32 $0x200, s13;
	s18 =	sadd.s32 s16, s2;
	[dreg:$0x16] =	wrdreg s26  }
0x1d: {  	s29 =	sadd.s32 $0xFFFFFFD0, s25;
	s16 =	simm.s32 $0x1;
	s9 =	sshrl.u32 s15, $0x3  }
0x1e: {  	s13 =	sshrl.u32 s13, $0x3;
	[dreg:$0xd] =	wrdreg s18;
	s18 =	sadd.s32 s12, s2  }
0x1f: {  	s12 =	sadd.s32 $0xA000, s12;
	s14 =	sadd.s32 s9, s10;
	s15 =	sadd.s32 s9, s8  }
0x20: {  	s9 =	sadd.s32 s13, s10;
	s8 =	sadd.s32 s13, s8;
	s10 =	sadd.s32 s19, s2  }
0x21: {  	s21 =	sadd.s32 s12, s1;
	s22 =	sadd.s32 s12, s2;
	[dreg:$0xf] =	wrdreg s10  }
0x22: {  	s28 =	sadd.s32 $0x40, s18;
	s12 =	simm.s32 $0x2;
	[dreg:$0x10] =	wrdreg s21  }
0x23: {  	s13 =	simm.s32 $0x2A00;
	s19 =	simm.s32 $0x0;
	[dreg:$0x11] =	wrdreg s22  }
0x24: {  	s30 =	sadd.s32 $0xFFFFFFF0, s9;
	s31 =	sadd.s32 $0xFFFFFFF0, s8;
	s0 =	sshrl.u32 s28, $0x3  }
0x25: {  	v0 =	vimm.f32 $0.0e+00;
	s8 =	simm.s32 $0x10;
	s9 =	simm.s32 $0x100;
	s10 =	simm.s32 $0x80  }
.LBB2_1:
0x26: {  	s21 =	simm.s32 $0x140;
	s20 =	simm.s32 $0x0  }
.LBB2_2:
0x27: {  	p0 =	sne.s32 s21, $0x9EC0;
	[tilespmem:s20+$0x240] =	vst v0;
	s22 =	smov.u32 s21;
	s21 =	sadd.s32 $0x140, s21  }
.Ltmp0:
0x28: {  	[tilespmem:s20+$0x230] =	vst v0;
	(pc) =	sbr.rel @p0 .LBB2_2-.Ltmp0, $4  }
0x29: {  	[tilespmem:s20+$0x220] =	vst v0  }
0x2a: {  	[tilespmem:s20+$0x200] =	vst v0  }
0x2b: {  	[tilespmem:s20+$0x210] =	vst v0  }
0x2c: {  	s20 =	sshra.s32 s22, $0x2  }
0x2d: {  	[tilespmem:s20+$0x240] =	vst v0  }
0x2e: {  	[tilespmem:s20+$0x230] =	vst v0  }
0x2f: {  	[tilespmem:s20+$0x220] =	vst v0  }
0x30: {  	[tilespmem:s20+$0x200] =	vst v0  }
0x31: {  	[tilespmem:s20+$0x210] =	vst v0  }
0x32: {  	[spmem:s5] =	stream.linear.scatter [tilespmem:s3], [sflag:$0x4], $0x2800, $0x38;
	[tilespmem:$0x1E200] =	vst v63  }
0x33: {  	_ =	swait.ge [sflag:s6], $0x2800  }
0x34: {  	[sflag:s6] =	ssyncset.done $0x0  }
0x35: {  	[sflag:s6] =	ssyncadd.s32 $0xFFFFD800  }
0x36: {  	[spmem:s18] =	stream.linear.scatter [tilespmem:s3], [sflag:$0x4], $0x2800, $0x38;
	[tilespmem:$0x1E200] =	vst v63  }
0x37: {  	_ =	swait.ge [sflag:s6], $0x2800  }
0x38: {  	[sflag:s6] =	ssyncset.done $0x0  }
0x39: {  	s22 =	rddreg [dreg:$0x4];
	[sflag:s6] =	ssyncadd.s32 $0xFFFFD800  }
0x3a: {  	[spmem:s22] =	stream.linear.scatter [tilespmem:s3], [sflag:$0x4], $0x2800, $0x38;
	[tilespmem:$0x1E200] =	vst v63  }
0x3b: {  	_ =	swait.ge [sflag:s6], $0x2800  }
0x3c: {  	[sflag:s6] =	ssyncset.done $0x0  }
0x3d: {  	s23 =	rddreg [dreg:$0x5];
	[sflag:s6] =	ssyncadd.s32 $0xFFFFD800  }
0x3e: {  	[spmem:s23] =	stream.linear.scatter [tilespmem:s3], [sflag:$0x4], $0x2800, $0x38;
	[tilespmem:$0x1E200] =	vst v63  }
0x3f: {  	_ =	swait.ge [sflag:s6], $0x2800  }
0x40: {  	[sflag:s6] =	ssyncset.done $0x0  }
0x41: {  	s24 =	rddreg [dreg:$0xc];
	[sflag:s6] =	ssyncadd.s32 $0xFFFFD800  }
0x42: {  	[spmem:s24] =	stream.linear.scatter [tilespmem:s3], [sflag:$0x4], $0x2800, $0x38;
	[tilespmem:$0x1E200] =	vst v63  }
0x43: {  	_ =	swait.ge [sflag:s6], $0x2800  }
0x44: {  	[sflag:s6] =	ssyncset.done $0x0  }
0x45: {  	s25 =	rddreg [dreg:$0xd];
	[sflag:s6] =	ssyncadd.s32 $0xFFFFD800  }
0x46: {  	[spmem:s25] =	stream.linear.scatter [tilespmem:s3], [sflag:$0x4], $0x2800, $0x38;
	[tilespmem:$0x1E200] =	vst v63  }
0x47: {  	_ =	swait.ge [sflag:s6], $0x2800  }
0x48: {  	[sflag:s6] =	ssyncset.done $0x0  }
0x49: {  	s26 =	rddreg [dreg:$0xe];
	[sflag:s6] =	ssyncadd.s32 $0xFFFFD800  }
0x4a: {  	[spmem:s26] =	stream.linear.scatter [tilespmem:s3], [sflag:$0x4], $0x2800, $0x38;
	[tilespmem:$0x1E200] =	vst v63  }
0x4b: {  	_ =	swait.ge [sflag:s6], $0x2800  }
0x4c: {  	[sflag:s6] =	ssyncset.done $0x0  }
0x4d: {  	s28 =	rddreg [dreg:$0xf];
	[sflag:s6] =	ssyncadd.s32 $0xFFFFD800  }
0x4e: {  	[spmem:s28] =	stream.linear.scatter [tilespmem:s3], [sflag:$0x4], $0x2800, $0x38;
	[tilespmem:$0x1E200] =	vst v63  }
0x4f: {  	_ =	swait.ge [sflag:s6], $0x2800  }
0x50: {  	[sflag:s6] =	ssyncset.done $0x0  }
0x51: {  	s21 =	rddreg [dreg:$0x10];
	[sflag:s6] =	ssyncadd.s32 $0xFFFFD800  }
0x52: {  	[spmem:s21] =	stream.linear.scatter [tilespmem:s3], [sflag:$0x4], $0x2800, $0x38;
	[tilespmem:$0x1E200] =	vst v63  }
0x53: {  	_ =	swait.ge [sflag:s6], $0x2800  }
0x54: {  	[sflag:s6] =	ssyncset.done $0x0  }
0x55: {  	s23 =	stileid.u32;
	s22 =	rddreg [dreg:$0x11];
	[sflag:s6] =	ssyncadd.s32 $0xFFFFD800  }
0x56: {  	[spmem:s22] =	stream.linear.scatter [tilespmem:s3], [sflag:$0x4], $0x2800, $0x38;
	[tilespmem:$0x1E200] =	vst v63  }
0x57: {  	s20 =	sshll.u32 s23, $0x6;
	_ =	swait.ge [sflag:s6], $0x2800  }
0x58: {  	s20 =	sor.u32 $0x1C04, s20;
	s21 =	sshrl.u32 s18, $0x3;
	[sflag:s6] =	ssyncset.done $0x0  }
0x59: {  	s22 =	simm.s32 $0x1;
	s23 =	rddreg [dreg:$0x15];
	[sflag:s6] =	ssyncadd.s32 $0xFFFFD800  }
0x5a: {  	[spmem:s21@s7], [sflag:s20] =	dma.strided [hbm:s23@s8], $0x1400, s22, $0x8   }
0x5b: {  	_ =	swait.ge [sflag:s6], $0x1400  }
0x5c: {  	[sflag:s6] =	ssyncset.done $0x0  }
0x5d: {  	s24 =	rddreg [dreg:$0x12];
	[sflag:s6] =	ssyncadd.s32 $0xFFFFEC00  }
0x5e: {  	[spmem:s0@s7], [sflag:s20] =	dma.strided [hbm:s24@s22], $0x280, s22, $0x1   }
0x5f: {  	_ =	swait.ge [sflag:s6], $0x280  }
0x60: {  	[sflag:s6] =	ssyncset.done $0x0  }
0x61: {  	[sflag:s6] =	ssyncadd.s32 $0xFFFFFD80  }
0x62: {  	[bflag:$0x0] =	sbarrier.arrive $0xFFFF  }
0x63: {  	s21 =	simm.s32 $0x0;
	s25 =	rddreg [dreg:$0x6]  }
0x64: {  	[tilespmem:s21], [sflag:$0x1] =	stream.linear.gather [hbm4b:s25+s21], $0x80, $0x38;
	[tilespmem:$0x1E200] =	vst v63  }
0x65: {  	s26 =	rddreg [dreg:$0x7]  }
0x66: {  	[tilespmem:s9], [sflag:$0x1] =	stream.linear.gather [hbm4b:s26+s21], $0x80, $0x38;
	[tilespmem:$0x1E200] =	vst v63  }
0x67: {  	_ =	swait.ge [sflag:s22], $0x80  }
0x68: {  	[sflag:s22] =	ssyncset.done $0x0  }
0x69: {  	[sflag:s22] =	ssyncadd.s32 $0xFFFFFF80  }
0x6a: {  	_ =	swait.ge [sflag:s22], $0x80  }
0x6b: {  	[sflag:s22] =	ssyncset.done $0x0  }
0x6c: {  	s28 =	rddreg [dreg:$0x8];
	[sflag:s22] =	ssyncadd.s32 $0xFFFFFF80  }
0x6d: {  	[tilespmem:s10], [sflag:$0x1] =	stream.linear.gather [hbm4b:s28+s21], $0x80, $0x38;
	[tilespmem:$0x1E200] =	vst v63  }
0x6e: {  	s24 =	rddreg [dreg:$0x9]  }
0x6f: {  	[tilespmem:s11], [sflag:$0x1] =	stream.linear.gather [hbm4b:s24+s21], $0x80, $0x38;
	[tilespmem:$0x1E200] =	vst v63  }
0x70: {  	_ = 	snop  }
0x71: {  	[tilespmem:s3], [sflag:$0x2] =	stream.indirect.gather [spmem:s2], $0x50, s21, s10, $0xb8;
	[tilespmem:$0x1E200] =	vst v63  }
0x72: {  	_ =	swait.ge [sflag:s12], $0x2800  }
0x73: {  	[sflag:s12] =	ssyncset.done $0x0  }
0x74: {  	[sflag:s12] =	ssyncadd.s32 $0xFFFFD800  }
0x75: {  	[spmem:s1] =	stream.indirect.scatter.add.f32 [tilespmem:s3], [sflag:$0x3], $0x50, s9, s10, $0xb8;
	[tilespmem:$0x1E200] =	vst v63  }
0x76: {  	_ =	swait.ge [sflag:s22], $0x80  }
0x77: {  	[sflag:s22] =	ssyncset.done $0x0  }
0x78: {  	[sflag:s22] =	ssyncadd.s32 $0xFFFFFF80  }
0x79: {  	_ =	swait.ge [sflag:s22], $0x80  }
0x7a: {  	[sflag:s22] =	ssyncset.done $0x0  }
0x7b: {  	s25 =	rddreg [dreg:$0xa];
	[sflag:s22] =	ssyncadd.s32 $0xFFFFFF80  }
0x7c: {  	[tilespmem:s21], [sflag:$0x1] =	stream.linear.gather [hbm4b:s25+s21], $0x80, $0x38;
	[tilespmem:$0x1E200] =	vst v63  }
0x7d: {  	s26 =	rddreg [dreg:$0xb]  }
0x7e: {  	[tilespmem:s9], [sflag:$0x1] =	stream.linear.gather [hbm4b:s26+s21], $0x80, $0x38;
	[tilespmem:$0x1E200] =	vst v63  }
0x7f: {  	_ = 	snop  }
0x80: {  	[tilespmem:s13], [sflag:$0x2] =	stream.indirect.gather [spmem:s2], $0x50, s10, s10, $0xb8;
	[tilespmem:$0x1E200] =	vst v63  }
0x81: {  	_ =	swait.ge [sflag:s12], $0x2800  }
0x82: {  	[sflag:s12] =	ssyncset.done $0x0  }
0x83: {  	[sflag:s12] =	ssyncadd.s32 $0xFFFFD800  }
0x84: {  	[spmem:s1] =	stream.indirect.scatter.add.f32 [tilespmem:s13], [sflag:$0x3], $0x50, s11, s10, $0xb8;
	[tilespmem:$0x1E200] =	vst v63  }
0x85: {  	_ =	swait.ge [sflag:s16], $0x80  }
0x86: {  	[sflag:s16] =	ssyncset.done $0x0  }
0x87: {  	s21 =	simm.s32 $0x2;
	[sflag:s16] =	ssyncadd.s32 $0xFFFFFF80  }
0x88: {  	s22 =	sand.u32 $0x1, s21;
	_ =	swait.ge [sflag:s16], $0x80  }
0x89: {  	s24 =	sshll.u32 s22, $0x7;
	[sflag:s16] =	ssyncset.done $0x0  }
0x8a: {  	s28 =	sadd.s32 $0x0, s15;
	s25 =	sxor.u32 $0x80, s24;
	[sflag:s16] =	ssyncadd.s32 $0xFFFFFF80  }
0x8b: {  	[tilespmem:s25], [sflag:$0x1] =	stream.linear.gather [hbm4b:s28+s4], $0x80, $0x38;
	[tilespmem:$0x1E200] =	vst v63  }
0x8c: {  	s22 =	smul.u32 $0xA000, s22;
	s26 =	sor.u32 $0x100, s25;
	s28 =	sadd.s32 $0x0, s14  }
0x8d: {  	[tilespmem:s26], [sflag:$0x1] =	stream.linear.gather [hbm4b:s28+s4], $0x80, $0x38;
	[tilespmem:$0x1E200] =	vst v63  }
0x8e: {  	_ =	swait.ge [sflag:s17], $0x2800  }
0x8f: {  	p0 =	sne.s32 s29, $0x10;
	s22 =	sshrl.u32 s22, $0x2;
	[sflag:s17] =	ssyncset.done $0x0  }
.Ltmp1:
0x90: {  	s23 =	sor.u32 $0x200, s22;
	[sflag:s17] =	ssyncadd.s32 $0xFFFFD800;
	(pc) =	sbr.rel @!p0 .LBB2_5-.Ltmp1, $4  }
0x91: {  	[tilespmem:s23], [sflag:$0x2] =	stream.indirect.gather [spmem:s2], $0x50, s24, s10, $0xb8;
	[tilespmem:$0x1E200] =	vst v63  }
0x92: {  	_ =	swait.ge [sflag:s12], $0x2800  }
0x93: {  	[sflag:s12] =	ssyncset.done $0x0  }
0x94: {  	s22 =	simm.s32 $0x10;
	s24 =	sor.u32 $0x100, s24;
	[sflag:s12] =	ssyncadd.s32 $0xFFFFD800  }
.LBB2_4:
0x95: {  	[spmem:s1] =	stream.indirect.scatter.add.f32 [tilespmem:s23], [sflag:$0x3], $0x50, s24, s10, $0xb8;
	[tilespmem:$0x1E200] =	vst v63  }
0x96: {  	s23 =	smov.u32 s22;
	s22 =	sadd.s32 $0x10, s22;
	_ =	swait.ge [sflag:s16], $0x80  }
0x97: {  	p0 =	sne.s32 s29, s22;
	[sflag:s16] =	ssyncset.done $0x0  }
0x98: {  	s21 =	sadd.s32 $0x1, s21;
	[sflag:s16] =	ssyncadd.s32 $0xFFFFFF80  }
0x99: {  	s24 =	sand.u32 $0x1, s21;
	_ =	swait.ge [sflag:s16], $0x80  }
0x9a: {  	s26 =	sadd.s32 s23, s15;
	s25 =	sshll.u32 s24, $0x7;
	[sflag:s16] =	ssyncset.done $0x0  }
0x9b: {  	s24 =	smul.u32 $0xA000, s24;
	s28 =	sxor.u32 $0x80, s25;
	[sflag:s16] =	ssyncadd.s32 $0xFFFFFF80  }
0x9c: {  	[tilespmem:s28], [sflag:$0x1] =	stream.linear.gather [hbm4b:s26+s4], $0x80, $0x38;
	[tilespmem:$0x1E200] =	vst v63  }
0x9d: {  	s23 =	sadd.s32 s23, s14;
	s24 =	sshrl.u32 s24, $0x2;
	s26 =	sor.u32 $0x100, s28  }
0x9e: {  	[tilespmem:s26], [sflag:$0x1] =	stream.linear.gather [hbm4b:s23+s4], $0x80, $0x38;
	[tilespmem:$0x1E200] =	vst v63  }
0x9f: {  	_ =	swait.ge [sflag:s17], $0x2800  }
0xa0: {  	[sflag:s17] =	ssyncset.done $0x0  }
.Ltmp2:
0xa1: {  	s23 =	sor.u32 $0x200, s24;
	[sflag:s17] =	ssyncadd.s32 $0xFFFFD800;
	(pc) =	sbr.rel @p0 .LBB2_4-.Ltmp2, $4  }
0xa2: {  	[tilespmem:s23], [sflag:$0x2] =	stream.indirect.gather [spmem:s2], $0x50, s25, s10, $0xb8;
	[tilespmem:$0x1E200] =	vst v63  }
0xa3: {  	_ =	swait.ge [sflag:s12], $0x2800  }
0xa4: {  	[sflag:s12] =	ssyncset.done $0x0  }
0xa5: {  	s24 =	sor.u32 $0x100, s25;
	[sflag:s12] =	ssyncadd.s32 $0xFFFFD800  }
.LBB2_5:
0xa6: {  	[spmem:s1] =	stream.indirect.scatter.add.f32 [tilespmem:s23], [sflag:$0x3], $0x50, s24, s10, $0xb8;
	[tilespmem:$0x1E200] =	vst v63  }
0xa7: {  	_ =	swait.ge [sflag:s16], $0x80  }
0xa8: {  	[sflag:s16] =	ssyncset.done $0x0  }
0xa9: {  	[sflag:s16] =	ssyncadd.s32 $0xFFFFFF80  }
0xaa: {  	s28 =	sxor.u32 $0xFFFFFFFF, s21;
	_ =	swait.ge [sflag:s16], $0x80  }
0xab: {  	s23 =	sand.u32 $0x1, s28;
	[sflag:s16] =	ssyncset.done $0x0;
	s25 =	rddreg [dreg:$0x16]  }
0xac: {  	s24 =	sshll.u32 s23, $0x7;
	[sflag:s16] =	ssyncadd.s32 $0xFFFFFF80;
	p0 =	sge.u32 s21, s25  }
0xad: {  	s21 =	sxor.u32 @!p0 $0x80, s24;
	s25 =	sadd.s32 @!p0 s22, s31;
	s26 =	simm.s32 @!p0 $0x0  }
0xae: {  	[tilespmem:s21], [sflag:$0x1] =	stream.linear.gather @!p0 [hbm4b:s25+s26], $0x80, $0x38;
	[tilespmem:$0x1E200] =	vst v63  }
0xaf: {  	s23 =	smul.u32 $0xA000, s23;
	s22 =	sadd.s32 @!p0 s22, s30;
	s21 =	sor.u32 @!p0 $0x100, s21  }
0xb0: {  	[tilespmem:s21], [sflag:$0x1] =	stream.linear.gather @!p0 [hbm4b:s22+s26], $0x80, $0x38;
	[tilespmem:$0x1E200] =	vst v63  }
0xb1: {  	_ =	swait.ge [sflag:s17], $0x2800  }
0xb2: {  	s21 =	sshrl.u32 s23, $0x2;
	[sflag:s17] =	ssyncset.done $0x0  }
0xb3: {  	s21 =	sor.u32 $0x200, s21;
	[sflag:s17] =	ssyncadd.s32 $0xFFFFD800  }
0xb4: {  	[tilespmem:s21], [sflag:$0x2] =	stream.indirect.gather [spmem:s2], $0x50, s24, s10, $0xb8;
	[tilespmem:$0x1E200] =	vst v63  }
0xb5: {  	_ =	swait.ge [sflag:s12], $0x2800  }
0xb6: {  	[sflag:s12] =	ssyncset.done $0x0  }
0xb7: {  	s24 =	sor.u32 $0x100, s24;
	[sflag:s12] =	ssyncadd.s32 $0xFFFFD800  }
0xb8: {  	[spmem:s1] =	stream.indirect.scatter.add.f32 [tilespmem:s21], [sflag:$0x3], $0x50, s24, s10, $0xb8;
	[tilespmem:$0x1E200] =	vst v63  }
0xb9: {  	_ =	swait.ge [sflag:s17], $0x2800  }
0xba: {  	[sflag:s17] =	ssyncset.done $0x0  }
0xbb: {  	[sflag:s17] =	ssyncadd.s32 $0xFFFFD800  }
0xbc: {  	_ =	swait.ge [sflag:s17], $0x2800  }
0xbd: {  	[sflag:s17] =	ssyncset.done $0x0  }
0xbe: {  	[sflag:s17] =	ssyncadd.s32 $0xFFFFD800  }
0xbf: {  	[bflag:$0x0] =	sbarrier.arrive $0xFFFF  }
0xc0: {  	s25 =	sshrl.u32 s5, $0x3;
	s26 =	rddreg [dreg:$0x13]  }
0xc1: {  	[hbm:s26@s8], [sflag:s20] =	dma.strided [spmem:s25@s7], $0x1900, s16, $0xa   }
0xc2: {  	_ =	swait.ge [sflag:s6], $0x1900  }
0xc3: {  	s19 =	sadd.s32 $0x1, s19;
	s28 =	rddreg [dreg:$0x14]  }
0xc4: {  	p0 =	sne.s32 s19, s28  }
.Ltmp3:
0xc5: {  	_ = 	snop;
	(pc) =	sbr.rel @p0 .LBB2_1-.Ltmp3, $3  }
0xc6: {  	_ =	sdelay $0x1  }
0xc7: {  	[sflag:s6] =	ssyncset.done $0x0  }
0xc8: {  	[sflag:s6] =	ssyncadd.s32 $0xFFFFE700  }
0xc9: {  	_ =	sfence.sel $0x180000  }
0xca: {  	[bflag:$0x0] =	sbarrier.arrive $0xFFFF  }
0xcb: {  	_ =	strace $0x90000047  }
0xcc: {  	s0 =	stileid.u32;
	[bflag:$0x2] =	sbarrier.arrive $0xFFFF  }
0xcd: {  	p0 =	sne.s32 s0, $0x0;
	s0 =	rddreg [dreg:$0x3]  }
0xce: {  	s0 =	sadd.s32 @!p0 $0x100000, s0  }
0xcf: {  	[sflag:s0] =	ssyncadd.tile.s32 @!p0 $0x1;
	_ =	shalt  }
.Lfunc_end2:
_tile_overlayer_lowered:
.L_overlay_start_2:
0xd0: {  	(tag) =	ssettag $0x2  }
0xd1: {  	s0 =	rddreg [dreg:$0x0];
	s2 =	stileid.u32  }
0xd2: {  	s1 =	rddreg [dreg:$0x1];
	p0 =	sne.s32 s2, $0x0  }
0xd3: {  	s3 =	rddreg [dreg:$0x2];
	[bflag:$0x3] =	sbarrier.arrive $0xFFFF;
	s2 =	simm.s32 @!p0 $0x1C04  }
0xd4: {  	[timem:s3], [sflag:s2] =	dma.local @!p0 [hbm:s0], s1  }
0xd5: {  	s0 =	simm.s32 @!p0 $0x4  }
0xd6: {  	_ =	swait.ge @!p0 [sflag:s0], s1  }
0xd7: {  	s1 =	ssub.s32 @!p0 $0x0, s1;
	[sflag:s0] =	ssyncset.done @!p0 $0x0  }
0xd8: {  	[sflag:s0] =	ssyncadd.s32 @!p0 s1  }
0xd9: {  	[bflag:$0x3] =	sbarrier.arrive $0xFFFF  }
0xda: {  	_ =	shalt  }

// kernel: kernel.8.cloned.1.call-start
scs
__scs_entry_jumppad:
0x0: {  	(pc) =	sbr.rel $0x88, $3  }
0x1: {  	(tag) =	ssettag $0x0;
	lr =	simm.s32 $0x1  }
0x2: {  	[smem:$0x3F98] =	sst lr;
	_ =	strace $0xD0000000  }
0x3: {  	_ = 	snop  }
0x4: {  	_ = 	snop  }
0x5: {  	_ = 	snop  }
0x6: {  	_ = 	snop  }
0x7: {  	_ = 	snop  }
__scs_overlays_trampoline_lowered:
0x8: {  	[smem:$0x3FA7] =	sst s0  }
0x9: {  	[smem:$0x3FA8] =	sst s1  }
0xa: {  	[smem:$0x3FA9] =	sst s2  }
0xb: {  	[smem:$0x3FAA] =	sst s3  }
0xc: {  	[smem:$0x3FAB] =	sst s4  }
0xd: {  	[smem:$0x3FAC] =	sst s5  }
0xe: {  	[smem:$0x3FAD] =	sst s6  }
0xf: {  	[smem:$0x3FAE] =	sst s7  }
0x10: {  	[smem:$0x3FAF] =	sst s8  }
0x11: {  	[smem:$0x3FB0] =	sst s9;
	s0 =	simm.s32 @!p0 $0x0  }
0x12: {  	s1 =	sld [smem:$0x3F96];
	s0 =	simm.s32 @p0 $0x1  }
0x13: {  	[smem:$0x3FB1] =	sst s0;
	s0 =	simm.s32 @!p1 $0x0  }
0x14: {  	s2 =	sld [smem:$0x3F95];
	s0 =	simm.s32 @p1 $0x1  }
0x15: {  	[smem:$0x3FB2] =	sst s0;
	s0 =	simm.s32 @!p2 $0x0  }
0x16: {  	s3 =	sld [smem:$0x3FDB];
	s0 =	simm.s32 @p2 $0x1  }
0x17: {  	s4 =	simm.s32 $0x1BF5;
	[smem:$0x3FB4] =	sst s0  }
0x18: {  	s0 =	sld [smem:$0x3F97];
	_ =	swait.ge [sflag:s4], $0x0  }
0x19: {  	s7 =	sld [smem:$0x3F98]  }
0x1a: {  	s8 =	sadd.s32 $0xFFFFE003, lr  }
0x1b: {  	s9 =	sadd.s32 $0xFFFFFEF7, lr;
	s5 =	simm.s32 $0xFFFFFFFF;
	p2 =	slt.u32 s8, $0xFFFFF086  }
0x1c: {  	p1 =	slt.u32 s9, $0xF7A;
	s5 =	simm.s32 @!p2 $0x0  }
0x1d: {  	s5 =	simm.s32 @p1 $0x1;
	p0 =	seq.s32 s7, s2  }
0x1e: {  	s7 =	smul.u32 @!p0 $0xF7A, s2;
	p2 =	seq.s32 @!p0 s5, $0x0  }
0x1f: {  	s9 =	smul.u32 $0xF7A, s1;
	s8 =	simm.s32 @!p0 $0x1BF5;
	p2 =	por !p2, p0  }
0x20: {  	[sflag:s8] =	ssyncset.s32 @!p0 $0xFFFFF086;
	s6 =	sadd.s32 @!p0 s3, s7;
	s7 =	simm.s32 @!p0 $0x108  }
0x21: {  	s3 =	sadd.s32 s3, s9;
	s6 =	sadd.s32 @!p0 $0x88, s6;
	s7 =	simm.s32 @p2 $0x1082  }
0x22: {  	[simem:s7], [sflag:s8] =	dma.local @!p0 [hbm:s6], $0xF7A  }
0x23: {  	s9 =	sor.u32 $0xD0000000, s2;
	s6 =	simm.s32 $0x108;
	_ =	swait.ge @!p0 [sflag:s8], $0x0  }
0x24: {  	s3 =	sadd.s32 $0x88, s3;
	s6 =	simm.s32 @!p1 $0x1082;
	[sflag:s4] =	ssyncset.s32 $0xFFFFF086  }
0x25: {  	[simem:s6], [sflag:s4] =	dma.local [hbm:s3], $0xF7A  }
0x26: {  	[smem:$0x3F98] =	sst s1;
	(tag) =	ssettag s2;
	_ =	strace s9  }
0x27: {  	s1 =	sld [smem:$0x3FA8]  }
0x28: {  	s2 =	sld [smem:$0x3FA9]  }
0x29: {  	s4 =	sld [smem:$0x3FAB]  }
0x2a: {  	p0 =	seq.s32 s5, $0x0;
	s5 =	sld [smem:$0x3FAC]  }
0x2b: {  	s6 =	sld [smem:$0x3FAD]  }
0x2c: {  	s7 =	sld [smem:$0x3FAE]  }
0x2d: {  	s3 =	simm.s32 $0x108;
	s8 =	sld [smem:$0x3FAF]  }
0x2e: {  	s3 =	simm.s32 @!p0 $0x1082;
	s9 =	sld [smem:$0x3FB0]  }
0x2f: {  	lr =	sadd.s32 s0, s3;
	s0 =	sld [smem:$0x3FA7]  }
0x30: {  	s3 =	sld [smem:$0x3FAA]  }
0x31: {  	[smem:$0x3FB3] =	sst s10  }
0x32: {  	s10 =	sld [smem:$0x3FB1];
	_ =	sdelay $0x3  }
0x33: {  	p0 =	seq.s32 s10, $0x1;
	s10 =	sld [smem:$0x3FB3];
	_ =	sdelay $0x3  }
0x34: {  	[smem:$0x3FB3] =	sst s10  }
0x35: {  	s10 =	sld [smem:$0x3FB2];
	_ =	sdelay $0x3  }
0x36: {  	p1 =	seq.s32 s10, $0x1;
	s10 =	sld [smem:$0x3FB3];
	_ =	sdelay $0x3  }
0x37: {  	[smem:$0x3FB3] =	sst s10  }
0x38: {  	s10 =	sld [smem:$0x3FB4]  }
0x39: {  	_ = 	snop;
	(pc) =	sbr.ind lr, $3  }
0x3a: {  	_ = 	snop  }
0x3b: {  	_ = 	snop  }
0x3c: {  	p2 =	seq.s32 s10, $0x1;
	s10 =	sld [smem:$0x3FB3]  }
0x3d: {  	_ =	shalt  }
0x3e: {  	_ =	shalt  }
0x3f: {  	_ =	shalt  }
0x40: {  	_ =	shalt  }
0x41: {  	_ =	shalt  }
0x42: {  	_ =	shalt  }
0x43: {  	_ =	shalt  }
0x44: {  	_ =	shalt  }
0x45: {  	_ =	shalt  }
0x46: {  	_ =	shalt  }
0x47: {  	_ =	shalt  }
0x48: {  	_ =	shalt  }
0x49: {  	_ =	shalt  }
0x4a: {  	_ =	shalt  }
0x4b: {  	_ =	shalt  }
0x4c: {  	_ =	shalt  }
0x4d: {  	_ =	shalt  }
0x4e: {  	_ =	shalt  }
0x4f: {  	_ =	shalt  }
0x50: {  	_ =	shalt  }
0x51: {  	_ =	shalt  }
0x52: {  	_ =	shalt  }
0x53: {  	_ =	shalt  }
0x54: {  	_ =	shalt  }
0x55: {  	_ =	shalt  }
0x56: {  	_ =	shalt  }
0x57: {  	_ =	shalt  }
0x58: {  	_ =	shalt  }
0x59: {  	_ =	shalt  }
0x5a: {  	_ =	shalt  }
0x5b: {  	_ =	shalt  }
0x5c: {  	_ =	shalt  }
0x5d: {  	_ =	shalt  }
0x5e: {  	_ =	shalt  }
0x5f: {  	_ =	shalt  }
0x60: {  	_ =	shalt  }
0x61: {  	_ =	shalt  }
0x62: {  	_ =	shalt  }
0x63: {  	_ =	shalt  }
0x64: {  	_ =	shalt  }
0x65: {  	_ =	shalt  }
0x66: {  	_ =	shalt  }
0x67: {  	_ =	shalt  }
0x68: {  	_ =	shalt  }
0x69: {  	_ =	shalt  }
0x6a: {  	_ =	shalt  }
0x6b: {  	_ =	shalt  }
0x6c: {  	_ =	shalt  }
0x6d: {  	_ =	shalt  }
0x6e: {  	_ =	shalt  }
0x6f: {  	_ =	shalt  }
0x70: {  	_ =	shalt  }
0x71: {  	_ =	shalt  }
0x72: {  	_ =	shalt  }
0x73: {  	_ =	shalt  }
0x74: {  	_ =	shalt  }
0x75: {  	_ =	shalt  }
0x76: {  	_ =	shalt  }
0x77: {  	_ =	shalt  }
0x78: {  	_ =	shalt  }
0x79: {  	_ =	shalt  }
0x7a: {  	_ =	shalt  }
0x7b: {  	_ =	shalt  }
0x7c: {  	_ =	shalt  }
0x7d: {  	_ =	shalt  }
0x7e: {  	_ =	shalt  }
0x7f: {  	_ =	shalt  }
0x80: {  	_ =	shalt  }
0x81: {  	_ =	shalt  }
0x82: {  	_ =	shalt  }
0x83: {  	_ =	shalt  }
0x84: {  	_ =	shalt  }
0x85: {  	_ =	shalt  }
0x86: {  	_ =	shalt  }
0x87: {  	_ =	shalt  }
.Lfunc_end0:
.L_simem_size_0:
called_computation.1_lowered:
.L_overlay_start_0:
0x88: {  	s2 =	sld [smem:$0x3FD9]  }
0x89: {  	s3 =	sld [smem:$0x3FFE];
	_ =	sdelay $0x1  }
0x8a: {  	s1 =	srdreg.scid  }
0x8b: {  	s0 =	sand.u32 $0x1, s1  }
0x8c: {  	s17 =	sshll.u32 s0, $0xA;
	s2 =	sadd.s32 s3, s2  }
0x8d: {  	s2 =	sadd.s32 s2, s17  }
0x8e: {  	[smem:$0x3FBF] =	sst s2  }
0x8f: {  	_ = 	snop  }
0x90: {  	s2 =	sld [smem:$0x3FD0];
	(tm) =	ssettm $0x1  }
0x91: {  	s18 =	sld [smem:$0x3FFB];
	_ =	sdelay $0x3  }
0x92: {  	_ =	strace s18  }
0x93: {  	s3 =	sld [smem:$0x3FFC];
	_ =	sdelay $0x3  }
0x94: {  	_ =	strace s3  }
0x95: {  	s3 =	sld [smem:$0x3FFD];
	_ =	sdelay $0x3  }
0x96: {  	_ =	strace s3  }
0x97: {  	_ =	strace $0x8FFFFFFF  }
0x98: {  	s19 =	sld [smem:$0x3FDB];
	_ =	sdelay $0x1  }
0x99: {  	s4 =	simm.s32 $_scs_section_size  }
0x9a: {  	s5 =	simm.s32 $_size__tile_overlayer_lowered;
	s6 =	simm.s32 $_tile_overlayer_lowered  }
0x9b: {  	s22 =	simm.s32 $0x1BFF;
	s21 =	sshll.u32 s6, $0x1;
	s3 =	sadd.s32 s4, s19  }
0x9c: {  	s7 =	simm.s32 $0x0;
	s20 =	sshll.u32 s5, $0x1;
	s5 =	sadd.s32 s21, s3  }
0x9d: {  	[timem:s7], [sflag:s22] =	dma.local [hbm:s5], s20  }
0x9e: {  	_ =	swait.ge [sflag:s22], s20  }
0x9f: {  	s4 =	ssub.s32 $0x0, s20;
	[sflag:s22] =	ssyncset.done $0x0  }
0xa0: {  	[sflag:s22] =	ssyncadd.s32 s4;
	_ =	sdelay $0x1  }
0xa1: {  	s23 =	simm.s32 $0x1B8B  }
0xa2: {  	_ =	swait.ge [sflag:s23], $0x1  }
0xa3: {  	[sflag:s23] =	ssyncset.done $0x0  }
0xa4: {  	s25 =	simm.s32 $0x1B8E;
	s24 =	sld [smem:$0x3FFE];
	[sflag:s23] =	ssyncadd.s32 $0xFFFFFFFF  }
0xa5: {  	s26 =	simm.s32 $execute0_lowered;
	[smem:$0x3FD2] =	sst s25  }
0xa6: {  	s5 =	sshll.u32 s26, $0x1;
	_ =	strace $0x80000049;
	[dreg:$0x1] =	wrdreg $0xFFFFFFFF  }
0xa7: {  	s28 =	simm.s32 $_size_execute0_lowered;
	s3 =	sadd.s32 s3, s5;
	[dreg:$0x0] =	wrdreg $0x0  }
0xa8: {  	s5 =	sshll.u32 s28, $0x1;
	[dreg:$0x2] =	wrdreg s3  }
0xa9: {  	[dreg:$0x3] =	wrdreg s5  }
0xaa: {  	[dreg:$0x4] =	wrdreg $0xC0  }
0xab: {  	_ =	task [dreg:s7], $0x5FFFF  }
0xac: {  	[dreg:$0x1] =	wrdreg $0xFFFFFFFF  }
0xad: {  	[dreg:$0x0] =	wrdreg $0x60  }
0xae: {  	[dreg:$0x2] =	wrdreg s2  }
0xaf: {  	[dreg:$0x3] =	wrdreg s24  }
0xb0: {  	[dreg:$0x4] =	wrdreg $0xA9000  }
0xb1: {  	[dreg:$0x5] =	wrdreg $0x9  }
0xb2: {  	_ =	task.clear_ibuf [dreg:s7], $0x6FFFF;
	_ =	strace $0x90000049  }
0xb3: {  	s29 =	simm.s32 $0x9;
	_ =	strace $0x8000004B  }
0xb4: {  	_ =	swait.ge [sflag:s29], $0x1  }
0xb5: {  	[sflag:s29] =	ssyncadd.s32 $0xFFFFFFFF  }
0xb6: {  	_ =	strace $0x9000004B  }
0xb7: {  	_ =	sfence  }
0xb8: {  	s30 =	sld [smem:$0x0];
	_ =	sdelay $0x2  }
0xb9: {  	s31 =	sshll.u32 s1, $0xD;
	s1 =	sshrl.u32 s1, $0x2  }
0xba: {  	s3 =	sand.u32 $0x4000, s31;
	s1 =	sadd.s32 s1, s30  }
0xbb: {  	s0 =	sor.u32 s3, s0;
	s1 =	sshll.u32 s1, $0x11  }
0xbc: {  	s0 =	sor.u32 s1, s0  }
0xbd: {  	s0 =	sadd.s32 $0x8F2B, s0  }
0xbe: {  	[sflag:s0] =	ssyncadd.remote.s32 $0x1  }
0xbf: {  	_ =	sfence.sel $0xFFFF  }
0xc0: {  	[dreg:$0x0] =	wrdreg $0xFFFFFFFF;
	(pc) =	sbr.abs _section_cstart, $3  }
0xc1: {  	[dreg:$0x1] =	wrdreg $0xFFFFFFFF  }
0xc2: {  	_ =	task.clear_ibuf [dreg:s7], $0x2FFFF;
	_ =	strace $0x9FFFFFFF  }
0xc3: {  	(tm) =	ssettm $0x7FFFFFFF  }
tec
execute0_lowered:
.L_overlay_start_1:
0x0: {  	(tag) =	ssettag $0x1  }
0x1: {  	s2 =	rddreg [dreg:$0x0]  }
0x2: {  	s7 =	rddreg [dreg:$0x1]  }
0x3: {  	s3 =	rddreg [dreg:$0x2]  }
0x4: {  	s1 =	stileid.u32;
	s0 =	rddreg [dreg:$0x3];
	s4 =	simm.s32 $0x0  }
0x5: {  	s6 =	srdreg.scid;
	s16 =	simm.s32 $0xC;
	s17 =	simm.s32 $0x10  }
0x6: {  	s18 =	simm.s32 $0x60;
	s19 =	simm.s32 $0x4900;
	s20 =	simm.s32 $0x7900  }
0x7: {  	s21 =	simm.s32 $0x1900;
	s22 =	simm.s32 $0x80;
	s23 =	simm.s32 $0x2  }
0x8: {  	s24 =	simm.s32 $0x0;
	s5 =	smul.u32 $0x2800, s1;
	[smem:$0x7FF] =	sst s4  }
0x9: {  	s8 =	sand.u32 $0x1, s6;
	s6 =	sadd.s32 $0x51E00, s7;
	s12 =	sshll.u32 s1, $0x1  }
0xa: {  	p0 =	slt.u32 s1, $0x8;
	s30 =	smul.u32 $0x3C000, s1;
	s31 =	sshll.u32 s1, $0x6  }
0xb: {  	_ =	strace $0x8000004A;
	s9 =	ssub.s32 $0x2, s8;
	s29 =	sor.u32 s8, s12  }
0xc: {  	s8 =	simm.s32 $0x3;
	s11 =	sadd.s32 s5, s7;
	s5 =	sadd.s32 $0x29E00, s7  }
0xd: {  	s7 =	sadd.s32 $0x79E00, s7;
	s10 =	sshrl.u32 s9, $0x1;
	s14 =	sshll.u32 s29, $0x1  }
0xe: {  	s12 =	sshrl.u32 s30, $0x2;
	s13 =	ssub.s32 s9, s10;
	s9 =	simm.s32 $0x3  }
0xf: {  	s10 =	smin.u32 s29, $0x10;
	s15 =	sadd.s32 s12, s3;
	s11 =	sadd.s32 $0x1E00, s11  }
0x10: {  	s12 =	sor.u32 $0x1C03, s31;
	s9 =	simm.s32 @!p0 $0x2;
	s10 =	sadd.s32 s10, s14  }
0x11: {  	s13 =	smax.u32 s13, $0x1;
	s14 =	sshrl.u32 s15, $0x3;
	s15 =	simm.s32 $0x1  }
.LBB2_1:
0x12: {  	[spmem:s14@s16], [sflag:s12] =	dma.strided [hbm:s11@s17], $0x1E00, s15, $0xc   }
0x13: {  	_ =	swait.ge [sflag:s8], $0x1E00  }
0x14: {  	[sflag:s8] =	ssyncset.done $0x0  }
0x15: {  	[sflag:s8] =	ssyncadd.s32 $0xFFFFE200  }
0x16: {  	s25 =	simm.s32 $0x0;
	[bflag:$0x0] =	sbarrier.arrive $0xFFFF  }
.LBB2_2:
0x17: {  	s26 =	sadd.s32 s25, s10  }
0x18: {  	s28 =	smul.u32 $0x380, s26;
	_ =	sdelay $0x1  }
0x19: {  	s28 =	sadd.s32 s2, s28  }
0x1a: {  	[tilespmem:s4], [sflag:$0x3] =	stream.linear.gather [hbm4b:s28+s4], $0x1900, $0x38;
	[tilespmem:$0x19900] =	vst v63  }
0x1b: {  	s28 =	sshll.u32 s26, $0xB;
	_ =	swait.ge [sflag:s8], $0x1900  }
0x1c: {  	s29 =	sand.u32 $0x1FFFF800, s28;
	[sflag:s8] =	ssyncset.done $0x0  }
0x1d: {  	s28 =	simm.s32 $0x80;
	s30 =	sadd.s32 s5, s29;
	[sflag:s8] =	ssyncadd.s32 $0xFFFFE700  }
0x1e: {  	[tilespmem:s19], [sflag:$0x2] =	stream.strided.gather [hbm4b:s30+s18], $0x3000, s28, s18, $0x38;
	[tilespmem:$0x19900] =	vst v63  }
0x1f: {  	s29 =	sadd.s32 s6, s29  }
0x20: {  	[tilespmem:s20], [sflag:$0x2] =	stream.strided.gather [hbm4b:s29+s18], $0x3000, s28, s18, $0x38;
	[tilespmem:$0x19900] =	vst v63  }
0x21: {  	s29 =	simm.s32 $0x1  }
0x22: {  	[tilespmem:s21], [sflag:$0x1] =	stream.indirect.gather [spmem:s3], $0x60, s4, s28, $0xb8;
	[tilespmem:$0x19900] =	vst v63  }
0x23: {  	_ =	swait.ge [sflag:s29], $0x3000  }
0x24: {  	p0 =	por $0x1, $0x1;
	[sflag:s29] =	ssyncset.done $0x0  }
0x25: {  	s30 =	simm.s32 @!p0 $0x1;
	[sflag:s29] =	ssyncadd.s32 $0xFFFFD000  }
0x26: {  	[tilespmem:s21], [sflag:$0x1] =	stream.indirect.gather.add.f32 [spmem:s3], $0x60, s28, s22, $0xb8;
	[tilespmem:$0x19900] =	vst v63  }
0x27: {  	_ =	swait.ge @!p0 [sflag:s30], $0x3000  }
0x28: {  	s29 =	simm.s32 $0x2;
	[sflag:s30] =	ssyncset.done @!p0 $0x0  }
.LBB2_3:
0x29: {  	[sflag:s30] =	ssyncadd.s32 @!p0 $0xFFFFD000  }
0x2a: {  	s28 =	sadd.s32 $0x80, s28;
	s30 =	smov.u32 s29;
	s29 =	sadd.s32 $0x1, s29  }
0x2b: {  	p1 =	sne.s32 s29, $0x32  }
0x2c: {  	[tilespmem:s21], [sflag:$0x1] =	stream.indirect.gather.add.f32 [spmem:s3], $0x60, s28, s22, $0xb8;
	[tilespmem:$0x19900] =	vst v63  }
.Ltmp0:
0x2d: {  	_ = 	snop;
	(pc) =	sbr.rel @p1 .LBB2_3-.Ltmp0, $4  }
0x2e: {  	p0 =	slt.u32 s30, $0x9  }
0x2f: {  	s30 =	simm.s32 @!p0 $0x1  }
0x30: {  	_ =	swait.ge @!p0 [sflag:s30], $0x3000  }
0x31: {  	[sflag:s30] =	ssyncset.done @!p0 $0x0  }
0x32: {  	[sflag:s30] =	ssyncadd.s32 @!p0 $0xFFFFD000  }
0x33: {  	_ =	swait.ge [sflag:s15], $0x3000  }
0x34: {  	[sflag:s15] =	ssyncset.done $0x0  }
0x35: {  	[sflag:s15] =	ssyncadd.s32 $0xFFFFD000  }
0x36: {  	_ =	swait.ge [sflag:s15], $0x3000  }
0x37: {  	[sflag:s15] =	ssyncset.done $0x0  }
0x38: {  	[sflag:s15] =	ssyncadd.s32 $0xFFFFD000  }
0x39: {  	_ =	swait.ge [sflag:s15], $0x3000  }
0x3a: {  	[sflag:s15] =	ssyncset.done $0x0  }
0x3b: {  	[sflag:s15] =	ssyncadd.s32 $0xFFFFD000  }
0x3c: {  	_ =	swait.ge [sflag:s15], $0x3000  }
0x3d: {  	[sflag:s15] =	ssyncset.done $0x0  }
0x3e: {  	[sflag:s15] =	ssyncadd.s32 $0xFFFFD000  }
0x3f: {  	_ =	swait.ge [sflag:s15], $0x3000  }
0x40: {  	[sflag:s15] =	ssyncset.done $0x0  }
0x41: {  	[sflag:s15] =	ssyncadd.s32 $0xFFFFD000  }
0x42: {  	_ =	swait.ge [sflag:s15], $0x3000  }
0x43: {  	[sflag:s15] =	ssyncset.done $0x0  }
0x44: {  	[sflag:s15] =	ssyncadd.s32 $0xFFFFD000  }
0x45: {  	_ =	swait.ge [sflag:s15], $0x3000  }
0x46: {  	[sflag:s15] =	ssyncset.done $0x0  }
0x47: {  	[sflag:s15] =	ssyncadd.s32 $0xFFFFD000  }
0x48: {  	_ =	swait.ge [sflag:s15], $0x3000  }
0x49: {  	[sflag:s15] =	ssyncset.done $0x0  }
0x4a: {  	[sflag:s15] =	ssyncadd.s32 $0xFFFFD000  }
0x4b: {  	_ =	swait.ge [sflag:s23], $0x3000  }
0x4c: {  	[sflag:s23] =	ssyncset.done $0x0  }
0x4d: {  	[sflag:s23] =	ssyncadd.s32 $0xFFFFD000  }
0x4e: {  	_ =	swait.ge [sflag:s23], $0x3000  }
0x4f: {  	[sflag:s23] =	ssyncset.done $0x0  }
0x50: {  	s28 =	simm.s32 $0x50;
	[sflag:s23] =	ssyncadd.s32 $0xFFFFD000  }
0x51: {  	v3 =	vld [tilespmem:s28+$0x48B0]  }
0x52: {  	v2 =	vld [tilespmem:s28+$0x48C0]  }
0x53: {  	v1 =	vld [tilespmem:s28+$0x48D0]  }
0x54: {  	v0 =	vld [tilespmem:s28+$0x48E0]  }
0x55: {  	v8 =	vld [tilespmem:s28+$0x78B0]  }
0x56: {  	v9 =	vld [tilespmem:s28+$0x78C0]  }
0x57: {  	v7 =	vld [tilespmem:s28+$0x78D0]  }
0x58: {  	v6 =	vld [tilespmem:s28+$0x78E0]  }
0x59: {  	v5 =	vld [tilespmem:s28+$0x78F0]  }
0x5a: {  	v4 =	vld [tilespmem:s28+$0x7900]  }
0x5b: {  	v14 =	vld [tilespmem:s28+$0x18B0]  }
0x5c: {  	v13 =	vld [tilespmem:s28+$0x18C0]  }
0x5d: {  	v12 =	vld [tilespmem:s28+$0x18D0]  }
0x5e: {  	v11 =	vld [tilespmem:s28+$0x18E0]  }
0x5f: {  	s29 =	simm.s32 $0x2C0;
	v10 =	vld [tilespmem:s28+$0x18F0]  }
.LBB2_5:
0x60: {  	p0 =	sne.s32 s29, $0xBFC0;
	v8 =	vmul.f32 v8, v14;
	v14 =	vld [tilespmem:s28+$0x1900]  }
0x61: {  	v9 =	vmul.f32 v9, v13;
	v13 =	vld [tilespmem:s28+$0x48F0]  }
0x62: {  	s30 =	sshra.s32 s29, $0x2;
	v8 =	vadd.f32 v8, v3;
	v7 =	vmul.f32 v7, v12;
	v12 =	vld [tilespmem:s28+$0x4900]  }
0x63: {  	v3 =	vld [tilespmem:s30+$0x48B0];
	v9 =	vadd.f32 v9, v2;
	v6 =	vmul.f32 v6, v11  }
0x64: {  	v2 =	vld [tilespmem:s30+$0x48C0];
	[tilespmem:s28+$0x18B0] =	vst v8;
	v7 =	vadd.f32 v7, v1;
	v5 =	vmul.f32 v5, v10  }
0x65: {  	v1 =	vld [tilespmem:s30+$0x48D0];
	[tilespmem:s28+$0x18C0] =	vst v9;
	v6 =	vadd.f32 v6, v0;
	v4 =	vmul.f32 v4, v14  }
0x66: {  	v0 =	vld [tilespmem:s30+$0x48E0];
	[tilespmem:s28+$0x18D0] =	vst v7;
	v5 =	vadd.f32 v5, v13  }
0x67: {  	v8 =	vld [tilespmem:s30+$0x78B0];
	[tilespmem:s28+$0x18E0] =	vst v6;
	v4 =	vadd.f32 v4, v12  }
0x68: {  	v9 =	vld [tilespmem:s30+$0x78C0];
	[tilespmem:s28+$0x18F0] =	vst v5  }
0x69: {  	v7 =	vld [tilespmem:s30+$0x78D0];
	[tilespmem:s28+$0x1900] =	vst v4;
	s28 =	smov.u32 s30  }
0x6a: {  	v6 =	vld [tilespmem:s28+$0x78E0]  }
0x6b: {  	v5 =	vld [tilespmem:s28+$0x78F0]  }
0x6c: {  	v4 =	vld [tilespmem:s28+$0x7900]  }
.Ltmp1:
0x6d: {  	v14 =	vld [tilespmem:s28+$0x18B0];
	(pc) =	sbr.rel @p0 .LBB2_5-.Ltmp1, $4  }
0x6e: {  	v13 =	vld [tilespmem:s28+$0x18C0]  }
0x6f: {  	v12 =	vld [tilespmem:s28+$0x18D0]  }
0x70: {  	v11 =	vld [tilespmem:s28+$0x18E0]  }
0x71: {  	s29 =	sadd.s32 $0x180, s29;
	v10 =	vld [tilespmem:s28+$0x18F0]  }
0x72: {  	v8 =	vmul.f32 v8, v14;
	v57 =	vld [tilespmem:s28+$0x1900]  }
0x73: {  	v58 =	vld [tilespmem:s28+$0x48F0];
	v9 =	vmul.f32 v9, v13  }
0x74: {  	v59 =	vld [tilespmem:s28+$0x4900];
	v3 =	vadd.f32 v8, v3;
	v7 =	vmul.f32 v7, v12  }
0x75: {  	v2 =	vadd.f32 v9, v2;
	v6 =	vmul.f32 v6, v11  }
0x76: {  	[tilespmem:s28+$0x18B0] =	vst v3;
	v1 =	vadd.f32 v7, v1;
	v60 =	vmul.f32 v5, v10  }
0x77: {  	[tilespmem:s28+$0x18C0] =	vst v2;
	v0 =	vadd.f32 v6, v0;
	v61 =	vmul.f32 v4, v57  }
0x78: {  	[tilespmem:s28+$0x18D0] =	vst v1;
	v62 =	vadd.f32 v60, v58  }
0x79: {  	s26 =	smul.u32 $0x600, s26;
	s25 =	sadd.s32 $0x1, s25;
	[tilespmem:s28+$0x18E0] =	vst v0;
	v63 =	vadd.f32 v61, v59  }
0x7a: {  	p0 =	sne.s32 s25, s9;
	[tilespmem:s28+$0x18F0] =	vst v62  }
.Ltmp2:
0x7b: {  	s26 =	sadd.s32 s7, s26;
	[tilespmem:s28+$0x1900] =	vst v63;
	(pc) =	sbr.rel @p0 .LBB2_2-.Ltmp2, $4  }
0x7c: {  	[hbm4b:s26+s4] =	stream.linear.scatter [tilespmem:s21], [sflag:$0x3], $0x3000, $0x38;
	[tilespmem:$0x19900] =	vst v63  }
0x7d: {  	_ =	swait.ge [sflag:s8], $0x3000  }
0x7e: {  	[sflag:s8] =	ssyncset.done $0x0  }
0x7f: {  	[sflag:s8] =	ssyncadd.s32 $0xFFFFD000  }
0x80: {  	s24 =	sadd.s32 $0x1, s24  }
0x81: {  	p0 =	sne.s32 s24, s13  }
.Ltmp3:
0x82: {  	_ = 	snop;
	(pc) =	sbr.rel @p0 .LBB2_1-.Ltmp3, $1  }
0x83: {  	_ =	sdelay $0x3  }
0x84: {  	_ =	sfence.sel $0x180000  }
0x85: {  	[bflag:$0x0] =	sbarrier.arrive $0xFFFF  }
0x86: {  	p0 =	sne.s32 s1, $0x0;
	_ =	strace $0x9000004A  }
0x87: {  	s0 =	sadd.s32 @!p0 $0x100000, s0;
	[bflag:$0x2] =	sbarrier.arrive $0xFFFF  }
0x88: {  	[sflag:s0] =	ssyncadd.tile.s32 @!p0 $0x1;
	_ =	shalt  }
.Lfunc_end2:
_tile_overlayer_lowered:
.L_overlay_start_2:
0x89: {  	(tag) =	ssettag $0x2  }
0x8a: {  	s0 =	rddreg [dreg:$0x0];
	s2 =	stileid.u32  }
0x8b: {  	s1 =	rddreg [dreg:$0x1];
	p0 =	sne.s32 s2, $0x0  }
0x8c: {  	s3 =	rddreg [dreg:$0x2];
	[bflag:$0x3] =	sbarrier.arrive $0xFFFF;
	s2 =	simm.s32 @!p0 $0x1C03  }
0x8d: {  	[timem:s3], [sflag:s2] =	dma.local @!p0 [hbm:s0], s1  }
0x8e: {  	s0 =	simm.s32 @!p0 $0x3  }
0x8f: {  	_ =	swait.ge @!p0 [sflag:s0], s1  }
0x90: {  	s1 =	ssub.s32 @!p0 $0x0, s1;
	[sflag:s0] =	ssyncset.done @!p0 $0x0  }
0x91: {  	[sflag:s0] =	ssyncadd.s32 @!p0 s1  }
0x92: {  	[bflag:$0x3] =	sbarrier.arrive $0xFFFF  }
0x93: {  	_ =	shalt  }

</sc_bundles>
